<compile_context>
chip_gen: v7x
topology: tpu7x:2x2x1
jax: 0.10.2.dev20260603
libtpu: 0.0.44.dev20260713+nightly
codegen_flags: <defaults>
</compile_context>

<pallas_src>
import functools

import jax
import jax.numpy as jnp
from jax import lax
from jax.experimental import pallas as pl
from jax.experimental.pallas import tpu as pltpu
from jax.experimental.pallas import tpu_sc as plsc

_L = 16
_NC = 2
_NS = 16
_LEVELS = ((20, 11, 2048), (10, 10, 1024), (0, 10, 1024))
_NB0 = _LEVELS[0][2]


def _make_sc_kernel(nrows, ncols, k):
    nw = _NC * _NS
    rows_per_worker = nrows // nw
    batches = rows_per_worker // _L
    buf_words = _L * ncols
    mesh = plsc.VectorSubcoreMesh(core_axis_name="c", subcore_axis_name="s")

    @functools.partial(
        pl.kernel,
        out_type=jax.ShapeDtypeStruct((nrows * ncols,), jnp.float32),
        mesh=mesh,
        compiler_params=pltpu.CompilerParams(needs_layout_passes=False),
        scratch_types=[
            pltpu.VMEM((buf_words,), jnp.float32),
            pltpu.VMEM((_NB0 * _L,), jnp.int32),
            pltpu.SemaphoreType.DMA,
            pltpu.SemaphoreType.DMA,
        ],
    )
    def twd(x_hbm, o_hbm, buf, hist, sem, sem_in):
        cid = lax.axis_index("c")
        sid = lax.axis_index("s")
        wid = sid * _NC + cid
        lane = lax.iota(jnp.int32, _L)
        rowbase = lane * ncols
        ones = jnp.full((_L,), 1, jnp.int32)
        kvec = jnp.full((_L,), k, jnp.int32)
        zvec = jnp.zeros((_L,), jnp.int32)

        @plsc.parallel_loop(0, _NB0, unroll=12)
        def zero_init(b):
            hist[pl.ds(b * _L, _L)] = zvec

        wbase = wid * rows_per_worker * ncols
        pltpu.async_copy(x_hbm.at[pl.ds(wbase, buf_words)], buf, sem_in)

        def run_batch(bi, carry):
            base = wbase + bi * _L * ncols
            pltpu.make_async_copy(
                x_hbm.at[pl.ds(wbase, buf_words)], buf, sem_in).wait()

            acc_t = zvec
            k_rem = kvec
            for li, (shift, width, nb) in enumerate(_LEVELS):
                hi = shift + width
                bound = jnp.uint32(1 << hi)
                binmask = (nb - 1) << 4

                if li == 0:

                    @plsc.parallel_loop(0, ncols, unroll=12)
                    def hist_body0(col):
                        v = plsc.load_gather(buf, [rowbase + col])
                        key = (plsc.bitcast(v, jnp.int32)
                               & jnp.int32(0x7FFFFFFF))
                        plsc.store_scatter(
                            buf, [rowbase + col],
                            plsc.bitcast(key, jnp.float32))
                        idx = ((key >> (shift - 4)) & binmask) | lane
                        plsc.addupdate_scatter(hist, [idx], ones)
                else:

                    @plsc.parallel_loop(0, ncols, unroll=12)
                    def hist_body(col, acc_t=acc_t):
                        v = plsc.load_gather(buf, [rowbase + col])
                        key = plsc.bitcast(v, jnp.int32)
                        match = plsc.bitcast(key - acc_t, jnp.uint32) < bound
                        if shift >= 4:
                            kidx = key >> (shift - 4)
                        else:
                            kidx = key << (4 - shift)
                        idx = (kidx & binmask) | lane
                        plsc.addupdate_scatter(hist, [idx], ones, mask=match)

                def scan_body(b, st):
                    acc, bsel, cb4 = st
                    h = hist[pl.ds(b * _L, _L)]
                    hist[pl.ds(b * _L, _L)] = zvec
                    na = acc + h
                    lt = (na <= k_rem).astype(jnp.int32)
                    return (na, bsel + lt, cb4 + h * lt)

                _, bsel, cb4 = plsc.parallel_loop(
                    0, nb, unroll=4, carry=(zvec, zvec, zvec))(scan_body)
                acc_t = acc_t | (bsel << shift)
                k_rem = k_rem - cb4

            copies = []
            for r in range(_L):
                tr = jnp.take_along_axis(
                    acc_t, jnp.full((_L,), r, jnp.int32), axis=0,
                    mode="promise_in_bounds")
                robase = r * ncols

                @plsc.parallel_loop(0, ncols // _L, unroll=12)
                def mask_body(cb, tr=tr, robase=robase):
                    sl = pl.ds(robase + cb * _L, _L)
                    a = buf[sl]
                    key = plsc.bitcast(a, jnp.int32)
                    buf[sl] = jnp.where(key > tr, a, jnp.float32(0.0))

                if r > 0:
                    pb = (r - 1) * ncols
                    copies.append(pltpu.async_copy(
                        buf.at[pl.ds(pb, ncols)],
                        o_hbm.at[pl.ds(base + pb, ncols)], sem))
            pb = (_L - 1) * ncols
            copies.append(pltpu.async_copy(
                buf.at[pl.ds(pb, ncols)],
                o_hbm.at[pl.ds(base + pb, ncols)], sem))
            nbase = base + buf_words
            for r, c in enumerate(copies):
                c.wait()
                rb = r * ncols

                @pl.when(bi < batches - 1)
                def prefetch_row(rb=rb):
                    pltpu.async_copy(
                        x_hbm.at[pl.ds(nbase + rb, ncols)],
                        buf.at[pl.ds(rb, ncols)], sem_in)
            return carry

        lax.fori_loop(0, batches, run_batch, 0)

    return twd


def kernel(input):
    nrows, ncols = input.shape
    k = int(0.5 * ncols)
    out = _make_sc_kernel(nrows, ncols, k)(input.reshape(-1))
    return out.reshape(nrows, ncols)

# --- scband reference (transcript-rebuilt; emitter-appended) ---
"""Pipeline reference for scband-targeted-weight-dropout-29635274342781 (READ-ONLY COPY).

The authoritative reference and input builder live on the scoring server;
editing this copy changes nothing except your own understanding.
"""

import jax, jax.numpy as jnp
import numpy as np

P = 0.5
TP = 0.5

def setup_inputs(seed: int = 0) -> dict:
    key = jax.random.key(seed)
    x = jax.random.normal(key, (4096, 4096), dtype=jnp.float32)
    return {"input": x}

def reference(input):
    initial_shape = input.shape
    x = input.reshape(initial_shape[0], -1)
    x = jnp.abs(x)
    x = x.T  # (F, C)
    idx = int(TP * x.shape[0])
    sorted_x = jnp.sort(x, axis=0)
    thresholds = jnp.broadcast_to(sorted_x[idx][None, :], x.shape)
    mask = jnp.where(x > thresholds,
                     jnp.zeros(x.shape, jnp.float32),
                     jnp.ones(x.shape, jnp.float32))
    noise = jax.random.uniform(jax.random.key(42), x.shape, minval=0.0, maxval=0.1)
    mask_2 = jnp.where(noise > P,
                       jnp.zeros(x.shape, jnp.float32),
                       jnp.ones(x.shape, jnp.float32))
    final_mask = (1 - (mask.astype(jnp.uint8) & mask_2.astype(jnp.uint8))).astype(jnp.float32)
    out_w = x * final_mask
    out_w = out_w.T
    return out_w.reshape(initial_shape)

if __name__ == "__main__":
    import jax
    _d = setup_inputs()
    print(jax.jit(kernel)(*tuple(_d.values())))

</pallas_src>

<mosaic_0001>
#map = affine_map<(d0, d1) -> (0)>
module attributes {stable_mosaic.version = 14 : i64} {
  func.func @twd(%arg0: i32, %arg1: i32, %arg2: memref<16777216xf32, #tpu.memory_space<hbm>>, %arg3: memref<16777216xf32, #tpu.memory_space<hbm>>, %arg4: memref<65536xf32, #tpu.memory_space<vmem>>, %arg5: memref<32768xi32, #tpu.memory_space<vmem>>, %arg6: memref<!tpu.dma_semaphore, #tpu.memory_space<semaphore_mem>>, %arg7: memref<!tpu.dma_semaphore, #tpu.memory_space<semaphore_mem>>) attributes {dimension_semantics = [#tpu.dimension_semantics<core_parallel>, #tpu.dimension_semantics<subcore_parallel>], iteration_bounds = array<i64: 2, 16>, scalar_prefetch = 0 : i64, scratch_operands = 4 : i64, tpu.core_type = #tpu.core_type<sc_vector_subcore>, window_params = [{transform_indices = #map}, {transform_indices = #map}]} {
    %mul3A = arith.constant 2 : i32
    %mul3A_0 = arith.muli %arg1, %mul3A : i32
    %add3A = arith.addi %mul3A_0, %arg0 : i32
    %iota3A = tpu.iota {dimensions = array<i32: 0>} : vector<16xi32>
    %mul3A_1 = arith.constant 4096 : i32
    %mul3A_2 = vector.broadcast %mul3A_1 : i32 to vector<16xi32>
    %mul3A_3 = arith.muli %iota3A, %mul3A_2 : vector<16xi32>
    %broadcast_in_dim3A = arith.constant 1 : i32
    %broadcast_in_dim3A_4 = vector.broadcast %broadcast_in_dim3A : i32 to vector<16xi32>
    %broadcast_in_dim3A_5 = arith.constant 2048 : i32
    %broadcast_in_dim3A_6 = vector.broadcast %broadcast_in_dim3A_5 : i32 to vector<16xi32>
    %broadcast_in_dim3A_7 = arith.constant 0 : i32
    %broadcast_in_dim3A_8 = vector.broadcast %broadcast_in_dim3A_7 : i32 to vector<16xi32>
    %parallel_loop3A = arith.constant 0 : i32
    %parallel_loop3A_9 = arith.constant 2048 : i32
    %parallel_loop3A_10 = arith.constant 1 : i32
    scf.for %parallel_loop3A_21 = %parallel_loop3A to %parallel_loop3A_9 step %parallel_loop3A_10  : i32 {
      %parallel_loop3A_22 = arith.constant 16 : i32
      %parallel_loop3A_23 = arith.muli %parallel_loop3A_21, %parallel_loop3A_22 : i32
      %parallel_loop3A_24 = arith.index_cast %parallel_loop3A_23 : i32 to index
      %parallel_loop3A_25 = tpu.vector_load %arg5[%parallel_loop3A_24] {strides = array<i32>} : memref<32768xi32, #tpu.memory_space<vmem>>, vector<16xi32>,
      tpu.vector_store %arg5[%parallel_loop3A_24], %broadcast_in_dim3A_8 {strides = array<i32>} : memref<32768xi32, #tpu.memory_space<vmem>>, vector<16xi32>,
    } {sc.loop_unroll_factor = 12 : i64, sc.parallel_access}
    %mul3A_11 = arith.constant 128 : i32
    %mul3A_12 = arith.muli %add3A, %mul3A_11 : i32
    %mul3A_13 = arith.constant 4096 : i32
    %mul3A_14 = arith.muli %mul3A_12, %mul3A_13 : i32
    %dma_start3A = tpu.memref_slice %arg2[%mul3A_14] : memref<16777216xf32, #tpu.memory_space<hbm>> -> memref<65536xf32, #tpu.memory_space<hbm>>
    %dma_start3A_15 = tpu.memref_slice %arg2[%mul3A_14] : memref<16777216xf32, #tpu.memory_space<hbm>> -> memref<65536xf32, #tpu.memory_space<hbm>>
    tpu.enqueue_dma source(%dma_start3A_15 : memref<65536xf32, #tpu.memory_space<hbm>>) target(%arg4 : memref<65536xf32, #tpu.memory_space<vmem>>) target_semaphore(%arg7 : memref<!tpu.dma_semaphore, #tpu.memory_space<semaphore_mem>>)
    %scan3A = arith.constant 0 : i32
    %scan3A_16 = arith.constant 0 : i32
    %scan3A_17 = arith.constant 8 : i32
    %scan3A_18 = arith.addi %scan3A_16, %scan3A_17 : i32
    %scan3A_19 = arith.constant 1 : i32
    scf.for %scan3A_21 = %scan3A_16 to %scan3A_18 step %scan3A_19  : i32 {
      %mul3A_22 = arith.constant 16 : i32
      %mul3A_23 = arith.muli %scan3A_21, %mul3A_22 : i32
      %mul3A_24 = arith.constant 4096 : i32
      %mul3A_25 = arith.muli %mul3A_23, %mul3A_24 : i32
      %add3A_26 = arith.addi %mul3A_14, %mul3A_25 : i32
      %dma_wait3A = tpu.memref_slice %arg2[%mul3A_14] : memref<16777216xf32, #tpu.memory_space<hbm>> -> memref<65536xf32, #tpu.memory_space<hbm>>
      %dma_wait3A_27 = tpu.memref_slice %arg2[%mul3A_14] : memref<16777216xf32, #tpu.memory_space<hbm>> -> memref<65536xf32, #tpu.memory_space<hbm>>
      tpu.wait_dma2 semaphore(%arg7 : memref<!tpu.dma_semaphore, #tpu.memory_space<semaphore_mem>>) src(%dma_wait3A_27 : memref<65536xf32, #tpu.memory_space<hbm>>) dst(%arg4 : memref<65536xf32, #tpu.memory_space<vmem>>)
      %parallel_loop3A_28 = arith.constant 0 : i32
      %parallel_loop3A_29 = arith.constant 4096 : i32
      %parallel_loop3A_30 = arith.constant 1 : i32
      scf.for %parallel_loop3A_492 = %parallel_loop3A_28 to %parallel_loop3A_29 step %parallel_loop3A_30  : i32 {
        %parallel_loop3A_493 = vector.broadcast %parallel_loop3A_492 : i32 to vector<16xi32>
        %parallel_loop3A_494 = arith.addi %mul3A_3, %parallel_loop3A_493 : vector<16xi32>
        %parallel_loop3A_495 = tpu.vector_load_idx %arg4[%parallel_loop3A_494] : memref<65536xf32, #tpu.memory_space<vmem>>[vector<16xi32>], vector<16xf32>,
        %parallel_loop3A_496 = vector.bitcast %parallel_loop3A_495 : vector<16xf32> to vector<16xi32>
        %parallel_loop3A_497 = arith.constant 2147483647 : i32
        %parallel_loop3A_498 = vector.broadcast %parallel_loop3A_497 : i32 to vector<16xi32>
        %parallel_loop3A_499 = arith.andi %parallel_loop3A_496, %parallel_loop3A_498 : vector<16xi32>
        %parallel_loop3A_500 = vector.broadcast %parallel_loop3A_492 : i32 to vector<16xi32>
        %parallel_loop3A_501 = arith.addi %mul3A_3, %parallel_loop3A_500 : vector<16xi32>
        %parallel_loop3A_502 = vector.bitcast %parallel_loop3A_499 : vector<16xi32> to vector<16xf32>
        tpu.vector_store_idx %arg4[%parallel_loop3A_501], %parallel_loop3A_502 : memref<65536xf32, #tpu.memory_space<vmem>>[vector<16xi32>], vector<16xf32>,
        %parallel_loop3A_503 = arith.constant 16 : i32
        %parallel_loop3A_504 = vector.broadcast %parallel_loop3A_503 : i32 to vector<16xi32>
        %parallel_loop3A_505 = arith.shrsi %parallel_loop3A_499, %parallel_loop3A_504 : vector<16xi32>
        %parallel_loop3A_506 = arith.constant 32752 : i32
        %parallel_loop3A_507 = vector.broadcast %parallel_loop3A_506 : i32 to vector<16xi32>
        %parallel_loop3A_508 = arith.andi %parallel_loop3A_505, %parallel_loop3A_507 : vector<16xi32>
        %parallel_loop3A_509 = arith.ori %parallel_loop3A_508, %iota3A : vector<16xi32>
        tpu.vector_store_idx %arg5[%parallel_loop3A_509], %broadcast_in_dim3A_4 {add = true} : memref<32768xi32, #tpu.memory_space<vmem>>[vector<16xi32>], vector<16xi32>,
      } {sc.loop_unroll_factor = 12 : i64, sc.parallel_access}
      %parallel_loop3A_31 = arith.constant 0 : i32
      %parallel_loop3A_32 = arith.constant 2048 : i32
      %parallel_loop3A_33 = arith.constant 1 : i32
      %parallel_loop3A_34:3 = scf.for %parallel_loop3A_492 = %parallel_loop3A_31 to %parallel_loop3A_32 step %parallel_loop3A_33 iter_args(%parallel_loop3A_493 = %broadcast_in_dim3A_8, %parallel_loop3A_494 = %broadcast_in_dim3A_8, %parallel_loop3A_495 = %broadcast_in_dim3A_8) -> (vector<16xi32>, vector<16xi32>, vector<16xi32>)  : i32 {
        %parallel_loop3A_496 = arith.constant 16 : i32
        %parallel_loop3A_497 = arith.muli %parallel_loop3A_492, %parallel_loop3A_496 : i32
        %parallel_loop3A_498 = arith.index_cast %parallel_loop3A_497 : i32 to index
        %parallel_loop3A_499 = tpu.vector_load %arg5[%parallel_loop3A_498] {strides = array<i32>} : memref<32768xi32, #tpu.memory_space<vmem>>, vector<16xi32>,
        %parallel_loop3A_500 = arith.constant 16 : i32
        %parallel_loop3A_501 = arith.muli %parallel_loop3A_492, %parallel_loop3A_500 : i32
        %parallel_loop3A_502 = arith.index_cast %parallel_loop3A_501 : i32 to index
        %parallel_loop3A_503 = tpu.vector_load %arg5[%parallel_loop3A_502] {strides = array<i32>} : memref<32768xi32, #tpu.memory_space<vmem>>, vector<16xi32>,
        tpu.vector_store %arg5[%parallel_loop3A_502], %broadcast_in_dim3A_8 {strides = array<i32>} : memref<32768xi32, #tpu.memory_space<vmem>>, vector<16xi32>,
        %parallel_loop3A_504 = arith.addi %parallel_loop3A_493, %parallel_loop3A_499 : vector<16xi32>
        %parallel_loop3A_505 = arith.cmpi sle, %parallel_loop3A_504, %broadcast_in_dim3A_6 : vector<16xi32>
        %parallel_loop3A_506 = arith.extui %parallel_loop3A_505 : vector<16xi1> to vector<16xi32>
        %parallel_loop3A_507 = arith.addi %parallel_loop3A_494, %parallel_loop3A_506 : vector<16xi32>
        %parallel_loop3A_508 = arith.muli %parallel_loop3A_499, %parallel_loop3A_506 : vector<16xi32>
        %parallel_loop3A_509 = arith.addi %parallel_loop3A_495, %parallel_loop3A_508 : vector<16xi32>
        scf.yield %parallel_loop3A_504, %parallel_loop3A_507, %parallel_loop3A_509 : vector<16xi32>, vector<16xi32>, vector<16xi32>
      } {sc.loop_unroll_factor = 4 : i64, sc.parallel_access}
      %shift_left3A = arith.constant 20 : i32
      %shift_left3A_35 = vector.broadcast %shift_left3A : i32 to vector<16xi32>
      %shift_left3A_36 = arith.shli %parallel_loop3A_34#1, %shift_left3A_35 : vector<16xi32>
      %or3A = arith.ori %broadcast_in_dim3A_8, %shift_left3A_36 : vector<16xi32>
      %sub3A = arith.subi %broadcast_in_dim3A_6, %parallel_loop3A_34#2 : vector<16xi32>
      %parallel_loop3A_37 = arith.constant 0 : i32
      %parallel_loop3A_38 = arith.constant 4096 : i32
      %parallel_loop3A_39 = arith.constant 1 : i32
      %parallel_loop3A_40 = arith.constant 1048576 : i32
      scf.for %parallel_loop3A_492 = %parallel_loop3A_37 to %parallel_loop3A_38 step %parallel_loop3A_39  : i32 {
        %parallel_loop3A_493 = vector.broadcast %parallel_loop3A_492 : i32 to vector<16xi32>
        %parallel_loop3A_494 = arith.addi %mul3A_3, %parallel_loop3A_493 : vector<16xi32>
        %parallel_loop3A_495 = tpu.vector_load_idx %arg4[%parallel_loop3A_494] : memref<65536xf32, #tpu.memory_space<vmem>>[vector<16xi32>], vector<16xf32>,
        %parallel_loop3A_496 = vector.bitcast %parallel_loop3A_495 : vector<16xf32> to vector<16xi32>
        %parallel_loop3A_497 = arith.subi %parallel_loop3A_496, %or3A : vector<16xi32>
        %parallel_loop3A_498 = vector.bitcast %parallel_loop3A_497 : vector<16xi32> to vector<16xi32>
        %parallel_loop3A_499 = vector.broadcast %parallel_loop3A_40 : i32 to vector<16xi32>
        %parallel_loop3A_500 = arith.cmpi ult, %parallel_loop3A_498, %parallel_loop3A_499 : vector<16xi32>
        %parallel_loop3A_501 = arith.constant 6 : i32
        %parallel_loop3A_502 = vector.broadcast %parallel_loop3A_501 : i32 to vector<16xi32>
        %parallel_loop3A_503 = arith.shrsi %parallel_loop3A_496, %parallel_loop3A_502 : vector<16xi32>
        %parallel_loop3A_504 = arith.constant 16368 : i32
        %parallel_loop3A_505 = vector.broadcast %parallel_loop3A_504 : i32 to vector<16xi32>
        %parallel_loop3A_506 = arith.andi %parallel_loop3A_503, %parallel_loop3A_505 : vector<16xi32>
        %parallel_loop3A_507 = arith.ori %parallel_loop3A_506, %iota3A : vector<16xi32>
        tpu.vector_store_idx %arg5[%parallel_loop3A_507], %broadcast_in_dim3A_4 masked %parallel_loop3A_500 {add = true} : memref<32768xi32, #tpu.memory_space<vmem>>[vector<16xi32>], vector<16xi32>, vector<16xi1>
      } {sc.loop_unroll_factor = 12 : i64, sc.parallel_access}
      %parallel_loop3A_41 = arith.constant 0 : i32
      %parallel_loop3A_42 = arith.constant 1024 : i32
      %parallel_loop3A_43 = arith.constant 1 : i32
      %parallel_loop3A_44:3 = scf.for %parallel_loop3A_492 = %parallel_loop3A_41 to %parallel_loop3A_42 step %parallel_loop3A_43 iter_args(%parallel_loop3A_493 = %broadcast_in_dim3A_8, %parallel_loop3A_494 = %broadcast_in_dim3A_8, %parallel_loop3A_495 = %broadcast_in_dim3A_8) -> (vector<16xi32>, vector<16xi32>, vector<16xi32>)  : i32 {
        %parallel_loop3A_496 = arith.constant 16 : i32
        %parallel_loop3A_497 = arith.muli %parallel_loop3A_492, %parallel_loop3A_496 : i32
        %parallel_loop3A_498 = arith.index_cast %parallel_loop3A_497 : i32 to index
        %parallel_loop3A_499 = tpu.vector_load %arg5[%parallel_loop3A_498] {strides = array<i32>} : memref<32768xi32, #tpu.memory_space<vmem>>, vector<16xi32>,
        %parallel_loop3A_500 = arith.constant 16 : i32
        %parallel_loop3A_501 = arith.muli %parallel_loop3A_492, %parallel_loop3A_500 : i32
        %parallel_loop3A_502 = arith.index_cast %parallel_loop3A_501 : i32 to index
        %parallel_loop3A_503 = tpu.vector_load %arg5[%parallel_loop3A_502] {strides = array<i32>} : memref<32768xi32, #tpu.memory_space<vmem>>, vector<16xi32>,
        tpu.vector_store %arg5[%parallel_loop3A_502], %broadcast_in_dim3A_8 {strides = array<i32>} : memref<32768xi32, #tpu.memory_space<vmem>>, vector<16xi32>,
        %parallel_loop3A_504 = arith.addi %parallel_loop3A_493, %parallel_loop3A_499 : vector<16xi32>
        %parallel_loop3A_505 = arith.cmpi sle, %parallel_loop3A_504, %sub3A : vector<16xi32>
        %parallel_loop3A_506 = arith.extui %parallel_loop3A_505 : vector<16xi1> to vector<16xi32>
        %parallel_loop3A_507 = arith.addi %parallel_loop3A_494, %parallel_loop3A_506 : vector<16xi32>
        %parallel_loop3A_508 = arith.muli %parallel_loop3A_499, %parallel_loop3A_506 : vector<16xi32>
        %parallel_loop3A_509 = arith.addi %parallel_loop3A_495, %parallel_loop3A_508 : vector<16xi32>
        scf.yield %parallel_loop3A_504, %parallel_loop3A_507, %parallel_loop3A_509 : vector<16xi32>, vector<16xi32>, vector<16xi32>
      } {sc.loop_unroll_factor = 4 : i64, sc.parallel_access}
      %shift_left3A_45 = arith.constant 10 : i32
      %shift_left3A_46 = vector.broadcast %shift_left3A_45 : i32 to vector<16xi32>
      %shift_left3A_47 = arith.shli %parallel_loop3A_44#1, %shift_left3A_46 : vector<16xi32>
      %or3A_48 = arith.ori %or3A, %shift_left3A_47 : vector<16xi32>
      %sub3A_49 = arith.subi %sub3A, %parallel_loop3A_44#2 : vector<16xi32>
      %parallel_loop3A_50 = arith.constant 0 : i32
      %parallel_loop3A_51 = arith.constant 4096 : i32
      %parallel_loop3A_52 = arith.constant 1 : i32
      %parallel_loop3A_53 = arith.constant 1024 : i32
      scf.for %parallel_loop3A_492 = %parallel_loop3A_50 to %parallel_loop3A_51 step %parallel_loop3A_52  : i32 {
        %parallel_loop3A_493 = vector.broadcast %parallel_loop3A_492 : i32 to vector<16xi32>
        %parallel_loop3A_494 = arith.addi %mul3A_3, %parallel_loop3A_493 : vector<16xi32>
        %parallel_loop3A_495 = tpu.vector_load_idx %arg4[%parallel_loop3A_494] : memref<65536xf32, #tpu.memory_space<vmem>>[vector<16xi32>], vector<16xf32>,
        %parallel_loop3A_496 = vector.bitcast %parallel_loop3A_495 : vector<16xf32> to vector<16xi32>
        %parallel_loop3A_497 = arith.subi %parallel_loop3A_496, %or3A_48 : vector<16xi32>
        %parallel_loop3A_498 = vector.bitcast %parallel_loop3A_497 : vector<16xi32> to vector<16xi32>
        %parallel_loop3A_499 = vector.broadcast %parallel_loop3A_53 : i32 to vector<16xi32>
        %parallel_loop3A_500 = arith.cmpi ult, %parallel_loop3A_498, %parallel_loop3A_499 : vector<16xi32>
        %parallel_loop3A_501 = arith.constant 4 : i32
        %parallel_loop3A_502 = vector.broadcast %parallel_loop3A_501 : i32 to vector<16xi32>
        %parallel_loop3A_503 = arith.shli %parallel_loop3A_496, %parallel_loop3A_502 : vector<16xi32>
        %parallel_loop3A_504 = arith.constant 16368 : i32
        %parallel_loop3A_505 = vector.broadcast %parallel_loop3A_504 : i32 to vector<16xi32>
        %parallel_loop3A_506 = arith.andi %parallel_loop3A_503, %parallel_loop3A_505 : vector<16xi32>
        %parallel_loop3A_507 = arith.ori %parallel_loop3A_506, %iota3A : vector<16xi32>
        tpu.vector_store_idx %arg5[%parallel_loop3A_507], %broadcast_in_dim3A_4 masked %parallel_loop3A_500 {add = true} : memref<32768xi32, #tpu.memory_space<vmem>>[vector<16xi32>], vector<16xi32>, vector<16xi1>
      } {sc.loop_unroll_factor = 12 : i64, sc.parallel_access}
      %parallel_loop3A_54 = arith.constant 0 : i32
      %parallel_loop3A_55 = arith.constant 1024 : i32
      %parallel_loop3A_56 = arith.constant 1 : i32
      %parallel_loop3A_57:3 = scf.for %parallel_loop3A_492 = %parallel_loop3A_54 to %parallel_loop3A_55 step %parallel_loop3A_56 iter_args(%parallel_loop3A_493 = %broadcast_in_dim3A_8, %parallel_loop3A_494 = %broadcast_in_dim3A_8, %parallel_loop3A_495 = %broadcast_in_dim3A_8) -> (vector<16xi32>, vector<16xi32>, vector<16xi32>)  : i32 {
        %parallel_loop3A_496 = arith.constant 16 : i32
        %parallel_loop3A_497 = arith.muli %parallel_loop3A_492, %parallel_loop3A_496 : i32
        %parallel_loop3A_498 = arith.index_cast %parallel_loop3A_497 : i32 to index
        %parallel_loop3A_499 = tpu.vector_load %arg5[%parallel_loop3A_498] {strides = array<i32>} : memref<32768xi32, #tpu.memory_space<vmem>>, vector<16xi32>,
        %parallel_loop3A_500 = arith.constant 16 : i32
        %parallel_loop3A_501 = arith.muli %parallel_loop3A_492, %parallel_loop3A_500 : i32
        %parallel_loop3A_502 = arith.index_cast %parallel_loop3A_501 : i32 to index
        %parallel_loop3A_503 = tpu.vector_load %arg5[%parallel_loop3A_502] {strides = array<i32>} : memref<32768xi32, #tpu.memory_space<vmem>>, vector<16xi32>,
        tpu.vector_store %arg5[%parallel_loop3A_502], %broadcast_in_dim3A_8 {strides = array<i32>} : memref<32768xi32, #tpu.memory_space<vmem>>, vector<16xi32>,
        %parallel_loop3A_504 = arith.addi %parallel_loop3A_493, %parallel_loop3A_499 : vector<16xi32>
        %parallel_loop3A_505 = arith.cmpi sle, %parallel_loop3A_504, %sub3A_49 : vector<16xi32>
        %parallel_loop3A_506 = arith.extui %parallel_loop3A_505 : vector<16xi1> to vector<16xi32>
        %parallel_loop3A_507 = arith.addi %parallel_loop3A_494, %parallel_loop3A_506 : vector<16xi32>
        %parallel_loop3A_508 = arith.muli %parallel_loop3A_499, %parallel_loop3A_506 : vector<16xi32>
        %parallel_loop3A_509 = arith.addi %parallel_loop3A_495, %parallel_loop3A_508 : vector<16xi32>
        scf.yield %parallel_loop3A_504, %parallel_loop3A_507, %parallel_loop3A_509 : vector<16xi32>, vector<16xi32>, vector<16xi32>
      } {sc.loop_unroll_factor = 4 : i64, sc.parallel_access}
      %shift_left3A_58 = arith.constant 0 : i32
      %shift_left3A_59 = vector.broadcast %shift_left3A_58 : i32 to vector<16xi32>
      %shift_left3A_60 = arith.shli %parallel_loop3A_57#1, %shift_left3A_59 : vector<16xi32>
      %or3A_61 = arith.ori %or3A_48, %shift_left3A_60 : vector<16xi32>
      %sub3A_62 = arith.subi %sub3A_49, %parallel_loop3A_57#2 : vector<16xi32>
      %broadcast_in_dim3A_63 = arith.constant 0 : i32
      %broadcast_in_dim3A_64 = vector.broadcast %broadcast_in_dim3A_63 : i32 to vector<16xi32>
      %reshape3A = vector.shape_cast %broadcast_in_dim3A_64 : vector<16xi32> to vector<16x1xi32>
      %gather3A = vector.shape_cast %reshape3A : vector<16x1xi32> to vector<16xi32>
      %gather3A_65 = tpu.dynamic_gather %or3A_61[%gather3A] in [0] : vector<16xi32>, vector<16xi32> -> vector<16xi32>
      %parallel_loop3A_66 = arith.constant 0 : i32
      %parallel_loop3A_67 = arith.constant 256 : i32
      %parallel_loop3A_68 = arith.constant 1 : i32
      scf.for %parallel_loop3A_492 = %parallel_loop3A_66 to %parallel_loop3A_67 step %parallel_loop3A_68  : i32 {
        %parallel_loop3A_493 = arith.constant 16 : i32
        %parallel_loop3A_494 = arith.muli %parallel_loop3A_492, %parallel_loop3A_493 : i32
        %parallel_loop3A_495 = arith.constant 0 : i32
        %parallel_loop3A_496 = arith.addi %parallel_loop3A_495, %parallel_loop3A_494 : i32
        %parallel_loop3A_497 = arith.index_cast %parallel_loop3A_496 : i32 to index
        %parallel_loop3A_498 = tpu.vector_load %arg4[%parallel_loop3A_497] {strides = array<i32>} : memref<65536xf32, #tpu.memory_space<vmem>>, vector<16xf32>,
        %parallel_loop3A_499 = vector.bitcast %parallel_loop3A_498 : vector<16xf32> to vector<16xi32>
        %parallel_loop3A_500 = arith.cmpi sgt, %parallel_loop3A_499, %gather3A_65 : vector<16xi32>
        %parallel_loop3A_501 = arith.constant 0.000000e+00 : f32
        %parallel_loop3A_502 = vector.broadcast %parallel_loop3A_501 : f32 to vector<16xf32>
        %parallel_loop3A_503 = arith.select %parallel_loop3A_500, %parallel_loop3A_498, %parallel_loop3A_502 : vector<16xi1>, vector<16xf32>
        %parallel_loop3A_504 = arith.index_cast %parallel_loop3A_496 : i32 to index
        %parallel_loop3A_505 = tpu.vector_load %arg4[%parallel_loop3A_504] {strides = array<i32>} : memref<65536xf32, #tpu.memory_space<vmem>>, vector<16xf32>,
        tpu.vector_store %arg4[%parallel_loop3A_504], %parallel_loop3A_503 {strides = array<i32>} : memref<65536xf32, #tpu.memory_space<vmem>>, vector<16xf32>,
      } {sc.loop_unroll_factor = 12 : i64, sc.parallel_access}
      %broadcast_in_dim3A_69 = arith.constant 1 : i32
      %broadcast_in_dim3A_70 = vector.broadcast %broadcast_in_dim3A_69 : i32 to vector<16xi32>
      %reshape3A_71 = vector.shape_cast %broadcast_in_dim3A_70 : vector<16xi32> to vector<16x1xi32>
      %gather3A_72 = vector.shape_cast %reshape3A_71 : vector<16x1xi32> to vector<16xi32>
      %gather3A_73 = tpu.dynamic_gather %or3A_61[%gather3A_72] in [0] : vector<16xi32>, vector<16xi32> -> vector<16xi32>
      %parallel_loop3A_74 = arith.constant 0 : i32
      %parallel_loop3A_75 = arith.constant 256 : i32
      %parallel_loop3A_76 = arith.constant 1 : i32
      scf.for %parallel_loop3A_492 = %parallel_loop3A_74 to %parallel_loop3A_75 step %parallel_loop3A_76  : i32 {
        %parallel_loop3A_493 = arith.constant 16 : i32
        %parallel_loop3A_494 = arith.muli %parallel_loop3A_492, %parallel_loop3A_493 : i32
        %parallel_loop3A_495 = arith.constant 4096 : i32
        %parallel_loop3A_496 = arith.addi %parallel_loop3A_495, %parallel_loop3A_494 : i32
        %parallel_loop3A_497 = arith.index_cast %parallel_loop3A_496 : i32 to index
        %parallel_loop3A_498 = tpu.vector_load %arg4[%parallel_loop3A_497] {strides = array<i32>} : memref<65536xf32, #tpu.memory_space<vmem>>, vector<16xf32>,
        %parallel_loop3A_499 = vector.bitcast %parallel_loop3A_498 : vector<16xf32> to vector<16xi32>
        %parallel_loop3A_500 = arith.cmpi sgt, %parallel_loop3A_499, %gather3A_73 : vector<16xi32>
        %parallel_loop3A_501 = arith.constant 0.000000e+00 : f32
        %parallel_loop3A_502 = vector.broadcast %parallel_loop3A_501 : f32 to vector<16xf32>
        %parallel_loop3A_503 = arith.select %parallel_loop3A_500, %parallel_loop3A_498, %parallel_loop3A_502 : vector<16xi1>, vector<16xf32>
        %parallel_loop3A_504 = arith.index_cast %parallel_loop3A_496 : i32 to index
        %parallel_loop3A_505 = tpu.vector_load %arg4[%parallel_loop3A_504] {strides = array<i32>} : memref<65536xf32, #tpu.memory_space<vmem>>, vector<16xf32>,
        tpu.vector_store %arg4[%parallel_loop3A_504], %parallel_loop3A_503 {strides = array<i32>} : memref<65536xf32, #tpu.memory_space<vmem>>, vector<16xf32>,
      } {sc.loop_unroll_factor = 12 : i64, sc.parallel_access}
      %add3A_77 = arith.constant 0 : i32
      %add3A_78 = arith.addi %add3A_26, %add3A_77 : i32
      %dma_start3A_79 = arith.constant 0 : i32
      %dma_start3A_80 = tpu.memref_slice %arg4[%dma_start3A_79] : memref<65536xf32, #tpu.memory_space<vmem>> -> memref<4096xf32, #tpu.memory_space<vmem>>
      %dma_start3A_81 = tpu.memref_slice %arg3[%add3A_78] : memref<16777216xf32, #tpu.memory_space<hbm>> -> memref<4096xf32, #tpu.memory_space<hbm>>
      %dma_start3A_82 = tpu.memref_slice %arg3[%add3A_78] : memref<16777216xf32, #tpu.memory_space<hbm>> -> memref<4096xf32, #tpu.memory_space<hbm>>
      %dma_start3A_83 = arith.constant 0 : i32
      %dma_start3A_84 = tpu.memref_slice %arg4[%dma_start3A_83] : memref<65536xf32, #tpu.memory_space<vmem>> -> memref<4096xf32, #tpu.memory_space<vmem>>
      tpu.enqueue_dma source(%dma_start3A_84 : memref<4096xf32, #tpu.memory_space<vmem>>) target(%dma_start3A_82 : memref<4096xf32, #tpu.memory_space<hbm>>) target_semaphore(%arg6 : memref<!tpu.dma_semaphore, #tpu.memory_space<semaphore_mem>>)
      %broadcast_in_dim3A_85 = arith.constant 2 : i32
      %broadcast_in_dim3A_86 = vector.broadcast %broadcast_in_dim3A_85 : i32 to vector<16xi32>
      %reshape3A_87 = vector.shape_cast %broadcast_in_dim3A_86 : vector<16xi32> to vector<16x1xi32>
      %gather3A_88 = vector.shape_cast %reshape3A_87 : vector<16x1xi32> to vector<16xi32>
      %gather3A_89 = tpu.dynamic_gather %or3A_61[%gather3A_88] in [0] : vector<16xi32>, vector<16xi32> -> vector<16xi32>
      %parallel_loop3A_90 = arith.constant 0 : i32
      %parallel_loop3A_91 = arith.constant 256 : i32
      %parallel_loop3A_92 = arith.constant 1 : i32
      scf.for %parallel_loop3A_492 = %parallel_loop3A_90 to %parallel_loop3A_91 step %parallel_loop3A_92  : i32 {
        %parallel_loop3A_493 = arith.constant 16 : i32
        %parallel_loop3A_494 = arith.muli %parallel_loop3A_492, %parallel_loop3A_493 : i32
        %parallel_loop3A_495 = arith.constant 8192 : i32
        %parallel_loop3A_496 = arith.addi %parallel_loop3A_495, %parallel_loop3A_494 : i32
        %parallel_loop3A_497 = arith.index_cast %parallel_loop3A_496 : i32 to index
        %parallel_loop3A_498 = tpu.vector_load %arg4[%parallel_loop3A_497] {strides = array<i32>} : memref<65536xf32, #tpu.memory_space<vmem>>, vector<16xf32>,
        %parallel_loop3A_499 = vector.bitcast %parallel_loop3A_498 : vector<16xf32> to vector<16xi32>
        %parallel_loop3A_500 = arith.cmpi sgt, %parallel_loop3A_499, %gather3A_89 : vector<16xi32>
        %parallel_loop3A_501 = arith.constant 0.000000e+00 : f32
        %parallel_loop3A_502 = vector.broadcast %parallel_loop3A_501 : f32 to vector<16xf32>
        %parallel_loop3A_503 = arith.select %parallel_loop3A_500, %parallel_loop3A_498, %parallel_loop3A_502 : vector<16xi1>, vector<16xf32>
        %parallel_loop3A_504 = arith.index_cast %parallel_loop3A_496 : i32 to index
        %parallel_loop3A_505 = tpu.vector_load %arg4[%parallel_loop3A_504] {strides = array<i32>} : memref<65536xf32, #tpu.memory_space<vmem>>, vector<16xf32>,
        tpu.vector_store %arg4[%parallel_loop3A_504], %parallel_loop3A_503 {strides = array<i32>} : memref<65536xf32, #tpu.memory_space<vmem>>, vector<16xf32>,
      } {sc.loop_unroll_factor = 12 : i64, sc.parallel_access}
      %add3A_93 = arith.constant 4096 : i32
      %add3A_94 = arith.addi %add3A_26, %add3A_93 : i32
      %dma_start3A_95 = arith.constant 4096 : i32
      %dma_start3A_96 = tpu.memref_slice %arg4[%dma_start3A_95] : memref<65536xf32, #tpu.memory_space<vmem>> -> memref<4096xf32, #tpu.memory_space<vmem>>
      %dma_start3A_97 = tpu.memref_slice %arg3[%add3A_94] : memref<16777216xf32, #tpu.memory_space<hbm>> -> memref<4096xf32, #tpu.memory_space<hbm>>
      %dma_start3A_98 = tpu.memref_slice %arg3[%add3A_94] : memref<16777216xf32, #tpu.memory_space<hbm>> -> memref<4096xf32, #tpu.memory_space<hbm>>
      %dma_start3A_99 = arith.constant 4096 : i32
      %dma_start3A_100 = tpu.memref_slice %arg4[%dma_start3A_99] : memref<65536xf32, #tpu.memory_space<vmem>> -> memref<4096xf32, #tpu.memory_space<vmem>>
      tpu.enqueue_dma source(%dma_start3A_100 : memref<4096xf32, #tpu.memory_space<vmem>>) target(%dma_start3A_98 : memref<4096xf32, #tpu.memory_space<hbm>>) target_semaphore(%arg6 : memref<!tpu.dma_semaphore, #tpu.memory_space<semaphore_mem>>)
      %broadcast_in_dim3A_101 = arith.constant 3 : i32
      %broadcast_in_dim3A_102 = vector.broadcast %broadcast_in_dim3A_101 : i32 to vector<16xi32>
      %reshape3A_103 = vector.shape_cast %broadcast_in_dim3A_102 : vector<16xi32> to vector<16x1xi32>
      %gather3A_104 = vector.shape_cast %reshape3A_103 : vector<16x1xi32> to vector<16xi32>
      %gather3A_105 = tpu.dynamic_gather %or3A_61[%gather3A_104] in [0] : vector<16xi32>, vector<16xi32> -> vector<16xi32>
      %parallel_loop3A_106 = arith.constant 0 : i32
      %parallel_loop3A_107 = arith.constant 256 : i32
      %parallel_loop3A_108 = arith.constant 1 : i32
      scf.for %parallel_loop3A_492 = %parallel_loop3A_106 to %parallel_loop3A_107 step %parallel_loop3A_108  : i32 {
        %parallel_loop3A_493 = arith.constant 16 : i32
        %parallel_loop3A_494 = arith.muli %parallel_loop3A_492, %parallel_loop3A_493 : i32
        %parallel_loop3A_495 = arith.constant 12288 : i32
        %parallel_loop3A_496 = arith.addi %parallel_loop3A_495, %parallel_loop3A_494 : i32
        %parallel_loop3A_497 = arith.index_cast %parallel_loop3A_496 : i32 to index
        %parallel_loop3A_498 = tpu.vector_load %arg4[%parallel_loop3A_497] {strides = array<i32>} : memref<65536xf32, #tpu.memory_space<vmem>>, vector<16xf32>,
        %parallel_loop3A_499 = vector.bitcast %parallel_loop3A_498 : vector<16xf32> to vector<16xi32>
        %parallel_loop3A_500 = arith.cmpi sgt, %parallel_loop3A_499, %gather3A_105 : vector<16xi32>
        %parallel_loop3A_501 = arith.constant 0.000000e+00 : f32
        %parallel_loop3A_502 = vector.broadcast %parallel_loop3A_501 : f32 to vector<16xf32>
        %parallel_loop3A_503 = arith.select %parallel_loop3A_500, %parallel_loop3A_498, %parallel_loop3A_502 : vector<16xi1>, vector<16xf32>
        %parallel_loop3A_504 = arith.index_cast %parallel_loop3A_496 : i32 to index
        %parallel_loop3A_505 = tpu.vector_load %arg4[%parallel_loop3A_504] {strides = array<i32>} : memref<65536xf32, #tpu.memory_space<vmem>>, vector<16xf32>,
        tpu.vector_store %arg4[%parallel_loop3A_504], %parallel_loop3A_503 {strides = array<i32>} : memref<65536xf32, #tpu.memory_space<vmem>>, vector<16xf32>,
      } {sc.loop_unroll_factor = 12 : i64, sc.parallel_access}
      %add3A_109 = arith.constant 8192 : i32
      %add3A_110 = arith.addi %add3A_26, %add3A_109 : i32
      %dma_start3A_111 = arith.constant 8192 : i32
      %dma_start3A_112 = tpu.memref_slice %arg4[%dma_start3A_111] : memref<65536xf32, #tpu.memory_space<vmem>> -> memref<4096xf32, #tpu.memory_space<vmem>>
      %dma_start3A_113 = tpu.memref_slice %arg3[%add3A_110] : memref<16777216xf32, #tpu.memory_space<hbm>> -> memref<4096xf32, #tpu.memory_space<hbm>>
      %dma_start3A_114 = tpu.memref_slice %arg3[%add3A_110] : memref<16777216xf32, #tpu.memory_space<hbm>> -> memref<4096xf32, #tpu.memory_space<hbm>>
      %dma_start3A_115 = arith.constant 8192 : i32
      %dma_start3A_116 = tpu.memref_slice %arg4[%dma_start3A_115] : memref<65536xf32, #tpu.memory_space<vmem>> -> memref<4096xf32, #tpu.memory_space<vmem>>
      tpu.enqueue_dma source(%dma_start3A_116 : memref<4096xf32, #tpu.memory_space<vmem>>) target(%dma_start3A_114 : memref<4096xf32, #tpu.memory_space<hbm>>) target_semaphore(%arg6 : memref<!tpu.dma_semaphore, #tpu.memory_space<semaphore_mem>>)
      %broadcast_in_dim3A_117 = arith.constant 4 : i32
      %broadcast_in_dim3A_118 = vector.broadcast %broadcast_in_dim3A_117 : i32 to vector<16xi32>
      %reshape3A_119 = vector.shape_cast %broadcast_in_dim3A_118 : vector<16xi32> to vector<16x1xi32>
      %gather3A_120 = vector.shape_cast %reshape3A_119 : vector<16x1xi32> to vector<16xi32>
      %gather3A_121 = tpu.dynamic_gather %or3A_61[%gather3A_120] in [0] : vector<16xi32>, vector<16xi32> -> vector<16xi32>
      %parallel_loop3A_122 = arith.constant 0 : i32
      %parallel_loop3A_123 = arith.constant 256 : i32
      %parallel_loop3A_124 = arith.constant 1 : i32
      scf.for %parallel_loop3A_492 = %parallel_loop3A_122 to %parallel_loop3A_123 step %parallel_loop3A_124  : i32 {
        %parallel_loop3A_493 = arith.constant 16 : i32
        %parallel_loop3A_494 = arith.muli %parallel_loop3A_492, %parallel_loop3A_493 : i32
        %parallel_loop3A_495 = arith.constant 16384 : i32
        %parallel_loop3A_496 = arith.addi %parallel_loop3A_495, %parallel_loop3A_494 : i32
        %parallel_loop3A_497 = arith.index_cast %parallel_loop3A_496 : i32 to index
        %parallel_loop3A_498 = tpu.vector_load %arg4[%parallel_loop3A_497] {strides = array<i32>} : memref<65536xf32, #tpu.memory_space<vmem>>, vector<16xf32>,
        %parallel_loop3A_499 = vector.bitcast %parallel_loop3A_498 : vector<16xf32> to vector<16xi32>
        %parallel_loop3A_500 = arith.cmpi sgt, %parallel_loop3A_499, %gather3A_121 : vector<16xi32>
        %parallel_loop3A_501 = arith.constant 0.000000e+00 : f32
        %parallel_loop3A_502 = vector.broadcast %parallel_loop3A_501 : f32 to vector<16xf32>
        %parallel_loop3A_503 = arith.select %parallel_loop3A_500, %parallel_loop3A_498, %parallel_loop3A_502 : vector<16xi1>, vector<16xf32>
        %parallel_loop3A_504 = arith.index_cast %parallel_loop3A_496 : i32 to index
        %parallel_loop3A_505 = tpu.vector_load %arg4[%parallel_loop3A_504] {strides = array<i32>} : memref<65536xf32, #tpu.memory_space<vmem>>, vector<16xf32>,
        tpu.vector_store %arg4[%parallel_loop3A_504], %parallel_loop3A_503 {strides = array<i32>} : memref<65536xf32, #tpu.memory_space<vmem>>, vector<16xf32>,
      } {sc.loop_unroll_factor = 12 : i64, sc.parallel_access}
      %add3A_125 = arith.constant 12288 : i32
      %add3A_126 = arith.addi %add3A_26, %add3A_125 : i32
      %dma_start3A_127 = arith.constant 12288 : i32
      %dma_start3A_128 = tpu.memref_slice %arg4[%dma_start3A_127] : memref<65536xf32, #tpu.memory_space<vmem>> -> memref<4096xf32, #tpu.memory_space<vmem>>
      %dma_start3A_129 = tpu.memref_slice %arg3[%add3A_126] : memref<16777216xf32, #tpu.memory_space<hbm>> -> memref<4096xf32, #tpu.memory_space<hbm>>
      %dma_start3A_130 = tpu.memref_slice %arg3[%add3A_126] : memref<16777216xf32, #tpu.memory_space<hbm>> -> memref<4096xf32, #tpu.memory_space<hbm>>
      %dma_start3A_131 = arith.constant 12288 : i32
      %dma_start3A_132 = tpu.memref_slice %arg4[%dma_start3A_131] : memref<65536xf32, #tpu.memory_space<vmem>> -> memref<4096xf32, #tpu.memory_space<vmem>>
      tpu.enqueue_dma source(%dma_start3A_132 : memref<4096xf32, #tpu.memory_space<vmem>>) target(%dma_start3A_130 : memref<4096xf32, #tpu.memory_space<hbm>>) target_semaphore(%arg6 : memref<!tpu.dma_semaphore, #tpu.memory_space<semaphore_mem>>)
      %broadcast_in_dim3A_133 = arith.constant 5 : i32
      %broadcast_in_dim3A_134 = vector.broadcast %broadcast_in_dim3A_133 : i32 to vector<16xi32>
      %reshape3A_135 = vector.shape_cast %broadcast_in_dim3A_134 : vector<16xi32> to vector<16x1xi32>
      %gather3A_136 = vector.shape_cast %reshape3A_135 : vector<16x1xi32> to vector<16xi32>
      %gather3A_137 = tpu.dynamic_gather %or3A_61[%gather3A_136] in [0] : vector<16xi32>, vector<16xi32> -> vector<16xi32>
      %parallel_loop3A_138 = arith.constant 0 : i32
      %parallel_loop3A_139 = arith.constant 256 : i32
      %parallel_loop3A_140 = arith.constant 1 : i32
      scf.for %parallel_loop3A_492 = %parallel_loop3A_138 to %parallel_loop3A_139 step %parallel_loop3A_140  : i32 {
        %parallel_loop3A_493 = arith.constant 16 : i32
        %parallel_loop3A_494 = arith.muli %parallel_loop3A_492, %parallel_loop3A_493 : i32
        %parallel_loop3A_495 = arith.constant 20480 : i32
        %parallel_loop3A_496 = arith.addi %parallel_loop3A_495, %parallel_loop3A_494 : i32
        %parallel_loop3A_497 = arith.index_cast %parallel_loop3A_496 : i32 to index
        %parallel_loop3A_498 = tpu.vector_load %arg4[%parallel_loop3A_497] {strides = array<i32>} : memref<65536xf32, #tpu.memory_space<vmem>>, vector<16xf32>,
        %parallel_loop3A_499 = vector.bitcast %parallel_loop3A_498 : vector<16xf32> to vector<16xi32>
        %parallel_loop3A_500 = arith.cmpi sgt, %parallel_loop3A_499, %gather3A_137 : vector<16xi32>
        %parallel_loop3A_501 = arith.constant 0.000000e+00 : f32
        %parallel_loop3A_502 = vector.broadcast %parallel_loop3A_501 : f32 to vector<16xf32>
        %parallel_loop3A_503 = arith.select %parallel_loop3A_500, %parallel_loop3A_498, %parallel_loop3A_502 : vector<16xi1>, vector<16xf32>
        %parallel_loop3A_504 = arith.index_cast %parallel_loop3A_496 : i32 to index
        %parallel_loop3A_505 = tpu.vector_load %arg4[%parallel_loop3A_504] {strides = array<i32>} : memref<65536xf32, #tpu.memory_space<vmem>>, vector<16xf32>,
        tpu.vector_store %arg4[%parallel_loop3A_504], %parallel_loop3A_503 {strides = array<i32>} : memref<65536xf32, #tpu.memory_space<vmem>>, vector<16xf32>,
      } {sc.loop_unroll_factor = 12 : i64, sc.parallel_access}
      %add3A_141 = arith.constant 16384 : i32
      %add3A_142 = arith.addi %add3A_26, %add3A_141 : i32
      %dma_start3A_143 = arith.constant 16384 : i32
      %dma_start3A_144 = tpu.memref_slice %arg4[%dma_start3A_143] : memref<65536xf32, #tpu.memory_space<vmem>> -> memref<4096xf32, #tpu.memory_space<vmem>>
      %dma_start3A_145 = tpu.memref_slice %arg3[%add3A_142] : memref<16777216xf32, #tpu.memory_space<hbm>> -> memref<4096xf32, #tpu.memory_space<hbm>>
      %dma_start3A_146 = tpu.memref_slice %arg3[%add3A_142] : memref<16777216xf32, #tpu.memory_space<hbm>> -> memref<4096xf32, #tpu.memory_space<hbm>>
      %dma_start3A_147 = arith.constant 16384 : i32
      %dma_start3A_148 = tpu.memref_slice %arg4[%dma_start3A_147] : memref<65536xf32, #tpu.memory_space<vmem>> -> memref<4096xf32, #tpu.memory_space<vmem>>
      tpu.enqueue_dma source(%dma_start3A_148 : memref<4096xf32, #tpu.memory_space<vmem>>) target(%dma_start3A_146 : memref<4096xf32, #tpu.memory_space<hbm>>) target_semaphore(%arg6 : memref<!tpu.dma_semaphore, #tpu.memory_space<semaphore_mem>>)
      %broadcast_in_dim3A_149 = arith.constant 6 : i32
      %broadcast_in_dim3A_150 = vector.broadcast %broadcast_in_dim3A_149 : i32 to vector<16xi32>
      %reshape3A_151 = vector.shape_cast %broadcast_in_dim3A_150 : vector<16xi32> to vector<16x1xi32>
      %gather3A_152 = vector.shape_cast %reshape3A_151 : vector<16x1xi32> to vector<16xi32>
      %gather3A_153 = tpu.dynamic_gather %or3A_61[%gather3A_152] in [0] : vector<16xi32>, vector<16xi32> -> vector<16xi32>
      %parallel_loop3A_154 = arith.constant 0 : i32
      %parallel_loop3A_155 = arith.constant 256 : i32
      %parallel_loop3A_156 = arith.constant 1 : i32
      scf.for %parallel_loop3A_492 = %parallel_loop3A_154 to %parallel_loop3A_155 step %parallel_loop3A_156  : i32 {
        %parallel_loop3A_493 = arith.constant 16 : i32
        %parallel_loop3A_494 = arith.muli %parallel_loop3A_492, %parallel_loop3A_493 : i32
        %parallel_loop3A_495 = arith.constant 24576 : i32
        %parallel_loop3A_496 = arith.addi %parallel_loop3A_495, %parallel_loop3A_494 : i32
        %parallel_loop3A_497 = arith.index_cast %parallel_loop3A_496 : i32 to index
        %parallel_loop3A_498 = tpu.vector_load %arg4[%parallel_loop3A_497] {strides = array<i32>} : memref<65536xf32, #tpu.memory_space<vmem>>, vector<16xf32>,
        %parallel_loop3A_499 = vector.bitcast %parallel_loop3A_498 : vector<16xf32> to vector<16xi32>
        %parallel_loop3A_500 = arith.cmpi sgt, %parallel_loop3A_499, %gather3A_153 : vector<16xi32>
        %parallel_loop3A_501 = arith.constant 0.000000e+00 : f32
        %parallel_loop3A_502 = vector.broadcast %parallel_loop3A_501 : f32 to vector<16xf32>
        %parallel_loop3A_503 = arith.select %parallel_loop3A_500, %parallel_loop3A_498, %parallel_loop3A_502 : vector<16xi1>, vector<16xf32>
        %parallel_loop3A_504 = arith.index_cast %parallel_loop3A_496 : i32 to index
        %parallel_loop3A_505 = tpu.vector_load %arg4[%parallel_loop3A_504] {strides = array<i32>} : memref<65536xf32, #tpu.memory_space<vmem>>, vector<16xf32>,
        tpu.vector_store %arg4[%parallel_loop3A_504], %parallel_loop3A_503 {strides = array<i32>} : memref<65536xf32, #tpu.memory_space<vmem>>, vector<16xf32>,
      } {sc.loop_unroll_factor = 12 : i64, sc.parallel_access}
      %add3A_157 = arith.constant 20480 : i32
      %add3A_158 = arith.addi %add3A_26, %add3A_157 : i32
      %dma_start3A_159 = arith.constant 20480 : i32
      %dma_start3A_160 = tpu.memref_slice %arg4[%dma_start3A_159] : memref<65536xf32, #tpu.memory_space<vmem>> -> memref<4096xf32, #tpu.memory_space<vmem>>
      %dma_start3A_161 = tpu.memref_slice %arg3[%add3A_158] : memref<16777216xf32, #tpu.memory_space<hbm>> -> memref<4096xf32, #tpu.memory_space<hbm>>
      %dma_start3A_162 = tpu.memref_slice %arg3[%add3A_158] : memref<16777216xf32, #tpu.memory_space<hbm>> -> memref<4096xf32, #tpu.memory_space<hbm>>
      %dma_start3A_163 = arith.constant 20480 : i32
      %dma_start3A_164 = tpu.memref_slice %arg4[%dma_start3A_163] : memref<65536xf32, #tpu.memory_space<vmem>> -> memref<4096xf32, #tpu.memory_space<vmem>>
      tpu.enqueue_dma source(%dma_start3A_164 : memref<4096xf32, #tpu.memory_space<vmem>>) target(%dma_start3A_162 : memref<4096xf32, #tpu.memory_space<hbm>>) target_semaphore(%arg6 : memref<!tpu.dma_semaphore, #tpu.memory_space<semaphore_mem>>)
      %broadcast_in_dim3A_165 = arith.constant 7 : i32
      %broadcast_in_dim3A_166 = vector.broadcast %broadcast_in_dim3A_165 : i32 to vector<16xi32>
      %reshape3A_167 = vector.shape_cast %broadcast_in_dim3A_166 : vector<16xi32> to vector<16x1xi32>
      %gather3A_168 = vector.shape_cast %reshape3A_167 : vector<16x1xi32> to vector<16xi32>
      %gather3A_169 = tpu.dynamic_gather %or3A_61[%gather3A_168] in [0] : vector<16xi32>, vector<16xi32> -> vector<16xi32>
      %parallel_loop3A_170 = arith.constant 0 : i32
      %parallel_loop3A_171 = arith.constant 256 : i32
      %parallel_loop3A_172 = arith.constant 1 : i32
      scf.for %parallel_loop3A_492 = %parallel_loop3A_170 to %parallel_loop3A_171 step %parallel_loop3A_172  : i32 {
        %parallel_loop3A_493 = arith.constant 16 : i32
        %parallel_loop3A_494 = arith.muli %parallel_loop3A_492, %parallel_loop3A_493 : i32
        %parallel_loop3A_495 = arith.constant 28672 : i32
        %parallel_loop3A_496 = arith.addi %parallel_loop3A_495, %parallel_loop3A_494 : i32
        %parallel_loop3A_497 = arith.index_cast %parallel_loop3A_496 : i32 to index
        %parallel_loop3A_498 = tpu.vector_load %arg4[%parallel_loop3A_497] {strides = array<i32>} : memref<65536xf32, #tpu.memory_space<vmem>>, vector<16xf32>,
        %parallel_loop3A_499 = vector.bitcast %parallel_loop3A_498 : vector<16xf32> to vector<16xi32>
        %parallel_loop3A_500 = arith.cmpi sgt, %parallel_loop3A_499, %gather3A_169 : vector<16xi32>
        %parallel_loop3A_501 = arith.constant 0.000000e+00 : f32
        %parallel_loop3A_502 = vector.broadcast %parallel_loop3A_501 : f32 to vector<16xf32>
        %parallel_loop3A_503 = arith.select %parallel_loop3A_500, %parallel_loop3A_498, %parallel_loop3A_502 : vector<16xi1>, vector<16xf32>
        %parallel_loop3A_504 = arith.index_cast %parallel_loop3A_496 : i32 to index
        %parallel_loop3A_505 = tpu.vector_load %arg4[%parallel_loop3A_504] {strides = array<i32>} : memref<65536xf32, #tpu.memory_space<vmem>>, vector<16xf32>,
        tpu.vector_store %arg4[%parallel_loop3A_504], %parallel_loop3A_503 {strides = array<i32>} : memref<65536xf32, #tpu.memory_space<vmem>>, vector<16xf32>,
      } {sc.loop_unroll_factor = 12 : i64, sc.parallel_access}
      %add3A_173 = arith.constant 24576 : i32
      %add3A_174 = arith.addi %add3A_26, %add3A_173 : i32
      %dma_start3A_175 = arith.constant 24576 : i32
      %dma_start3A_176 = tpu.memref_slice %arg4[%dma_start3A_175] : memref<65536xf32, #tpu.memory_space<vmem>> -> memref<4096xf32, #tpu.memory_space<vmem>>
      %dma_start3A_177 = tpu.memref_slice %arg3[%add3A_174] : memref<16777216xf32, #tpu.memory_space<hbm>> -> memref<4096xf32, #tpu.memory_space<hbm>>
      %dma_start3A_178 = tpu.memref_slice %arg3[%add3A_174] : memref<16777216xf32, #tpu.memory_space<hbm>> -> memref<4096xf32, #tpu.memory_space<hbm>>
      %dma_start3A_179 = arith.constant 24576 : i32
      %dma_start3A_180 = tpu.memref_slice %arg4[%dma_start3A_179] : memref<65536xf32, #tpu.memory_space<vmem>> -> memref<4096xf32, #tpu.memory_space<vmem>>
      tpu.enqueue_dma source(%dma_start3A_180 : memref<4096xf32, #tpu.memory_space<vmem>>) target(%dma_start3A_178 : memref<4096xf32, #tpu.memory_space<hbm>>) target_semaphore(%arg6 : memref<!tpu.dma_semaphore, #tpu.memory_space<semaphore_mem>>)
      %broadcast_in_dim3A_181 = arith.constant 8 : i32
      %broadcast_in_dim3A_182 = vector.broadcast %broadcast_in_dim3A_181 : i32 to vector<16xi32>
      %reshape3A_183 = vector.shape_cast %broadcast_in_dim3A_182 : vector<16xi32> to vector<16x1xi32>
      %gather3A_184 = vector.shape_cast %reshape3A_183 : vector<16x1xi32> to vector<16xi32>
      %gather3A_185 = tpu.dynamic_gather %or3A_61[%gather3A_184] in [0] : vector<16xi32>, vector<16xi32> -> vector<16xi32>
      %parallel_loop3A_186 = arith.constant 0 : i32
      %parallel_loop3A_187 = arith.constant 256 : i32
      %parallel_loop3A_188 = arith.constant 1 : i32
      scf.for %parallel_loop3A_492 = %parallel_loop3A_186 to %parallel_loop3A_187 step %parallel_loop3A_188  : i32 {
        %parallel_loop3A_493 = arith.constant 16 : i32
        %parallel_loop3A_494 = arith.muli %parallel_loop3A_492, %parallel_loop3A_493 : i32
        %parallel_loop3A_495 = arith.constant 32768 : i32
        %parallel_loop3A_496 = arith.addi %parallel_loop3A_495, %parallel_loop3A_494 : i32
        %parallel_loop3A_497 = arith.index_cast %parallel_loop3A_496 : i32 to index
        %parallel_loop3A_498 = tpu.vector_load %arg4[%parallel_loop3A_497] {strides = array<i32>} : memref<65536xf32, #tpu.memory_space<vmem>>, vector<16xf32>,
        %parallel_loop3A_499 = vector.bitcast %parallel_loop3A_498 : vector<16xf32> to vector<16xi32>
        %parallel_loop3A_500 = arith.cmpi sgt, %parallel_loop3A_499, %gather3A_185 : vector<16xi32>
        %parallel_loop3A_501 = arith.constant 0.000000e+00 : f32
        %parallel_loop3A_502 = vector.broadcast %parallel_loop3A_501 : f32 to vector<16xf32>
        %parallel_loop3A_503 = arith.select %parallel_loop3A_500, %parallel_loop3A_498, %parallel_loop3A_502 : vector<16xi1>, vector<16xf32>
        %parallel_loop3A_504 = arith.index_cast %parallel_loop3A_496 : i32 to index
        %parallel_loop3A_505 = tpu.vector_load %arg4[%parallel_loop3A_504] {strides = array<i32>} : memref<65536xf32, #tpu.memory_space<vmem>>, vector<16xf32>,
        tpu.vector_store %arg4[%parallel_loop3A_504], %parallel_loop3A_503 {strides = array<i32>} : memref<65536xf32, #tpu.memory_space<vmem>>, vector<16xf32>,
      } {sc.loop_unroll_factor = 12 : i64, sc.parallel_access}
      %add3A_189 = arith.constant 28672 : i32
      %add3A_190 = arith.addi %add3A_26, %add3A_189 : i32
      %dma_start3A_191 = arith.constant 28672 : i32
      %dma_start3A_192 = tpu.memref_slice %arg4[%dma_start3A_191] : memref<65536xf32, #tpu.memory_space<vmem>> -> memref<4096xf32, #tpu.memory_space<vmem>>
      %dma_start3A_193 = tpu.memref_slice %arg3[%add3A_190] : memref<16777216xf32, #tpu.memory_space<hbm>> -> memref<4096xf32, #tpu.memory_space<hbm>>
      %dma_start3A_194 = tpu.memref_slice %arg3[%add3A_190] : memref<16777216xf32, #tpu.memory_space<hbm>> -> memref<4096xf32, #tpu.memory_space<hbm>>
      %dma_start3A_195 = arith.constant 28672 : i32
      %dma_start3A_196 = tpu.memref_slice %arg4[%dma_start3A_195] : memref<65536xf32, #tpu.memory_space<vmem>> -> memref<4096xf32, #tpu.memory_space<vmem>>
      tpu.enqueue_dma source(%dma_start3A_196 : memref<4096xf32, #tpu.memory_space<vmem>>) target(%dma_start3A_194 : memref<4096xf32, #tpu.memory_space<hbm>>) target_semaphore(%arg6 : memref<!tpu.dma_semaphore, #tpu.memory_space<semaphore_mem>>)
      %broadcast_in_dim3A_197 = arith.constant 9 : i32
      %broadcast_in_dim3A_198 = vector.broadcast %broadcast_in_dim3A_197 : i32 to vector<16xi32>
      %reshape3A_199 = vector.shape_cast %broadcast_in_dim3A_198 : vector<16xi32> to vector<16x1xi32>
      %gather3A_200 = vector.shape_cast %reshape3A_199 : vector<16x1xi32> to vector<16xi32>
      %gather3A_201 = tpu.dynamic_gather %or3A_61[%gather3A_200] in [0] : vector<16xi32>, vector<16xi32> -> vector<16xi32>
      %parallel_loop3A_202 = arith.constant 0 : i32
      %parallel_loop3A_203 = arith.constant 256 : i32
      %parallel_loop3A_204 = arith.constant 1 : i32
      scf.for %parallel_loop3A_492 = %parallel_loop3A_202 to %parallel_loop3A_203 step %parallel_loop3A_204  : i32 {
        %parallel_loop3A_493 = arith.constant 16 : i32
        %parallel_loop3A_494 = arith.muli %parallel_loop3A_492, %parallel_loop3A_493 : i32
        %parallel_loop3A_495 = arith.constant 36864 : i32
        %parallel_loop3A_496 = arith.addi %parallel_loop3A_495, %parallel_loop3A_494 : i32
        %parallel_loop3A_497 = arith.index_cast %parallel_loop3A_496 : i32 to index
        %parallel_loop3A_498 = tpu.vector_load %arg4[%parallel_loop3A_497] {strides = array<i32>} : memref<65536xf32, #tpu.memory_space<vmem>>, vector<16xf32>,
        %parallel_loop3A_499 = vector.bitcast %parallel_loop3A_498 : vector<16xf32> to vector<16xi32>
        %parallel_loop3A_500 = arith.cmpi sgt, %parallel_loop3A_499, %gather3A_201 : vector<16xi32>
        %parallel_loop3A_501 = arith.constant 0.000000e+00 : f32
        %parallel_loop3A_502 = vector.broadcast %parallel_loop3A_501 : f32 to vector<16xf32>
        %parallel_loop3A_503 = arith.select %parallel_loop3A_500, %parallel_loop3A_498, %parallel_loop3A_502 : vector<16xi1>, vector<16xf32>
        %parallel_loop3A_504 = arith.index_cast %parallel_loop3A_496 : i32 to index
        %parallel_loop3A_505 = tpu.vector_load %arg4[%parallel_loop3A_504] {strides = array<i32>} : memref<65536xf32, #tpu.memory_space<vmem>>, vector<16xf32>,
        tpu.vector_store %arg4[%parallel_loop3A_504], %parallel_loop3A_503 {strides = array<i32>} : memref<65536xf32, #tpu.memory_space<vmem>>, vector<16xf32>,
      } {sc.loop_unroll_factor = 12 : i64, sc.parallel_access}
      %add3A_205 = arith.constant 32768 : i32
      %add3A_206 = arith.addi %add3A_26, %add3A_205 : i32
      %dma_start3A_207 = arith.constant 32768 : i32
      %dma_start3A_208 = tpu.memref_slice %arg4[%dma_start3A_207] : memref<65536xf32, #tpu.memory_space<vmem>> -> memref<4096xf32, #tpu.memory_space<vmem>>
      %dma_start3A_209 = tpu.memref_slice %arg3[%add3A_206] : memref<16777216xf32, #tpu.memory_space<hbm>> -> memref<4096xf32, #tpu.memory_space<hbm>>
      %dma_start3A_210 = tpu.memref_slice %arg3[%add3A_206] : memref<16777216xf32, #tpu.memory_space<hbm>> -> memref<4096xf32, #tpu.memory_space<hbm>>
      %dma_start3A_211 = arith.constant 32768 : i32
      %dma_start3A_212 = tpu.memref_slice %arg4[%dma_start3A_211] : memref<65536xf32, #tpu.memory_space<vmem>> -> memref<4096xf32, #tpu.memory_space<vmem>>
      tpu.enqueue_dma source(%dma_start3A_212 : memref<4096xf32, #tpu.memory_space<vmem>>) target(%dma_start3A_210 : memref<4096xf32, #tpu.memory_space<hbm>>) target_semaphore(%arg6 : memref<!tpu.dma_semaphore, #tpu.memory_space<semaphore_mem>>)
      %broadcast_in_dim3A_213 = arith.constant 10 : i32
      %broadcast_in_dim3A_214 = vector.broadcast %broadcast_in_dim3A_213 : i32 to vector<16xi32>
      %reshape3A_215 = vector.shape_cast %broadcast_in_dim3A_214 : vector<16xi32> to vector<16x1xi32>
      %gather3A_216 = vector.shape_cast %reshape3A_215 : vector<16x1xi32> to vector<16xi32>
      %gather3A_217 = tpu.dynamic_gather %or3A_61[%gather3A_216] in [0] : vector<16xi32>, vector<16xi32> -> vector<16xi32>
      %parallel_loop3A_218 = arith.constant 0 : i32
      %parallel_loop3A_219 = arith.constant 256 : i32
      %parallel_loop3A_220 = arith.constant 1 : i32
      scf.for %parallel_loop3A_492 = %parallel_loop3A_218 to %parallel_loop3A_219 step %parallel_loop3A_220  : i32 {
        %parallel_loop3A_493 = arith.constant 16 : i32
        %parallel_loop3A_494 = arith.muli %parallel_loop3A_492, %parallel_loop3A_493 : i32
        %parallel_loop3A_495 = arith.constant 40960 : i32
        %parallel_loop3A_496 = arith.addi %parallel_loop3A_495, %parallel_loop3A_494 : i32
        %parallel_loop3A_497 = arith.index_cast %parallel_loop3A_496 : i32 to index
        %parallel_loop3A_498 = tpu.vector_load %arg4[%parallel_loop3A_497] {strides = array<i32>} : memref<65536xf32, #tpu.memory_space<vmem>>, vector<16xf32>,
        %parallel_loop3A_499 = vector.bitcast %parallel_loop3A_498 : vector<16xf32> to vector<16xi32>
        %parallel_loop3A_500 = arith.cmpi sgt, %parallel_loop3A_499, %gather3A_217 : vector<16xi32>
        %parallel_loop3A_501 = arith.constant 0.000000e+00 : f32
        %parallel_loop3A_502 = vector.broadcast %parallel_loop3A_501 : f32 to vector<16xf32>
        %parallel_loop3A_503 = arith.select %parallel_loop3A_500, %parallel_loop3A_498, %parallel_loop3A_502 : vector<16xi1>, vector<16xf32>
        %parallel_loop3A_504 = arith.index_cast %parallel_loop3A_496 : i32 to index
        %parallel_loop3A_505 = tpu.vector_load %arg4[%parallel_loop3A_504] {strides = array<i32>} : memref<65536xf32, #tpu.memory_space<vmem>>, vector<16xf32>,
        tpu.vector_store %arg4[%parallel_loop3A_504], %parallel_loop3A_503 {strides = array<i32>} : memref<65536xf32, #tpu.memory_space<vmem>>, vector<16xf32>,
      } {sc.loop_unroll_factor = 12 : i64, sc.parallel_access}
      %add3A_221 = arith.constant 36864 : i32
      %add3A_222 = arith.addi %add3A_26, %add3A_221 : i32
      %dma_start3A_223 = arith.constant 36864 : i32
      %dma_start3A_224 = tpu.memref_slice %arg4[%dma_start3A_223] : memref<65536xf32, #tpu.memory_space<vmem>> -> memref<4096xf32, #tpu.memory_space<vmem>>
      %dma_start3A_225 = tpu.memref_slice %arg3[%add3A_222] : memref<16777216xf32, #tpu.memory_space<hbm>> -> memref<4096xf32, #tpu.memory_space<hbm>>
      %dma_start3A_226 = tpu.memref_slice %arg3[%add3A_222] : memref<16777216xf32, #tpu.memory_space<hbm>> -> memref<4096xf32, #tpu.memory_space<hbm>>
      %dma_start3A_227 = arith.constant 36864 : i32
      %dma_start3A_228 = tpu.memref_slice %arg4[%dma_start3A_227] : memref<65536xf32, #tpu.memory_space<vmem>> -> memref<4096xf32, #tpu.memory_space<vmem>>
      tpu.enqueue_dma source(%dma_start3A_228 : memref<4096xf32, #tpu.memory_space<vmem>>) target(%dma_start3A_226 : memref<4096xf32, #tpu.memory_space<hbm>>) target_semaphore(%arg6 : memref<!tpu.dma_semaphore, #tpu.memory_space<semaphore_mem>>)
      %broadcast_in_dim3A_229 = arith.constant 11 : i32
      %broadcast_in_dim3A_230 = vector.broadcast %broadcast_in_dim3A_229 : i32 to vector<16xi32>
      %reshape3A_231 = vector.shape_cast %broadcast_in_dim3A_230 : vector<16xi32> to vector<16x1xi32>
      %gather3A_232 = vector.shape_cast %reshape3A_231 : vector<16x1xi32> to vector<16xi32>
      %gather3A_233 = tpu.dynamic_gather %or3A_61[%gather3A_232] in [0] : vector<16xi32>, vector<16xi32> -> vector<16xi32>
      %parallel_loop3A_234 = arith.constant 0 : i32
      %parallel_loop3A_235 = arith.constant 256 : i32
      %parallel_loop3A_236 = arith.constant 1 : i32
      scf.for %parallel_loop3A_492 = %parallel_loop3A_234 to %parallel_loop3A_235 step %parallel_loop3A_236  : i32 {
        %parallel_loop3A_493 = arith.constant 16 : i32
        %parallel_loop3A_494 = arith.muli %parallel_loop3A_492, %parallel_loop3A_493 : i32
        %parallel_loop3A_495 = arith.constant 45056 : i32
        %parallel_loop3A_496 = arith.addi %parallel_loop3A_495, %parallel_loop3A_494 : i32
        %parallel_loop3A_497 = arith.index_cast %parallel_loop3A_496 : i32 to index
        %parallel_loop3A_498 = tpu.vector_load %arg4[%parallel_loop3A_497] {strides = array<i32>} : memref<65536xf32, #tpu.memory_space<vmem>>, vector<16xf32>,
        %parallel_loop3A_499 = vector.bitcast %parallel_loop3A_498 : vector<16xf32> to vector<16xi32>
        %parallel_loop3A_500 = arith.cmpi sgt, %parallel_loop3A_499, %gather3A_233 : vector<16xi32>
        %parallel_loop3A_501 = arith.constant 0.000000e+00 : f32
        %parallel_loop3A_502 = vector.broadcast %parallel_loop3A_501 : f32 to vector<16xf32>
        %parallel_loop3A_503 = arith.select %parallel_loop3A_500, %parallel_loop3A_498, %parallel_loop3A_502 : vector<16xi1>, vector<16xf32>
        %parallel_loop3A_504 = arith.index_cast %parallel_loop3A_496 : i32 to index
        %parallel_loop3A_505 = tpu.vector_load %arg4[%parallel_loop3A_504] {strides = array<i32>} : memref<65536xf32, #tpu.memory_space<vmem>>, vector<16xf32>,
        tpu.vector_store %arg4[%parallel_loop3A_504], %parallel_loop3A_503 {strides = array<i32>} : memref<65536xf32, #tpu.memory_space<vmem>>, vector<16xf32>,
      } {sc.loop_unroll_factor = 12 : i64, sc.parallel_access}
      %add3A_237 = arith.constant 40960 : i32
      %add3A_238 = arith.addi %add3A_26, %add3A_237 : i32
      %dma_start3A_239 = arith.constant 40960 : i32
      %dma_start3A_240 = tpu.memref_slice %arg4[%dma_start3A_239] : memref<65536xf32, #tpu.memory_space<vmem>> -> memref<4096xf32, #tpu.memory_space<vmem>>
      %dma_start3A_241 = tpu.memref_slice %arg3[%add3A_238] : memref<16777216xf32, #tpu.memory_space<hbm>> -> memref<4096xf32, #tpu.memory_space<hbm>>
      %dma_start3A_242 = tpu.memref_slice %arg3[%add3A_238] : memref<16777216xf32, #tpu.memory_space<hbm>> -> memref<4096xf32, #tpu.memory_space<hbm>>
      %dma_start3A_243 = arith.constant 40960 : i32
      %dma_start3A_244 = tpu.memref_slice %arg4[%dma_start3A_243] : memref<65536xf32, #tpu.memory_space<vmem>> -> memref<4096xf32, #tpu.memory_space<vmem>>
      tpu.enqueue_dma source(%dma_start3A_244 : memref<4096xf32, #tpu.memory_space<vmem>>) target(%dma_start3A_242 : memref<4096xf32, #tpu.memory_space<hbm>>) target_semaphore(%arg6 : memref<!tpu.dma_semaphore, #tpu.memory_space<semaphore_mem>>)
      %broadcast_in_dim3A_245 = arith.constant 12 : i32
      %broadcast_in_dim3A_246 = vector.broadcast %broadcast_in_dim3A_245 : i32 to vector<16xi32>
      %reshape3A_247 = vector.shape_cast %broadcast_in_dim3A_246 : vector<16xi32> to vector<16x1xi32>
      %gather3A_248 = vector.shape_cast %reshape3A_247 : vector<16x1xi32> to vector<16xi32>
      %gather3A_249 = tpu.dynamic_gather %or3A_61[%gather3A_248] in [0] : vector<16xi32>, vector<16xi32> -> vector<16xi32>
      %parallel_loop3A_250 = arith.constant 0 : i32
      %parallel_loop3A_251 = arith.constant 256 : i32
      %parallel_loop3A_252 = arith.constant 1 : i32
      scf.for %parallel_loop3A_492 = %parallel_loop3A_250 to %parallel_loop3A_251 step %parallel_loop3A_252  : i32 {
        %parallel_loop3A_493 = arith.constant 16 : i32
        %parallel_loop3A_494 = arith.muli %parallel_loop3A_492, %parallel_loop3A_493 : i32
        %parallel_loop3A_495 = arith.constant 49152 : i32
        %parallel_loop3A_496 = arith.addi %parallel_loop3A_495, %parallel_loop3A_494 : i32
        %parallel_loop3A_497 = arith.index_cast %parallel_loop3A_496 : i32 to index
        %parallel_loop3A_498 = tpu.vector_load %arg4[%parallel_loop3A_497] {strides = array<i32>} : memref<65536xf32, #tpu.memory_space<vmem>>, vector<16xf32>,
        %parallel_loop3A_499 = vector.bitcast %parallel_loop3A_498 : vector<16xf32> to vector<16xi32>
        %parallel_loop3A_500 = arith.cmpi sgt, %parallel_loop3A_499, %gather3A_249 : vector<16xi32>
        %parallel_loop3A_501 = arith.constant 0.000000e+00 : f32
        %parallel_loop3A_502 = vector.broadcast %parallel_loop3A_501 : f32 to vector<16xf32>
        %parallel_loop3A_503 = arith.select %parallel_loop3A_500, %parallel_loop3A_498, %parallel_loop3A_502 : vector<16xi1>, vector<16xf32>
        %parallel_loop3A_504 = arith.index_cast %parallel_loop3A_496 : i32 to index
        %parallel_loop3A_505 = tpu.vector_load %arg4[%parallel_loop3A_504] {strides = array<i32>} : memref<65536xf32, #tpu.memory_space<vmem>>, vector<16xf32>,
        tpu.vector_store %arg4[%parallel_loop3A_504], %parallel_loop3A_503 {strides = array<i32>} : memref<65536xf32, #tpu.memory_space<vmem>>, vector<16xf32>,
      } {sc.loop_unroll_factor = 12 : i64, sc.parallel_access}
      %add3A_253 = arith.constant 45056 : i32
      %add3A_254 = arith.addi %add3A_26, %add3A_253 : i32
      %dma_start3A_255 = arith.constant 45056 : i32
      %dma_start3A_256 = tpu.memref_slice %arg4[%dma_start3A_255] : memref<65536xf32, #tpu.memory_space<vmem>> -> memref<4096xf32, #tpu.memory_space<vmem>>
      %dma_start3A_257 = tpu.memref_slice %arg3[%add3A_254] : memref<16777216xf32, #tpu.memory_space<hbm>> -> memref<4096xf32, #tpu.memory_space<hbm>>
      %dma_start3A_258 = tpu.memref_slice %arg3[%add3A_254] : memref<16777216xf32, #tpu.memory_space<hbm>> -> memref<4096xf32, #tpu.memory_space<hbm>>
      %dma_start3A_259 = arith.constant 45056 : i32
      %dma_start3A_260 = tpu.memref_slice %arg4[%dma_start3A_259] : memref<65536xf32, #tpu.memory_space<vmem>> -> memref<4096xf32, #tpu.memory_space<vmem>>
      tpu.enqueue_dma source(%dma_start3A_260 : memref<4096xf32, #tpu.memory_space<vmem>>) target(%dma_start3A_258 : memref<4096xf32, #tpu.memory_space<hbm>>) target_semaphore(%arg6 : memref<!tpu.dma_semaphore, #tpu.memory_space<semaphore_mem>>)
      %broadcast_in_dim3A_261 = arith.constant 13 : i32
      %broadcast_in_dim3A_262 = vector.broadcast %broadcast_in_dim3A_261 : i32 to vector<16xi32>
      %reshape3A_263 = vector.shape_cast %broadcast_in_dim3A_262 : vector<16xi32> to vector<16x1xi32>
      %gather3A_264 = vector.shape_cast %reshape3A_263 : vector<16x1xi32> to vector<16xi32>
      %gather3A_265 = tpu.dynamic_gather %or3A_61[%gather3A_264] in [0] : vector<16xi32>, vector<16xi32> -> vector<16xi32>
      %parallel_loop3A_266 = arith.constant 0 : i32
      %parallel_loop3A_267 = arith.constant 256 : i32
      %parallel_loop3A_268 = arith.constant 1 : i32
      scf.for %parallel_loop3A_492 = %parallel_loop3A_266 to %parallel_loop3A_267 step %parallel_loop3A_268  : i32 {
        %parallel_loop3A_493 = arith.constant 16 : i32
        %parallel_loop3A_494 = arith.muli %parallel_loop3A_492, %parallel_loop3A_493 : i32
        %parallel_loop3A_495 = arith.constant 53248 : i32
        %parallel_loop3A_496 = arith.addi %parallel_loop3A_495, %parallel_loop3A_494 : i32
        %parallel_loop3A_497 = arith.index_cast %parallel_loop3A_496 : i32 to index
        %parallel_loop3A_498 = tpu.vector_load %arg4[%parallel_loop3A_497] {strides = array<i32>} : memref<65536xf32, #tpu.memory_space<vmem>>, vector<16xf32>,
        %parallel_loop3A_499 = vector.bitcast %parallel_loop3A_498 : vector<16xf32> to vector<16xi32>
        %parallel_loop3A_500 = arith.cmpi sgt, %parallel_loop3A_499, %gather3A_265 : vector<16xi32>
        %parallel_loop3A_501 = arith.constant 0.000000e+00 : f32
        %parallel_loop3A_502 = vector.broadcast %parallel_loop3A_501 : f32 to vector<16xf32>
        %parallel_loop3A_503 = arith.select %parallel_loop3A_500, %parallel_loop3A_498, %parallel_loop3A_502 : vector<16xi1>, vector<16xf32>
        %parallel_loop3A_504 = arith.index_cast %parallel_loop3A_496 : i32 to index
        %parallel_loop3A_505 = tpu.vector_load %arg4[%parallel_loop3A_504] {strides = array<i32>} : memref<65536xf32, #tpu.memory_space<vmem>>, vector<16xf32>,
        tpu.vector_store %arg4[%parallel_loop3A_504], %parallel_loop3A_503 {strides = array<i32>} : memref<65536xf32, #tpu.memory_space<vmem>>, vector<16xf32>,
      } {sc.loop_unroll_factor = 12 : i64, sc.parallel_access}
      %add3A_269 = arith.constant 49152 : i32
      %add3A_270 = arith.addi %add3A_26, %add3A_269 : i32
      %dma_start3A_271 = arith.constant 49152 : i32
      %dma_start3A_272 = tpu.memref_slice %arg4[%dma_start3A_271] : memref<65536xf32, #tpu.memory_space<vmem>> -> memref<4096xf32, #tpu.memory_space<vmem>>
      %dma_start3A_273 = tpu.memref_slice %arg3[%add3A_270] : memref<16777216xf32, #tpu.memory_space<hbm>> -> memref<4096xf32, #tpu.memory_space<hbm>>
      %dma_start3A_274 = tpu.memref_slice %arg3[%add3A_270] : memref<16777216xf32, #tpu.memory_space<hbm>> -> memref<4096xf32, #tpu.memory_space<hbm>>
      %dma_start3A_275 = arith.constant 49152 : i32
      %dma_start3A_276 = tpu.memref_slice %arg4[%dma_start3A_275] : memref<65536xf32, #tpu.memory_space<vmem>> -> memref<4096xf32, #tpu.memory_space<vmem>>
      tpu.enqueue_dma source(%dma_start3A_276 : memref<4096xf32, #tpu.memory_space<vmem>>) target(%dma_start3A_274 : memref<4096xf32, #tpu.memory_space<hbm>>) target_semaphore(%arg6 : memref<!tpu.dma_semaphore, #tpu.memory_space<semaphore_mem>>)
      %broadcast_in_dim3A_277 = arith.constant 14 : i32
      %broadcast_in_dim3A_278 = vector.broadcast %broadcast_in_dim3A_277 : i32 to vector<16xi32>
      %reshape3A_279 = vector.shape_cast %broadcast_in_dim3A_278 : vector<16xi32> to vector<16x1xi32>
      %gather3A_280 = vector.shape_cast %reshape3A_279 : vector<16x1xi32> to vector<16xi32>
      %gather3A_281 = tpu.dynamic_gather %or3A_61[%gather3A_280] in [0] : vector<16xi32>, vector<16xi32> -> vector<16xi32>
      %parallel_loop3A_282 = arith.constant 0 : i32
      %parallel_loop3A_283 = arith.constant 256 : i32
      %parallel_loop3A_284 = arith.constant 1 : i32
      scf.for %parallel_loop3A_492 = %parallel_loop3A_282 to %parallel_loop3A_283 step %parallel_loop3A_284  : i32 {
        %parallel_loop3A_493 = arith.constant 16 : i32
        %parallel_loop3A_494 = arith.muli %parallel_loop3A_492, %parallel_loop3A_493 : i32
        %parallel_loop3A_495 = arith.constant 57344 : i32
        %parallel_loop3A_496 = arith.addi %parallel_loop3A_495, %parallel_loop3A_494 : i32
        %parallel_loop3A_497 = arith.index_cast %parallel_loop3A_496 : i32 to index
        %parallel_loop3A_498 = tpu.vector_load %arg4[%parallel_loop3A_497] {strides = array<i32>} : memref<65536xf32, #tpu.memory_space<vmem>>, vector<16xf32>,
        %parallel_loop3A_499 = vector.bitcast %parallel_loop3A_498 : vector<16xf32> to vector<16xi32>
        %parallel_loop3A_500 = arith.cmpi sgt, %parallel_loop3A_499, %gather3A_281 : vector<16xi32>
        %parallel_loop3A_501 = arith.constant 0.000000e+00 : f32
        %parallel_loop3A_502 = vector.broadcast %parallel_loop3A_501 : f32 to vector<16xf32>
        %parallel_loop3A_503 = arith.select %parallel_loop3A_500, %parallel_loop3A_498, %parallel_loop3A_502 : vector<16xi1>, vector<16xf32>
        %parallel_loop3A_504 = arith.index_cast %parallel_loop3A_496 : i32 to index
        %parallel_loop3A_505 = tpu.vector_load %arg4[%parallel_loop3A_504] {strides = array<i32>} : memref<65536xf32, #tpu.memory_space<vmem>>, vector<16xf32>,
        tpu.vector_store %arg4[%parallel_loop3A_504], %parallel_loop3A_503 {strides = array<i32>} : memref<65536xf32, #tpu.memory_space<vmem>>, vector<16xf32>,
      } {sc.loop_unroll_factor = 12 : i64, sc.parallel_access}
      %add3A_285 = arith.constant 53248 : i32
      %add3A_286 = arith.addi %add3A_26, %add3A_285 : i32
      %dma_start3A_287 = arith.constant 53248 : i32
      %dma_start3A_288 = tpu.memref_slice %arg4[%dma_start3A_287] : memref<65536xf32, #tpu.memory_space<vmem>> -> memref<4096xf32, #tpu.memory_space<vmem>>
      %dma_start3A_289 = tpu.memref_slice %arg3[%add3A_286] : memref<16777216xf32, #tpu.memory_space<hbm>> -> memref<4096xf32, #tpu.memory_space<hbm>>
      %dma_start3A_290 = tpu.memref_slice %arg3[%add3A_286] : memref<16777216xf32, #tpu.memory_space<hbm>> -> memref<4096xf32, #tpu.memory_space<hbm>>
      %dma_start3A_291 = arith.constant 53248 : i32
      %dma_start3A_292 = tpu.memref_slice %arg4[%dma_start3A_291] : memref<65536xf32, #tpu.memory_space<vmem>> -> memref<4096xf32, #tpu.memory_space<vmem>>
      tpu.enqueue_dma source(%dma_start3A_292 : memref<4096xf32, #tpu.memory_space<vmem>>) target(%dma_start3A_290 : memref<4096xf32, #tpu.memory_space<hbm>>) target_semaphore(%arg6 : memref<!tpu.dma_semaphore, #tpu.memory_space<semaphore_mem>>)
      %broadcast_in_dim3A_293 = arith.constant 15 : i32
      %broadcast_in_dim3A_294 = vector.broadcast %broadcast_in_dim3A_293 : i32 to vector<16xi32>
      %reshape3A_295 = vector.shape_cast %broadcast_in_dim3A_294 : vector<16xi32> to vector<16x1xi32>
      %gather3A_296 = vector.shape_cast %reshape3A_295 : vector<16x1xi32> to vector<16xi32>
      %gather3A_297 = tpu.dynamic_gather %or3A_61[%gather3A_296] in [0] : vector<16xi32>, vector<16xi32> -> vector<16xi32>
      %parallel_loop3A_298 = arith.constant 0 : i32
      %parallel_loop3A_299 = arith.constant 256 : i32
      %parallel_loop3A_300 = arith.constant 1 : i32
      scf.for %parallel_loop3A_492 = %parallel_loop3A_298 to %parallel_loop3A_299 step %parallel_loop3A_300  : i32 {
        %parallel_loop3A_493 = arith.constant 16 : i32
        %parallel_loop3A_494 = arith.muli %parallel_loop3A_492, %parallel_loop3A_493 : i32
        %parallel_loop3A_495 = arith.constant 61440 : i32
        %parallel_loop3A_496 = arith.addi %parallel_loop3A_495, %parallel_loop3A_494 : i32
        %parallel_loop3A_497 = arith.index_cast %parallel_loop3A_496 : i32 to index
        %parallel_loop3A_498 = tpu.vector_load %arg4[%parallel_loop3A_497] {strides = array<i32>} : memref<65536xf32, #tpu.memory_space<vmem>>, vector<16xf32>,
        %parallel_loop3A_499 = vector.bitcast %parallel_loop3A_498 : vector<16xf32> to vector<16xi32>
        %parallel_loop3A_500 = arith.cmpi sgt, %parallel_loop3A_499, %gather3A_297 : vector<16xi32>
        %parallel_loop3A_501 = arith.constant 0.000000e+00 : f32
        %parallel_loop3A_502 = vector.broadcast %parallel_loop3A_501 : f32 to vector<16xf32>
        %parallel_loop3A_503 = arith.select %parallel_loop3A_500, %parallel_loop3A_498, %parallel_loop3A_502 : vector<16xi1>, vector<16xf32>
        %parallel_loop3A_504 = arith.index_cast %parallel_loop3A_496 : i32 to index
        %parallel_loop3A_505 = tpu.vector_load %arg4[%parallel_loop3A_504] {strides = array<i32>} : memref<65536xf32, #tpu.memory_space<vmem>>, vector<16xf32>,
        tpu.vector_store %arg4[%parallel_loop3A_504], %parallel_loop3A_503 {strides = array<i32>} : memref<65536xf32, #tpu.memory_space<vmem>>, vector<16xf32>,
      } {sc.loop_unroll_factor = 12 : i64, sc.parallel_access}
      %add3A_301 = arith.constant 57344 : i32
      %add3A_302 = arith.addi %add3A_26, %add3A_301 : i32
      %dma_start3A_303 = arith.constant 57344 : i32
      %dma_start3A_304 = tpu.memref_slice %arg4[%dma_start3A_303] : memref<65536xf32, #tpu.memory_space<vmem>> -> memref<4096xf32, #tpu.memory_space<vmem>>
      %dma_start3A_305 = tpu.memref_slice %arg3[%add3A_302] : memref<16777216xf32, #tpu.memory_space<hbm>> -> memref<4096xf32, #tpu.memory_space<hbm>>
      %dma_start3A_306 = tpu.memref_slice %arg3[%add3A_302] : memref<16777216xf32, #tpu.memory_space<hbm>> -> memref<4096xf32, #tpu.memory_space<hbm>>
      %dma_start3A_307 = arith.constant 57344 : i32
      %dma_start3A_308 = tpu.memref_slice %arg4[%dma_start3A_307] : memref<65536xf32, #tpu.memory_space<vmem>> -> memref<4096xf32, #tpu.memory_space<vmem>>
      tpu.enqueue_dma source(%dma_start3A_308 : memref<4096xf32, #tpu.memory_space<vmem>>) target(%dma_start3A_306 : memref<4096xf32, #tpu.memory_space<hbm>>) target_semaphore(%arg6 : memref<!tpu.dma_semaphore, #tpu.memory_space<semaphore_mem>>)
      %add3A_309 = arith.constant 61440 : i32
      %add3A_310 = arith.addi %add3A_26, %add3A_309 : i32
      %dma_start3A_311 = arith.constant 61440 : i32
      %dma_start3A_312 = tpu.memref_slice %arg4[%dma_start3A_311] : memref<65536xf32, #tpu.memory_space<vmem>> -> memref<4096xf32, #tpu.memory_space<vmem>>
      %dma_start3A_313 = tpu.memref_slice %arg3[%add3A_310] : memref<16777216xf32, #tpu.memory_space<hbm>> -> memref<4096xf32, #tpu.memory_space<hbm>>
      %dma_start3A_314 = tpu.memref_slice %arg3[%add3A_310] : memref<16777216xf32, #tpu.memory_space<hbm>> -> memref<4096xf32, #tpu.memory_space<hbm>>
      %dma_start3A_315 = arith.constant 61440 : i32
      %dma_start3A_316 = tpu.memref_slice %arg4[%dma_start3A_315] : memref<65536xf32, #tpu.memory_space<vmem>> -> memref<4096xf32, #tpu.memory_space<vmem>>
      tpu.enqueue_dma source(%dma_start3A_316 : memref<4096xf32, #tpu.memory_space<vmem>>) target(%dma_start3A_314 : memref<4096xf32, #tpu.memory_space<hbm>>) target_semaphore(%arg6 : memref<!tpu.dma_semaphore, #tpu.memory_space<semaphore_mem>>)
      %add3A_317 = arith.constant 65536 : i32
      %add3A_318 = arith.addi %add3A_26, %add3A_317 : i32
      %dma_wait3A_319 = arith.constant 0 : i32
      %dma_wait3A_320 = tpu.memref_slice %arg4[%dma_wait3A_319] : memref<65536xf32, #tpu.memory_space<vmem>> -> memref<4096xf32, #tpu.memory_space<vmem>>
      %dma_wait3A_321 = tpu.memref_slice %arg3[%add3A_78] : memref<16777216xf32, #tpu.memory_space<hbm>> -> memref<4096xf32, #tpu.memory_space<hbm>>
      %dma_wait3A_322 = tpu.memref_slice %arg3[%add3A_78] : memref<16777216xf32, #tpu.memory_space<hbm>> -> memref<4096xf32, #tpu.memory_space<hbm>>
      %dma_wait3A_323 = arith.constant 0 : i32
      %dma_wait3A_324 = tpu.memref_slice %arg4[%dma_wait3A_323] : memref<65536xf32, #tpu.memory_space<vmem>> -> memref<4096xf32, #tpu.memory_space<vmem>>
      tpu.wait_dma2 semaphore(%arg6 : memref<!tpu.dma_semaphore, #tpu.memory_space<semaphore_mem>>) src(%dma_wait3A_324 : memref<4096xf32, #tpu.memory_space<vmem>>) dst(%dma_wait3A_322 : memref<4096xf32, #tpu.memory_space<hbm>>)
      %lt3A = arith.constant 7 : i32
      %lt3A_325 = arith.cmpi slt, %scan3A_21, %lt3A : i32
      %convert_element_type3A = arith.extui %lt3A_325 : i1 to i32
      %cond3A = arith.constant 0 : i32
      %cond3A_326 = arith.cmpi ne, %convert_element_type3A, %cond3A : i32
      scf.if %cond3A_326 {
        %add3A_492 = arith.constant 0 : i32
        %add3A_493 = arith.addi %add3A_318, %add3A_492 : i32
        %dma_start3A_494 = arith.constant 0 : i32
        %dma_start3A_495 = tpu.memref_slice %arg4[%dma_start3A_494] : memref<65536xf32, #tpu.memory_space<vmem>> -> memref<4096xf32, #tpu.memory_space<vmem>>
        %dma_start3A_496 = tpu.memref_slice %arg2[%add3A_493] : memref<16777216xf32, #tpu.memory_space<hbm>> -> memref<4096xf32, #tpu.memory_space<hbm>>
        %dma_start3A_497 = arith.constant 0 : i32
        %dma_start3A_498 = tpu.memref_slice %arg4[%dma_start3A_497] : memref<65536xf32, #tpu.memory_space<vmem>> -> memref<4096xf32, #tpu.memory_space<vmem>>
        %dma_start3A_499 = tpu.memref_slice %arg2[%add3A_493] : memref<16777216xf32, #tpu.memory_space<hbm>> -> memref<4096xf32, #tpu.memory_space<hbm>>
        tpu.enqueue_dma source(%dma_start3A_499 : memref<4096xf32, #tpu.memory_space<hbm>>) target(%dma_start3A_498 : memref<4096xf32, #tpu.memory_space<vmem>>) target_semaphore(%arg7 : memref<!tpu.dma_semaphore, #tpu.memory_space<semaphore_mem>>)
      } else {
      }
      %dma_wait3A_327 = arith.constant 4096 : i32
      %dma_wait3A_328 = tpu.memref_slice %arg4[%dma_wait3A_327] : memref<65536xf32, #tpu.memory_space<vmem>> -> memref<4096xf32, #tpu.memory_space<vmem>>
      %dma_wait3A_329 = tpu.memref_slice %arg3[%add3A_94] : memref<16777216xf32, #tpu.memory_space<hbm>> -> memref<4096xf32, #tpu.memory_space<hbm>>
      %dma_wait3A_330 = tpu.memref_slice %arg3[%add3A_94] : memref<16777216xf32, #tpu.memory_space<hbm>> -> memref<4096xf32, #tpu.memory_space<hbm>>
      %dma_wait3A_331 = arith.constant 4096 : i32
      %dma_wait3A_332 = tpu.memref_slice %arg4[%dma_wait3A_331] : memref<65536xf32, #tpu.memory_space<vmem>> -> memref<4096xf32, #tpu.memory_space<vmem>>
      tpu.wait_dma2 semaphore(%arg6 : memref<!tpu.dma_semaphore, #tpu.memory_space<semaphore_mem>>) src(%dma_wait3A_332 : memref<4096xf32, #tpu.memory_space<vmem>>) dst(%dma_wait3A_330 : memref<4096xf32, #tpu.memory_space<hbm>>)
      %lt3A_333 = arith.constant 7 : i32
      %lt3A_334 = arith.cmpi slt, %scan3A_21, %lt3A_333 : i32
      %convert_element_type3A_335 = arith.extui %lt3A_334 : i1 to i32
      %cond3A_336 = arith.constant 0 : i32
      %cond3A_337 = arith.cmpi ne, %convert_element_type3A_335, %cond3A_336 : i32
      scf.if %cond3A_337 {
        %add3A_492 = arith.constant 4096 : i32
        %add3A_493 = arith.addi %add3A_318, %add3A_492 : i32
        %dma_start3A_494 = arith.constant 4096 : i32
        %dma_start3A_495 = tpu.memref_slice %arg4[%dma_start3A_494] : memref<65536xf32, #tpu.memory_space<vmem>> -> memref<4096xf32, #tpu.memory_space<vmem>>
        %dma_start3A_496 = tpu.memref_slice %arg2[%add3A_493] : memref<16777216xf32, #tpu.memory_space<hbm>> -> memref<4096xf32, #tpu.memory_space<hbm>>
        %dma_start3A_497 = arith.constant 4096 : i32
        %dma_start3A_498 = tpu.memref_slice %arg4[%dma_start3A_497] : memref<65536xf32, #tpu.memory_space<vmem>> -> memref<4096xf32, #tpu.memory_space<vmem>>
        %dma_start3A_499 = tpu.memref_slice %arg2[%add3A_493] : memref<16777216xf32, #tpu.memory_space<hbm>> -> memref<4096xf32, #tpu.memory_space<hbm>>
        tpu.enqueue_dma source(%dma_start3A_499 : memref<4096xf32, #tpu.memory_space<hbm>>) target(%dma_start3A_498 : memref<4096xf32, #tpu.memory_space<vmem>>) target_semaphore(%arg7 : memref<!tpu.dma_semaphore, #tpu.memory_space<semaphore_mem>>)
      } else {
      }
      %dma_wait3A_338 = arith.constant 8192 : i32
      %dma_wait3A_339 = tpu.memref_slice %arg4[%dma_wait3A_338] : memref<65536xf32, #tpu.memory_space<vmem>> -> memref<4096xf32, #tpu.memory_space<vmem>>
      %dma_wait3A_340 = tpu.memref_slice %arg3[%add3A_110] : memref<16777216xf32, #tpu.memory_space<hbm>> -> memref<4096xf32, #tpu.memory_space<hbm>>
      %dma_wait3A_341 = tpu.memref_slice %arg3[%add3A_110] : memref<16777216xf32, #tpu.memory_space<hbm>> -> memref<4096xf32, #tpu.memory_space<hbm>>
      %dma_wait3A_342 = arith.constant 8192 : i32
      %dma_wait3A_343 = tpu.memref_slice %arg4[%dma_wait3A_342] : memref<65536xf32, #tpu.memory_space<vmem>> -> memref<4096xf32, #tpu.memory_space<vmem>>
      tpu.wait_dma2 semaphore(%arg6 : memref<!tpu.dma_semaphore, #tpu.memory_space<semaphore_mem>>) src(%dma_wait3A_343 : memref<4096xf32, #tpu.memory_space<vmem>>) dst(%dma_wait3A_341 : memref<4096xf32, #tpu.memory_space<hbm>>)
      %lt3A_344 = arith.constant 7 : i32
      %lt3A_345 = arith.cmpi slt, %scan3A_21, %lt3A_344 : i32
      %convert_element_type3A_346 = arith.extui %lt3A_345 : i1 to i32
      %cond3A_347 = arith.constant 0 : i32
      %cond3A_348 = arith.cmpi ne, %convert_element_type3A_346, %cond3A_347 : i32
      scf.if %cond3A_348 {
        %add3A_492 = arith.constant 8192 : i32
        %add3A_493 = arith.addi %add3A_318, %add3A_492 : i32
        %dma_start3A_494 = arith.constant 8192 : i32
        %dma_start3A_495 = tpu.memref_slice %arg4[%dma_start3A_494] : memref<65536xf32, #tpu.memory_space<vmem>> -> memref<4096xf32, #tpu.memory_space<vmem>>
        %dma_start3A_496 = tpu.memref_slice %arg2[%add3A_493] : memref<16777216xf32, #tpu.memory_space<hbm>> -> memref<4096xf32, #tpu.memory_space<hbm>>
        %dma_start3A_497 = arith.constant 8192 : i32
        %dma_start3A_498 = tpu.memref_slice %arg4[%dma_start3A_497] : memref<65536xf32, #tpu.memory_space<vmem>> -> memref<4096xf32, #tpu.memory_space<vmem>>
        %dma_start3A_499 = tpu.memref_slice %arg2[%add3A_493] : memref<16777216xf32, #tpu.memory_space<hbm>> -> memref<4096xf32, #tpu.memory_space<hbm>>
        tpu.enqueue_dma source(%dma_start3A_499 : memref<4096xf32, #tpu.memory_space<hbm>>) target(%dma_start3A_498 : memref<4096xf32, #tpu.memory_space<vmem>>) target_semaphore(%arg7 : memref<!tpu.dma_semaphore, #tpu.memory_space<semaphore_mem>>)
      } else {
      }
      %dma_wait3A_349 = arith.constant 12288 : i32
      %dma_wait3A_350 = tpu.memref_slice %arg4[%dma_wait3A_349] : memref<65536xf32, #tpu.memory_space<vmem>> -> memref<4096xf32, #tpu.memory_space<vmem>>
      %dma_wait3A_351 = tpu.memref_slice %arg3[%add3A_126] : memref<16777216xf32, #tpu.memory_space<hbm>> -> memref<4096xf32, #tpu.memory_space<hbm>>
      %dma_wait3A_352 = tpu.memref_slice %arg3[%add3A_126] : memref<16777216xf32, #tpu.memory_space<hbm>> -> memref<4096xf32, #tpu.memory_space<hbm>>
      %dma_wait3A_353 = arith.constant 12288 : i32
      %dma_wait3A_354 = tpu.memref_slice %arg4[%dma_wait3A_353] : memref<65536xf32, #tpu.memory_space<vmem>> -> memref<4096xf32, #tpu.memory_space<vmem>>
      tpu.wait_dma2 semaphore(%arg6 : memref<!tpu.dma_semaphore, #tpu.memory_space<semaphore_mem>>) src(%dma_wait3A_354 : memref<4096xf32, #tpu.memory_space<vmem>>) dst(%dma_wait3A_352 : memref<4096xf32, #tpu.memory_space<hbm>>)
      %lt3A_355 = arith.constant 7 : i32
      %lt3A_356 = arith.cmpi slt, %scan3A_21, %lt3A_355 : i32
      %convert_element_type3A_357 = arith.extui %lt3A_356 : i1 to i32
      %cond3A_358 = arith.constant 0 : i32
      %cond3A_359 = arith.cmpi ne, %convert_element_type3A_357, %cond3A_358 : i32
      scf.if %cond3A_359 {
        %add3A_492 = arith.constant 12288 : i32
        %add3A_493 = arith.addi %add3A_318, %add3A_492 : i32
        %dma_start3A_494 = arith.constant 12288 : i32
        %dma_start3A_495 = tpu.memref_slice %arg4[%dma_start3A_494] : memref<65536xf32, #tpu.memory_space<vmem>> -> memref<4096xf32, #tpu.memory_space<vmem>>
        %dma_start3A_496 = tpu.memref_slice %arg2[%add3A_493] : memref<16777216xf32, #tpu.memory_space<hbm>> -> memref<4096xf32, #tpu.memory_space<hbm>>
        %dma_start3A_497 = arith.constant 12288 : i32
        %dma_start3A_498 = tpu.memref_slice %arg4[%dma_start3A_497] : memref<65536xf32, #tpu.memory_space<vmem>> -> memref<4096xf32, #tpu.memory_space<vmem>>
        %dma_start3A_499 = tpu.memref_slice %arg2[%add3A_493] : memref<16777216xf32, #tpu.memory_space<hbm>> -> memref<4096xf32, #tpu.memory_space<hbm>>
        tpu.enqueue_dma source(%dma_start3A_499 : memref<4096xf32, #tpu.memory_space<hbm>>) target(%dma_start3A_498 : memref<4096xf32, #tpu.memory_space<vmem>>) target_semaphore(%arg7 : memref<!tpu.dma_semaphore, #tpu.memory_space<semaphore_mem>>)
      } else {
      }
      %dma_wait3A_360 = arith.constant 16384 : i32
      %dma_wait3A_361 = tpu.memref_slice %arg4[%dma_wait3A_360] : memref<65536xf32, #tpu.memory_space<vmem>> -> memref<4096xf32, #tpu.memory_space<vmem>>
      %dma_wait3A_362 = tpu.memref_slice %arg3[%add3A_142] : memref<16777216xf32, #tpu.memory_space<hbm>> -> memref<4096xf32, #tpu.memory_space<hbm>>
      %dma_wait3A_363 = tpu.memref_slice %arg3[%add3A_142] : memref<16777216xf32, #tpu.memory_space<hbm>> -> memref<4096xf32, #tpu.memory_space<hbm>>
      %dma_wait3A_364 = arith.constant 16384 : i32
      %dma_wait3A_365 = tpu.memref_slice %arg4[%dma_wait3A_364] : memref<65536xf32, #tpu.memory_space<vmem>> -> memref<4096xf32, #tpu.memory_space<vmem>>
      tpu.wait_dma2 semaphore(%arg6 : memref<!tpu.dma_semaphore, #tpu.memory_space<semaphore_mem>>) src(%dma_wait3A_365 : memref<4096xf32, #tpu.memory_space<vmem>>) dst(%dma_wait3A_363 : memref<4096xf32, #tpu.memory_space<hbm>>)
      %lt3A_366 = arith.constant 7 : i32
      %lt3A_367 = arith.cmpi slt, %scan3A_21, %lt3A_366 : i32
      %convert_element_type3A_368 = arith.extui %lt3A_367 : i1 to i32
      %cond3A_369 = arith.constant 0 : i32
      %cond3A_370 = arith.cmpi ne, %convert_element_type3A_368, %cond3A_369 : i32
      scf.if %cond3A_370 {
        %add3A_492 = arith.constant 16384 : i32
        %add3A_493 = arith.addi %add3A_318, %add3A_492 : i32
        %dma_start3A_494 = arith.constant 16384 : i32
        %dma_start3A_495 = tpu.memref_slice %arg4[%dma_start3A_494] : memref<65536xf32, #tpu.memory_space<vmem>> -> memref<4096xf32, #tpu.memory_space<vmem>>
        %dma_start3A_496 = tpu.memref_slice %arg2[%add3A_493] : memref<16777216xf32, #tpu.memory_space<hbm>> -> memref<4096xf32, #tpu.memory_space<hbm>>
        %dma_start3A_497 = arith.constant 16384 : i32
        %dma_start3A_498 = tpu.memref_slice %arg4[%dma_start3A_497] : memref<65536xf32, #tpu.memory_space<vmem>> -> memref<4096xf32, #tpu.memory_space<vmem>>
        %dma_start3A_499 = tpu.memref_slice %arg2[%add3A_493] : memref<16777216xf32, #tpu.memory_space<hbm>> -> memref<4096xf32, #tpu.memory_space<hbm>>
        tpu.enqueue_dma source(%dma_start3A_499 : memref<4096xf32, #tpu.memory_space<hbm>>) target(%dma_start3A_498 : memref<4096xf32, #tpu.memory_space<vmem>>) target_semaphore(%arg7 : memref<!tpu.dma_semaphore, #tpu.memory_space<semaphore_mem>>)
      } else {
      }
      %dma_wait3A_371 = arith.constant 20480 : i32
      %dma_wait3A_372 = tpu.memref_slice %arg4[%dma_wait3A_371] : memref<65536xf32, #tpu.memory_space<vmem>> -> memref<4096xf32, #tpu.memory_space<vmem>>
      %dma_wait3A_373 = tpu.memref_slice %arg3[%add3A_158] : memref<16777216xf32, #tpu.memory_space<hbm>> -> memref<4096xf32, #tpu.memory_space<hbm>>
      %dma_wait3A_374 = tpu.memref_slice %arg3[%add3A_158] : memref<16777216xf32, #tpu.memory_space<hbm>> -> memref<4096xf32, #tpu.memory_space<hbm>>
      %dma_wait3A_375 = arith.constant 20480 : i32
      %dma_wait3A_376 = tpu.memref_slice %arg4[%dma_wait3A_375] : memref<65536xf32, #tpu.memory_space<vmem>> -> memref<4096xf32, #tpu.memory_space<vmem>>
      tpu.wait_dma2 semaphore(%arg6 : memref<!tpu.dma_semaphore, #tpu.memory_space<semaphore_mem>>) src(%dma_wait3A_376 : memref<4096xf32, #tpu.memory_space<vmem>>) dst(%dma_wait3A_374 : memref<4096xf32, #tpu.memory_space<hbm>>)
      %lt3A_377 = arith.constant 7 : i32
      %lt3A_378 = arith.cmpi slt, %scan3A_21, %lt3A_377 : i32
      %convert_element_type3A_379 = arith.extui %lt3A_378 : i1 to i32
      %cond3A_380 = arith.constant 0 : i32
      %cond3A_381 = arith.cmpi ne, %convert_element_type3A_379, %cond3A_380 : i32
      scf.if %cond3A_381 {
        %add3A_492 = arith.constant 20480 : i32
        %add3A_493 = arith.addi %add3A_318, %add3A_492 : i32
        %dma_start3A_494 = arith.constant 20480 : i32
        %dma_start3A_495 = tpu.memref_slice %arg4[%dma_start3A_494] : memref<65536xf32, #tpu.memory_space<vmem>> -> memref<4096xf32, #tpu.memory_space<vmem>>
        %dma_start3A_496 = tpu.memref_slice %arg2[%add3A_493] : memref<16777216xf32, #tpu.memory_space<hbm>> -> memref<4096xf32, #tpu.memory_space<hbm>>
        %dma_start3A_497 = arith.constant 20480 : i32
        %dma_start3A_498 = tpu.memref_slice %arg4[%dma_start3A_497] : memref<65536xf32, #tpu.memory_space<vmem>> -> memref<4096xf32, #tpu.memory_space<vmem>>
        %dma_start3A_499 = tpu.memref_slice %arg2[%add3A_493] : memref<16777216xf32, #tpu.memory_space<hbm>> -> memref<4096xf32, #tpu.memory_space<hbm>>
        tpu.enqueue_dma source(%dma_start3A_499 : memref<4096xf32, #tpu.memory_space<hbm>>) target(%dma_start3A_498 : memref<4096xf32, #tpu.memory_space<vmem>>) target_semaphore(%arg7 : memref<!tpu.dma_semaphore, #tpu.memory_space<semaphore_mem>>)
      } else {
      }
      %dma_wait3A_382 = arith.constant 24576 : i32
      %dma_wait3A_383 = tpu.memref_slice %arg4[%dma_wait3A_382] : memref<65536xf32, #tpu.memory_space<vmem>> -> memref<4096xf32, #tpu.memory_space<vmem>>
      %dma_wait3A_384 = tpu.memref_slice %arg3[%add3A_174] : memref<16777216xf32, #tpu.memory_space<hbm>> -> memref<4096xf32, #tpu.memory_space<hbm>>
      %dma_wait3A_385 = tpu.memref_slice %arg3[%add3A_174] : memref<16777216xf32, #tpu.memory_space<hbm>> -> memref<4096xf32, #tpu.memory_space<hbm>>
      %dma_wait3A_386 = arith.constant 24576 : i32
      %dma_wait3A_387 = tpu.memref_slice %arg4[%dma_wait3A_386] : memref<65536xf32, #tpu.memory_space<vmem>> -> memref<4096xf32, #tpu.memory_space<vmem>>
      tpu.wait_dma2 semaphore(%arg6 : memref<!tpu.dma_semaphore, #tpu.memory_space<semaphore_mem>>) src(%dma_wait3A_387 : memref<4096xf32, #tpu.memory_space<vmem>>) dst(%dma_wait3A_385 : memref<4096xf32, #tpu.memory_space<hbm>>)
      %lt3A_388 = arith.constant 7 : i32
      %lt3A_389 = arith.cmpi slt, %scan3A_21, %lt3A_388 : i32
      %convert_element_type3A_390 = arith.extui %lt3A_389 : i1 to i32
      %cond3A_391 = arith.constant 0 : i32
      %cond3A_392 = arith.cmpi ne, %convert_element_type3A_390, %cond3A_391 : i32
      scf.if %cond3A_392 {
        %add3A_492 = arith.constant 24576 : i32
        %add3A_493 = arith.addi %add3A_318, %add3A_492 : i32
        %dma_start3A_494 = arith.constant 24576 : i32
        %dma_start3A_495 = tpu.memref_slice %arg4[%dma_start3A_494] : memref<65536xf32, #tpu.memory_space<vmem>> -> memref<4096xf32, #tpu.memory_space<vmem>>
        %dma_start3A_496 = tpu.memref_slice %arg2[%add3A_493] : memref<16777216xf32, #tpu.memory_space<hbm>> -> memref<4096xf32, #tpu.memory_space<hbm>>
        %dma_start3A_497 = arith.constant 24576 : i32
        %dma_start3A_498 = tpu.memref_slice %arg4[%dma_start3A_497] : memref<65536xf32, #tpu.memory_space<vmem>> -> memref<4096xf32, #tpu.memory_space<vmem>>
        %dma_start3A_499 = tpu.memref_slice %arg2[%add3A_493] : memref<16777216xf32, #tpu.memory_space<hbm>> -> memref<4096xf32, #tpu.memory_space<hbm>>
        tpu.enqueue_dma source(%dma_start3A_499 : memref<4096xf32, #tpu.memory_space<hbm>>) target(%dma_start3A_498 : memref<4096xf32, #tpu.memory_space<vmem>>) target_semaphore(%arg7 : memref<!tpu.dma_semaphore, #tpu.memory_space<semaphore_mem>>)
      } else {
      }
      %dma_wait3A_393 = arith.constant 28672 : i32
      %dma_wait3A_394 = tpu.memref_slice %arg4[%dma_wait3A_393] : memref<65536xf32, #tpu.memory_space<vmem>> -> memref<4096xf32, #tpu.memory_space<vmem>>
      %dma_wait3A_395 = tpu.memref_slice %arg3[%add3A_190] : memref<16777216xf32, #tpu.memory_space<hbm>> -> memref<4096xf32, #tpu.memory_space<hbm>>
      %dma_wait3A_396 = tpu.memref_slice %arg3[%add3A_190] : memref<16777216xf32, #tpu.memory_space<hbm>> -> memref<4096xf32, #tpu.memory_space<hbm>>
      %dma_wait3A_397 = arith.constant 28672 : i32
      %dma_wait3A_398 = tpu.memref_slice %arg4[%dma_wait3A_397] : memref<65536xf32, #tpu.memory_space<vmem>> -> memref<4096xf32, #tpu.memory_space<vmem>>
      tpu.wait_dma2 semaphore(%arg6 : memref<!tpu.dma_semaphore, #tpu.memory_space<semaphore_mem>>) src(%dma_wait3A_398 : memref<4096xf32, #tpu.memory_space<vmem>>) dst(%dma_wait3A_396 : memref<4096xf32, #tpu.memory_space<hbm>>)
      %lt3A_399 = arith.constant 7 : i32
      %lt3A_400 = arith.cmpi slt, %scan3A_21, %lt3A_399 : i32
      %convert_element_type3A_401 = arith.extui %lt3A_400 : i1 to i32
      %cond3A_402 = arith.constant 0 : i32
      %cond3A_403 = arith.cmpi ne, %convert_element_type3A_401, %cond3A_402 : i32
      scf.if %cond3A_403 {
        %add3A_492 = arith.constant 28672 : i32
        %add3A_493 = arith.addi %add3A_318, %add3A_492 : i32
        %dma_start3A_494 = arith.constant 28672 : i32
        %dma_start3A_495 = tpu.memref_slice %arg4[%dma_start3A_494] : memref<65536xf32, #tpu.memory_space<vmem>> -> memref<4096xf32, #tpu.memory_space<vmem>>
        %dma_start3A_496 = tpu.memref_slice %arg2[%add3A_493] : memref<16777216xf32, #tpu.memory_space<hbm>> -> memref<4096xf32, #tpu.memory_space<hbm>>
        %dma_start3A_497 = arith.constant 28672 : i32
        %dma_start3A_498 = tpu.memref_slice %arg4[%dma_start3A_497] : memref<65536xf32, #tpu.memory_space<vmem>> -> memref<4096xf32, #tpu.memory_space<vmem>>
        %dma_start3A_499 = tpu.memref_slice %arg2[%add3A_493] : memref<16777216xf32, #tpu.memory_space<hbm>> -> memref<4096xf32, #tpu.memory_space<hbm>>
        tpu.enqueue_dma source(%dma_start3A_499 : memref<4096xf32, #tpu.memory_space<hbm>>) target(%dma_start3A_498 : memref<4096xf32, #tpu.memory_space<vmem>>) target_semaphore(%arg7 : memref<!tpu.dma_semaphore, #tpu.memory_space<semaphore_mem>>)
      } else {
      }
      %dma_wait3A_404 = arith.constant 32768 : i32
      %dma_wait3A_405 = tpu.memref_slice %arg4[%dma_wait3A_404] : memref<65536xf32, #tpu.memory_space<vmem>> -> memref<4096xf32, #tpu.memory_space<vmem>>
      %dma_wait3A_406 = tpu.memref_slice %arg3[%add3A_206] : memref<16777216xf32, #tpu.memory_space<hbm>> -> memref<4096xf32, #tpu.memory_space<hbm>>
      %dma_wait3A_407 = tpu.memref_slice %arg3[%add3A_206] : memref<16777216xf32, #tpu.memory_space<hbm>> -> memref<4096xf32, #tpu.memory_space<hbm>>
      %dma_wait3A_408 = arith.constant 32768 : i32
      %dma_wait3A_409 = tpu.memref_slice %arg4[%dma_wait3A_408] : memref<65536xf32, #tpu.memory_space<vmem>> -> memref<4096xf32, #tpu.memory_space<vmem>>
      tpu.wait_dma2 semaphore(%arg6 : memref<!tpu.dma_semaphore, #tpu.memory_space<semaphore_mem>>) src(%dma_wait3A_409 : memref<4096xf32, #tpu.memory_space<vmem>>) dst(%dma_wait3A_407 : memref<4096xf32, #tpu.memory_space<hbm>>)
      %lt3A_410 = arith.constant 7 : i32
      %lt3A_411 = arith.cmpi slt, %scan3A_21, %lt3A_410 : i32
      %convert_element_type3A_412 = arith.extui %lt3A_411 : i1 to i32
      %cond3A_413 = arith.constant 0 : i32
      %cond3A_414 = arith.cmpi ne, %convert_element_type3A_412, %cond3A_413 : i32
      scf.if %cond3A_414 {
        %add3A_492 = arith.constant 32768 : i32
        %add3A_493 = arith.addi %add3A_318, %add3A_492 : i32
        %dma_start3A_494 = arith.constant 32768 : i32
        %dma_start3A_495 = tpu.memref_slice %arg4[%dma_start3A_494] : memref<65536xf32, #tpu.memory_space<vmem>> -> memref<4096xf32, #tpu.memory_space<vmem>>
        %dma_start3A_496 = tpu.memref_slice %arg2[%add3A_493] : memref<16777216xf32, #tpu.memory_space<hbm>> -> memref<4096xf32, #tpu.memory_space<hbm>>
        %dma_start3A_497 = arith.constant 32768 : i32
        %dma_start3A_498 = tpu.memref_slice %arg4[%dma_start3A_497] : memref<65536xf32, #tpu.memory_space<vmem>> -> memref<4096xf32, #tpu.memory_space<vmem>>
        %dma_start3A_499 = tpu.memref_slice %arg2[%add3A_493] : memref<16777216xf32, #tpu.memory_space<hbm>> -> memref<4096xf32, #tpu.memory_space<hbm>>
        tpu.enqueue_dma source(%dma_start3A_499 : memref<4096xf32, #tpu.memory_space<hbm>>) target(%dma_start3A_498 : memref<4096xf32, #tpu.memory_space<vmem>>) target_semaphore(%arg7 : memref<!tpu.dma_semaphore, #tpu.memory_space<semaphore_mem>>)
      } else {
      }
      %dma_wait3A_415 = arith.constant 36864 : i32
      %dma_wait3A_416 = tpu.memref_slice %arg4[%dma_wait3A_415] : memref<65536xf32, #tpu.memory_space<vmem>> -> memref<4096xf32, #tpu.memory_space<vmem>>
      %dma_wait3A_417 = tpu.memref_slice %arg3[%add3A_222] : memref<16777216xf32, #tpu.memory_space<hbm>> -> memref<4096xf32, #tpu.memory_space<hbm>>
      %dma_wait3A_418 = tpu.memref_slice %arg3[%add3A_222] : memref<16777216xf32, #tpu.memory_space<hbm>> -> memref<4096xf32, #tpu.memory_space<hbm>>
      %dma_wait3A_419 = arith.constant 36864 : i32
      %dma_wait3A_420 = tpu.memref_slice %arg4[%dma_wait3A_419] : memref<65536xf32, #tpu.memory_space<vmem>> -> memref<4096xf32, #tpu.memory_space<vmem>>
      tpu.wait_dma2 semaphore(%arg6 : memref<!tpu.dma_semaphore, #tpu.memory_space<semaphore_mem>>) src(%dma_wait3A_420 : memref<4096xf32, #tpu.memory_space<vmem>>) dst(%dma_wait3A_418 : memref<4096xf32, #tpu.memory_space<hbm>>)
      %lt3A_421 = arith.constant 7 : i32
      %lt3A_422 = arith.cmpi slt, %scan3A_21, %lt3A_421 : i32
      %convert_element_type3A_423 = arith.extui %lt3A_422 : i1 to i32
      %cond3A_424 = arith.constant 0 : i32
      %cond3A_425 = arith.cmpi ne, %convert_element_type3A_423, %cond3A_424 : i32
      scf.if %cond3A_425 {
        %add3A_492 = arith.constant 36864 : i32
        %add3A_493 = arith.addi %add3A_318, %add3A_492 : i32
        %dma_start3A_494 = arith.constant 36864 : i32
        %dma_start3A_495 = tpu.memref_slice %arg4[%dma_start3A_494] : memref<65536xf32, #tpu.memory_space<vmem>> -> memref<4096xf32, #tpu.memory_space<vmem>>
        %dma_start3A_496 = tpu.memref_slice %arg2[%add3A_493] : memref<16777216xf32, #tpu.memory_space<hbm>> -> memref<4096xf32, #tpu.memory_space<hbm>>
        %dma_start3A_497 = arith.constant 36864 : i32
        %dma_start3A_498 = tpu.memref_slice %arg4[%dma_start3A_497] : memref<65536xf32, #tpu.memory_space<vmem>> -> memref<4096xf32, #tpu.memory_space<vmem>>
        %dma_start3A_499 = tpu.memref_slice %arg2[%add3A_493] : memref<16777216xf32, #tpu.memory_space<hbm>> -> memref<4096xf32, #tpu.memory_space<hbm>>
        tpu.enqueue_dma source(%dma_start3A_499 : memref<4096xf32, #tpu.memory_space<hbm>>) target(%dma_start3A_498 : memref<4096xf32, #tpu.memory_space<vmem>>) target_semaphore(%arg7 : memref<!tpu.dma_semaphore, #tpu.memory_space<semaphore_mem>>)
      } else {
      }
      %dma_wait3A_426 = arith.constant 40960 : i32
      %dma_wait3A_427 = tpu.memref_slice %arg4[%dma_wait3A_426] : memref<65536xf32, #tpu.memory_space<vmem>> -> memref<4096xf32, #tpu.memory_space<vmem>>
      %dma_wait3A_428 = tpu.memref_slice %arg3[%add3A_238] : memref<16777216xf32, #tpu.memory_space<hbm>> -> memref<4096xf32, #tpu.memory_space<hbm>>
      %dma_wait3A_429 = tpu.memref_slice %arg3[%add3A_238] : memref<16777216xf32, #tpu.memory_space<hbm>> -> memref<4096xf32, #tpu.memory_space<hbm>>
      %dma_wait3A_430 = arith.constant 40960 : i32
      %dma_wait3A_431 = tpu.memref_slice %arg4[%dma_wait3A_430] : memref<65536xf32, #tpu.memory_space<vmem>> -> memref<4096xf32, #tpu.memory_space<vmem>>
      tpu.wait_dma2 semaphore(%arg6 : memref<!tpu.dma_semaphore, #tpu.memory_space<semaphore_mem>>) src(%dma_wait3A_431 : memref<4096xf32, #tpu.memory_space<vmem>>) dst(%dma_wait3A_429 : memref<4096xf32, #tpu.memory_space<hbm>>)
      %lt3A_432 = arith.constant 7 : i32
      %lt3A_433 = arith.cmpi slt, %scan3A_21, %lt3A_432 : i32
      %convert_element_type3A_434 = arith.extui %lt3A_433 : i1 to i32
      %cond3A_435 = arith.constant 0 : i32
      %cond3A_436 = arith.cmpi ne, %convert_element_type3A_434, %cond3A_435 : i32
      scf.if %cond3A_436 {
        %add3A_492 = arith.constant 40960 : i32
        %add3A_493 = arith.addi %add3A_318, %add3A_492 : i32
        %dma_start3A_494 = arith.constant 40960 : i32
        %dma_start3A_495 = tpu.memref_slice %arg4[%dma_start3A_494] : memref<65536xf32, #tpu.memory_space<vmem>> -> memref<4096xf32, #tpu.memory_space<vmem>>
        %dma_start3A_496 = tpu.memref_slice %arg2[%add3A_493] : memref<16777216xf32, #tpu.memory_space<hbm>> -> memref<4096xf32, #tpu.memory_space<hbm>>
        %dma_start3A_497 = arith.constant 40960 : i32
        %dma_start3A_498 = tpu.memref_slice %arg4[%dma_start3A_497] : memref<65536xf32, #tpu.memory_space<vmem>> -> memref<4096xf32, #tpu.memory_space<vmem>>
        %dma_start3A_499 = tpu.memref_slice %arg2[%add3A_493] : memref<16777216xf32, #tpu.memory_space<hbm>> -> memref<4096xf32, #tpu.memory_space<hbm>>
        tpu.enqueue_dma source(%dma_start3A_499 : memref<4096xf32, #tpu.memory_space<hbm>>) target(%dma_start3A_498 : memref<4096xf32, #tpu.memory_space<vmem>>) target_semaphore(%arg7 : memref<!tpu.dma_semaphore, #tpu.memory_space<semaphore_mem>>)
      } else {
      }
      %dma_wait3A_437 = arith.constant 45056 : i32
      %dma_wait3A_438 = tpu.memref_slice %arg4[%dma_wait3A_437] : memref<65536xf32, #tpu.memory_space<vmem>> -> memref<4096xf32, #tpu.memory_space<vmem>>
      %dma_wait3A_439 = tpu.memref_slice %arg3[%add3A_254] : memref<16777216xf32, #tpu.memory_space<hbm>> -> memref<4096xf32, #tpu.memory_space<hbm>>
      %dma_wait3A_440 = tpu.memref_slice %arg3[%add3A_254] : memref<16777216xf32, #tpu.memory_space<hbm>> -> memref<4096xf32, #tpu.memory_space<hbm>>
      %dma_wait3A_441 = arith.constant 45056 : i32
      %dma_wait3A_442 = tpu.memref_slice %arg4[%dma_wait3A_441] : memref<65536xf32, #tpu.memory_space<vmem>> -> memref<4096xf32, #tpu.memory_space<vmem>>
      tpu.wait_dma2 semaphore(%arg6 : memref<!tpu.dma_semaphore, #tpu.memory_space<semaphore_mem>>) src(%dma_wait3A_442 : memref<4096xf32, #tpu.memory_space<vmem>>) dst(%dma_wait3A_440 : memref<4096xf32, #tpu.memory_space<hbm>>)
      %lt3A_443 = arith.constant 7 : i32
      %lt3A_444 = arith.cmpi slt, %scan3A_21, %lt3A_443 : i32
      %convert_element_type3A_445 = arith.extui %lt3A_444 : i1 to i32
      %cond3A_446 = arith.constant 0 : i32
      %cond3A_447 = arith.cmpi ne, %convert_element_type3A_445, %cond3A_446 : i32
      scf.if %cond3A_447 {
        %add3A_492 = arith.constant 45056 : i32
        %add3A_493 = arith.addi %add3A_318, %add3A_492 : i32
        %dma_start3A_494 = arith.constant 45056 : i32
        %dma_start3A_495 = tpu.memref_slice %arg4[%dma_start3A_494] : memref<65536xf32, #tpu.memory_space<vmem>> -> memref<4096xf32, #tpu.memory_space<vmem>>
        %dma_start3A_496 = tpu.memref_slice %arg2[%add3A_493] : memref<16777216xf32, #tpu.memory_space<hbm>> -> memref<4096xf32, #tpu.memory_space<hbm>>
        %dma_start3A_497 = arith.constant 45056 : i32
        %dma_start3A_498 = tpu.memref_slice %arg4[%dma_start3A_497] : memref<65536xf32, #tpu.memory_space<vmem>> -> memref<4096xf32, #tpu.memory_space<vmem>>
        %dma_start3A_499 = tpu.memref_slice %arg2[%add3A_493] : memref<16777216xf32, #tpu.memory_space<hbm>> -> memref<4096xf32, #tpu.memory_space<hbm>>
        tpu.enqueue_dma source(%dma_start3A_499 : memref<4096xf32, #tpu.memory_space<hbm>>) target(%dma_start3A_498 : memref<4096xf32, #tpu.memory_space<vmem>>) target_semaphore(%arg7 : memref<!tpu.dma_semaphore, #tpu.memory_space<semaphore_mem>>)
      } else {
      }
      %dma_wait3A_448 = arith.constant 49152 : i32
      %dma_wait3A_449 = tpu.memref_slice %arg4[%dma_wait3A_448] : memref<65536xf32, #tpu.memory_space<vmem>> -> memref<4096xf32, #tpu.memory_space<vmem>>
      %dma_wait3A_450 = tpu.memref_slice %arg3[%add3A_270] : memref<16777216xf32, #tpu.memory_space<hbm>> -> memref<4096xf32, #tpu.memory_space<hbm>>
      %dma_wait3A_451 = tpu.memref_slice %arg3[%add3A_270] : memref<16777216xf32, #tpu.memory_space<hbm>> -> memref<4096xf32, #tpu.memory_space<hbm>>
      %dma_wait3A_452 = arith.constant 49152 : i32
      %dma_wait3A_453 = tpu.memref_slice %arg4[%dma_wait3A_452] : memref<65536xf32, #tpu.memory_space<vmem>> -> memref<4096xf32, #tpu.memory_space<vmem>>
      tpu.wait_dma2 semaphore(%arg6 : memref<!tpu.dma_semaphore, #tpu.memory_space<semaphore_mem>>) src(%dma_wait3A_453 : memref<4096xf32, #tpu.memory_space<vmem>>) dst(%dma_wait3A_451 : memref<4096xf32, #tpu.memory_space<hbm>>)
      %lt3A_454 = arith.constant 7 : i32
      %lt3A_455 = arith.cmpi slt, %scan3A_21, %lt3A_454 : i32
      %convert_element_type3A_456 = arith.extui %lt3A_455 : i1 to i32
      %cond3A_457 = arith.constant 0 : i32
      %cond3A_458 = arith.cmpi ne, %convert_element_type3A_456, %cond3A_457 : i32
      scf.if %cond3A_458 {
        %add3A_492 = arith.constant 49152 : i32
        %add3A_493 = arith.addi %add3A_318, %add3A_492 : i32
        %dma_start3A_494 = arith.constant 49152 : i32
        %dma_start3A_495 = tpu.memref_slice %arg4[%dma_start3A_494] : memref<65536xf32, #tpu.memory_space<vmem>> -> memref<4096xf32, #tpu.memory_space<vmem>>
        %dma_start3A_496 = tpu.memref_slice %arg2[%add3A_493] : memref<16777216xf32, #tpu.memory_space<hbm>> -> memref<4096xf32, #tpu.memory_space<hbm>>
        %dma_start3A_497 = arith.constant 49152 : i32
        %dma_start3A_498 = tpu.memref_slice %arg4[%dma_start3A_497] : memref<65536xf32, #tpu.memory_space<vmem>> -> memref<4096xf32, #tpu.memory_space<vmem>>
        %dma_start3A_499 = tpu.memref_slice %arg2[%add3A_493] : memref<16777216xf32, #tpu.memory_space<hbm>> -> memref<4096xf32, #tpu.memory_space<hbm>>
        tpu.enqueue_dma source(%dma_start3A_499 : memref<4096xf32, #tpu.memory_space<hbm>>) target(%dma_start3A_498 : memref<4096xf32, #tpu.memory_space<vmem>>) target_semaphore(%arg7 : memref<!tpu.dma_semaphore, #tpu.memory_space<semaphore_mem>>)
      } else {
      }
      %dma_wait3A_459 = arith.constant 53248 : i32
      %dma_wait3A_460 = tpu.memref_slice %arg4[%dma_wait3A_459] : memref<65536xf32, #tpu.memory_space<vmem>> -> memref<4096xf32, #tpu.memory_space<vmem>>
      %dma_wait3A_461 = tpu.memref_slice %arg3[%add3A_286] : memref<16777216xf32, #tpu.memory_space<hbm>> -> memref<4096xf32, #tpu.memory_space<hbm>>
      %dma_wait3A_462 = tpu.memref_slice %arg3[%add3A_286] : memref<16777216xf32, #tpu.memory_space<hbm>> -> memref<4096xf32, #tpu.memory_space<hbm>>
      %dma_wait3A_463 = arith.constant 53248 : i32
      %dma_wait3A_464 = tpu.memref_slice %arg4[%dma_wait3A_463] : memref<65536xf32, #tpu.memory_space<vmem>> -> memref<4096xf32, #tpu.memory_space<vmem>>
      tpu.wait_dma2 semaphore(%arg6 : memref<!tpu.dma_semaphore, #tpu.memory_space<semaphore_mem>>) src(%dma_wait3A_464 : memref<4096xf32, #tpu.memory_space<vmem>>) dst(%dma_wait3A_462 : memref<4096xf32, #tpu.memory_space<hbm>>)
      %lt3A_465 = arith.constant 7 : i32
      %lt3A_466 = arith.cmpi slt, %scan3A_21, %lt3A_465 : i32
      %convert_element_type3A_467 = arith.extui %lt3A_466 : i1 to i32
      %cond3A_468 = arith.constant 0 : i32
      %cond3A_469 = arith.cmpi ne, %convert_element_type3A_467, %cond3A_468 : i32
      scf.if %cond3A_469 {
        %add3A_492 = arith.constant 53248 : i32
        %add3A_493 = arith.addi %add3A_318, %add3A_492 : i32
        %dma_start3A_494 = arith.constant 53248 : i32
        %dma_start3A_495 = tpu.memref_slice %arg4[%dma_start3A_494] : memref<65536xf32, #tpu.memory_space<vmem>> -> memref<4096xf32, #tpu.memory_space<vmem>>
        %dma_start3A_496 = tpu.memref_slice %arg2[%add3A_493] : memref<16777216xf32, #tpu.memory_space<hbm>> -> memref<4096xf32, #tpu.memory_space<hbm>>
        %dma_start3A_497 = arith.constant 53248 : i32
        %dma_start3A_498 = tpu.memref_slice %arg4[%dma_start3A_497] : memref<65536xf32, #tpu.memory_space<vmem>> -> memref<4096xf32, #tpu.memory_space<vmem>>
        %dma_start3A_499 = tpu.memref_slice %arg2[%add3A_493] : memref<16777216xf32, #tpu.memory_space<hbm>> -> memref<4096xf32, #tpu.memory_space<hbm>>
        tpu.enqueue_dma source(%dma_start3A_499 : memref<4096xf32, #tpu.memory_space<hbm>>) target(%dma_start3A_498 : memref<4096xf32, #tpu.memory_space<vmem>>) target_semaphore(%arg7 : memref<!tpu.dma_semaphore, #tpu.memory_space<semaphore_mem>>)
      } else {
      }
      %dma_wait3A_470 = arith.constant 57344 : i32
      %dma_wait3A_471 = tpu.memref_slice %arg4[%dma_wait3A_470] : memref<65536xf32, #tpu.memory_space<vmem>> -> memref<4096xf32, #tpu.memory_space<vmem>>
      %dma_wait3A_472 = tpu.memref_slice %arg3[%add3A_302] : memref<16777216xf32, #tpu.memory_space<hbm>> -> memref<4096xf32, #tpu.memory_space<hbm>>
      %dma_wait3A_473 = tpu.memref_slice %arg3[%add3A_302] : memref<16777216xf32, #tpu.memory_space<hbm>> -> memref<4096xf32, #tpu.memory_space<hbm>>
      %dma_wait3A_474 = arith.constant 57344 : i32
      %dma_wait3A_475 = tpu.memref_slice %arg4[%dma_wait3A_474] : memref<65536xf32, #tpu.memory_space<vmem>> -> memref<4096xf32, #tpu.memory_space<vmem>>
      tpu.wait_dma2 semaphore(%arg6 : memref<!tpu.dma_semaphore, #tpu.memory_space<semaphore_mem>>) src(%dma_wait3A_475 : memref<4096xf32, #tpu.memory_space<vmem>>) dst(%dma_wait3A_473 : memref<4096xf32, #tpu.memory_space<hbm>>)
      %lt3A_476 = arith.constant 7 : i32
      %lt3A_477 = arith.cmpi slt, %scan3A_21, %lt3A_476 : i32
      %convert_element_type3A_478 = arith.extui %lt3A_477 : i1 to i32
      %cond3A_479 = arith.constant 0 : i32
      %cond3A_480 = arith.cmpi ne, %convert_element_type3A_478, %cond3A_479 : i32
      scf.if %cond3A_480 {
        %add3A_492 = arith.constant 57344 : i32
        %add3A_493 = arith.addi %add3A_318, %add3A_492 : i32
        %dma_start3A_494 = arith.constant 57344 : i32
        %dma_start3A_495 = tpu.memref_slice %arg4[%dma_start3A_494] : memref<65536xf32, #tpu.memory_space<vmem>> -> memref<4096xf32, #tpu.memory_space<vmem>>
        %dma_start3A_496 = tpu.memref_slice %arg2[%add3A_493] : memref<16777216xf32, #tpu.memory_space<hbm>> -> memref<4096xf32, #tpu.memory_space<hbm>>
        %dma_start3A_497 = arith.constant 57344 : i32
        %dma_start3A_498 = tpu.memref_slice %arg4[%dma_start3A_497] : memref<65536xf32, #tpu.memory_space<vmem>> -> memref<4096xf32, #tpu.memory_space<vmem>>
        %dma_start3A_499 = tpu.memref_slice %arg2[%add3A_493] : memref<16777216xf32, #tpu.memory_space<hbm>> -> memref<4096xf32, #tpu.memory_space<hbm>>
        tpu.enqueue_dma source(%dma_start3A_499 : memref<4096xf32, #tpu.memory_space<hbm>>) target(%dma_start3A_498 : memref<4096xf32, #tpu.memory_space<vmem>>) target_semaphore(%arg7 : memref<!tpu.dma_semaphore, #tpu.memory_space<semaphore_mem>>)
      } else {
      }
      %dma_wait3A_481 = arith.constant 61440 : i32
      %dma_wait3A_482 = tpu.memref_slice %arg4[%dma_wait3A_481] : memref<65536xf32, #tpu.memory_space<vmem>> -> memref<4096xf32, #tpu.memory_space<vmem>>
      %dma_wait3A_483 = tpu.memref_slice %arg3[%add3A_310] : memref<16777216xf32, #tpu.memory_space<hbm>> -> memref<4096xf32, #tpu.memory_space<hbm>>
      %dma_wait3A_484 = tpu.memref_slice %arg3[%add3A_310] : memref<16777216xf32, #tpu.memory_space<hbm>> -> memref<4096xf32, #tpu.memory_space<hbm>>
      %dma_wait3A_485 = arith.constant 61440 : i32
      %dma_wait3A_486 = tpu.memref_slice %arg4[%dma_wait3A_485] : memref<65536xf32, #tpu.memory_space<vmem>> -> memref<4096xf32, #tpu.memory_space<vmem>>
      tpu.wait_dma2 semaphore(%arg6 : memref<!tpu.dma_semaphore, #tpu.memory_space<semaphore_mem>>) src(%dma_wait3A_486 : memref<4096xf32, #tpu.memory_space<vmem>>) dst(%dma_wait3A_484 : memref<4096xf32, #tpu.memory_space<hbm>>)
      %lt3A_487 = arith.constant 7 : i32
      %lt3A_488 = arith.cmpi slt, %scan3A_21, %lt3A_487 : i32
      %convert_element_type3A_489 = arith.extui %lt3A_488 : i1 to i32
      %cond3A_490 = arith.constant 0 : i32
      %cond3A_491 = arith.cmpi ne, %convert_element_type3A_489, %cond3A_490 : i32
      scf.if %cond3A_491 {
        %add3A_492 = arith.constant 61440 : i32
        %add3A_493 = arith.addi %add3A_318, %add3A_492 : i32
        %dma_start3A_494 = arith.constant 61440 : i32
        %dma_start3A_495 = tpu.memref_slice %arg4[%dma_start3A_494] : memref<65536xf32, #tpu.memory_space<vmem>> -> memref<4096xf32, #tpu.memory_space<vmem>>
        %dma_start3A_496 = tpu.memref_slice %arg2[%add3A_493] : memref<16777216xf32, #tpu.memory_space<hbm>> -> memref<4096xf32, #tpu.memory_space<hbm>>
        %dma_start3A_497 = arith.constant 61440 : i32
        %dma_start3A_498 = tpu.memref_slice %arg4[%dma_start3A_497] : memref<65536xf32, #tpu.memory_space<vmem>> -> memref<4096xf32, #tpu.memory_space<vmem>>
        %dma_start3A_499 = tpu.memref_slice %arg2[%add3A_493] : memref<16777216xf32, #tpu.memory_space<hbm>> -> memref<4096xf32, #tpu.memory_space<hbm>>
        tpu.enqueue_dma source(%dma_start3A_499 : memref<4096xf32, #tpu.memory_space<hbm>>) target(%dma_start3A_498 : memref<4096xf32, #tpu.memory_space<vmem>>) target_semaphore(%arg7 : memref<!tpu.dma_semaphore, #tpu.memory_space<semaphore_mem>>)
      } else {
      }
    }
    %scan3A_20 = arith.constant 8 : i32
    return
  }
}

</mosaic_0001>

<sc_bundles>
// kernel: kernel.3.cloned.1.call-start
scs
__scs_entry_jumppad:
0x0: {  	(pc) =	sbr.rel $0x88, $3  }
0x1: {  	(tag) =	ssettag $0x0;
	lr =	simm.s32 $0x1  }
0x2: {  	[smem:$0x3FA0] =	sst lr;
	_ =	strace $0xD0000000  }
0x3: {  	_ = 	snop  }
0x4: {  	_ = 	snop  }
0x5: {  	_ = 	snop  }
0x6: {  	_ = 	snop  }
0x7: {  	_ = 	snop  }
__scs_overlays_trampoline_lowered:
0x8: {  	[smem:$0x3FAF] =	sst s0  }
0x9: {  	[smem:$0x3FB0] =	sst s1  }
0xa: {  	[smem:$0x3FB1] =	sst s2  }
0xb: {  	[smem:$0x3FB2] =	sst s3  }
0xc: {  	[smem:$0x3FB3] =	sst s4  }
0xd: {  	[smem:$0x3FB4] =	sst s5  }
0xe: {  	[smem:$0x3FB5] =	sst s6  }
0xf: {  	[smem:$0x3FB6] =	sst s7  }
0x10: {  	[smem:$0x3FB7] =	sst s8  }
0x11: {  	[smem:$0x3FB8] =	sst s9;
	s0 =	simm.s32 @!p0 $0x0  }
0x12: {  	s1 =	sld [smem:$0x3F9E];
	s0 =	simm.s32 @p0 $0x1  }
0x13: {  	[smem:$0x3FB9] =	sst s0;
	s0 =	simm.s32 @!p1 $0x0  }
0x14: {  	s2 =	sld [smem:$0x3F9D];
	s0 =	simm.s32 @p1 $0x1  }
0x15: {  	[smem:$0x3FBA] =	sst s0;
	s0 =	simm.s32 @!p2 $0x0  }
0x16: {  	s3 =	sld [smem:$0x3FDB];
	s0 =	simm.s32 @p2 $0x1  }
0x17: {  	s4 =	simm.s32 $0x1BF5;
	[smem:$0x3FBC] =	sst s0  }
0x18: {  	s0 =	sld [smem:$0x3F9F];
	_ =	swait.ge [sflag:s4], $0x0  }
0x19: {  	s7 =	sld [smem:$0x3FA0]  }
0x1a: {  	s8 =	sadd.s32 $0xFFFFE003, lr  }
0x1b: {  	s9 =	sadd.s32 $0xFFFFFEF7, lr;
	s5 =	simm.s32 $0xFFFFFFFF;
	p2 =	slt.u32 s8, $0xFFFFF086  }
0x1c: {  	p1 =	slt.u32 s9, $0xF7A;
	s5 =	simm.s32 @!p2 $0x0  }
0x1d: {  	s5 =	simm.s32 @p1 $0x1;
	p0 =	seq.s32 s7, s2  }
0x1e: {  	s7 =	smul.u32 @!p0 $0xF7A, s2;
	p2 =	seq.s32 @!p0 s5, $0x0  }
0x1f: {  	s9 =	smul.u32 $0xF7A, s1;
	s8 =	simm.s32 @!p0 $0x1BF5;
	p2 =	por !p2, p0  }
0x20: {  	[sflag:s8] =	ssyncset.s32 @!p0 $0xFFFFF086;
	s6 =	sadd.s32 @!p0 s3, s7;
	s7 =	simm.s32 @!p0 $0x108  }
0x21: {  	s3 =	sadd.s32 s3, s9;
	s6 =	sadd.s32 @!p0 $0x88, s6;
	s7 =	simm.s32 @p2 $0x1082  }
0x22: {  	[simem:s7], [sflag:s8] =	dma.local @!p0 [hbm:s6], $0xF7A  }
0x23: {  	s9 =	sor.u32 $0xD0000000, s2;
	s6 =	simm.s32 $0x108;
	_ =	swait.ge @!p0 [sflag:s8], $0x0  }
0x24: {  	s3 =	sadd.s32 $0x88, s3;
	s6 =	simm.s32 @!p1 $0x1082;
	[sflag:s4] =	ssyncset.s32 $0xFFFFF086  }
0x25: {  	[simem:s6], [sflag:s4] =	dma.local [hbm:s3], $0xF7A  }
0x26: {  	[smem:$0x3FA0] =	sst s1;
	(tag) =	ssettag s2;
	_ =	strace s9  }
0x27: {  	s1 =	sld [smem:$0x3FB0]  }
0x28: {  	s2 =	sld [smem:$0x3FB1]  }
0x29: {  	s4 =	sld [smem:$0x3FB3]  }
0x2a: {  	p0 =	seq.s32 s5, $0x0;
	s5 =	sld [smem:$0x3FB4]  }
0x2b: {  	s6 =	sld [smem:$0x3FB5]  }
0x2c: {  	s7 =	sld [smem:$0x3FB6]  }
0x2d: {  	s3 =	simm.s32 $0x108;
	s8 =	sld [smem:$0x3FB7]  }
0x2e: {  	s3 =	simm.s32 @!p0 $0x1082;
	s9 =	sld [smem:$0x3FB8]  }
0x2f: {  	lr =	sadd.s32 s0, s3;
	s0 =	sld [smem:$0x3FAF]  }
0x30: {  	s3 =	sld [smem:$0x3FB2]  }
0x31: {  	[smem:$0x3FBB] =	sst s10  }
0x32: {  	s10 =	sld [smem:$0x3FB9];
	_ =	sdelay $0x3  }
0x33: {  	p0 =	seq.s32 s10, $0x1;
	s10 =	sld [smem:$0x3FBB];
	_ =	sdelay $0x3  }
0x34: {  	[smem:$0x3FBB] =	sst s10  }
0x35: {  	s10 =	sld [smem:$0x3FBA];
	_ =	sdelay $0x3  }
0x36: {  	p1 =	seq.s32 s10, $0x1;
	s10 =	sld [smem:$0x3FBB];
	_ =	sdelay $0x3  }
0x37: {  	[smem:$0x3FBB] =	sst s10  }
0x38: {  	s10 =	sld [smem:$0x3FBC]  }
0x39: {  	_ = 	snop;
	(pc) =	sbr.ind lr, $3  }
0x3a: {  	_ = 	snop  }
0x3b: {  	_ = 	snop  }
0x3c: {  	p2 =	seq.s32 s10, $0x1;
	s10 =	sld [smem:$0x3FBB]  }
0x3d: {  	_ =	shalt  }
0x3e: {  	_ =	shalt  }
0x3f: {  	_ =	shalt  }
0x40: {  	_ =	shalt  }
0x41: {  	_ =	shalt  }
0x42: {  	_ =	shalt  }
0x43: {  	_ =	shalt  }
0x44: {  	_ =	shalt  }
0x45: {  	_ =	shalt  }
0x46: {  	_ =	shalt  }
0x47: {  	_ =	shalt  }
0x48: {  	_ =	shalt  }
0x49: {  	_ =	shalt  }
0x4a: {  	_ =	shalt  }
0x4b: {  	_ =	shalt  }
0x4c: {  	_ =	shalt  }
0x4d: {  	_ =	shalt  }
0x4e: {  	_ =	shalt  }
0x4f: {  	_ =	shalt  }
0x50: {  	_ =	shalt  }
0x51: {  	_ =	shalt  }
0x52: {  	_ =	shalt  }
0x53: {  	_ =	shalt  }
0x54: {  	_ =	shalt  }
0x55: {  	_ =	shalt  }
0x56: {  	_ =	shalt  }
0x57: {  	_ =	shalt  }
0x58: {  	_ =	shalt  }
0x59: {  	_ =	shalt  }
0x5a: {  	_ =	shalt  }
0x5b: {  	_ =	shalt  }
0x5c: {  	_ =	shalt  }
0x5d: {  	_ =	shalt  }
0x5e: {  	_ =	shalt  }
0x5f: {  	_ =	shalt  }
0x60: {  	_ =	shalt  }
0x61: {  	_ =	shalt  }
0x62: {  	_ =	shalt  }
0x63: {  	_ =	shalt  }
0x64: {  	_ =	shalt  }
0x65: {  	_ =	shalt  }
0x66: {  	_ =	shalt  }
0x67: {  	_ =	shalt  }
0x68: {  	_ =	shalt  }
0x69: {  	_ =	shalt  }
0x6a: {  	_ =	shalt  }
0x6b: {  	_ =	shalt  }
0x6c: {  	_ =	shalt  }
0x6d: {  	_ =	shalt  }
0x6e: {  	_ =	shalt  }
0x6f: {  	_ =	shalt  }
0x70: {  	_ =	shalt  }
0x71: {  	_ =	shalt  }
0x72: {  	_ =	shalt  }
0x73: {  	_ =	shalt  }
0x74: {  	_ =	shalt  }
0x75: {  	_ =	shalt  }
0x76: {  	_ =	shalt  }
0x77: {  	_ =	shalt  }
0x78: {  	_ =	shalt  }
0x79: {  	_ =	shalt  }
0x7a: {  	_ =	shalt  }
0x7b: {  	_ =	shalt  }
0x7c: {  	_ =	shalt  }
0x7d: {  	_ =	shalt  }
0x7e: {  	_ =	shalt  }
0x7f: {  	_ =	shalt  }
0x80: {  	_ =	shalt  }
0x81: {  	_ =	shalt  }
0x82: {  	_ =	shalt  }
0x83: {  	_ =	shalt  }
0x84: {  	_ =	shalt  }
0x85: {  	_ =	shalt  }
0x86: {  	_ =	shalt  }
0x87: {  	_ =	shalt  }
.Lfunc_end0:
.L_simem_size_0:
called_computation.1_lowered:
.L_overlay_start_0:
0x88: {  	s2 =	sld [smem:$0x3FD9]  }
0x89: {  	s3 =	sld [smem:$0x3FFE];
	_ =	sdelay $0x1  }
0x8a: {  	s1 =	srdreg.scid  }
0x8b: {  	s0 =	sand.u32 $0x1, s1  }
0x8c: {  	s17 =	sshll.u32 s0, $0xA;
	s2 =	sadd.s32 s3, s2  }
0x8d: {  	s2 =	sadd.s32 s2, s17  }
0x8e: {  	[smem:$0x3FC7] =	sst s2  }
0x8f: {  	_ = 	snop  }
0x90: {  	s2 =	sld [smem:$0x3FD0];
	(tm) =	ssettm $0x1  }
0x91: {  	s18 =	sld [smem:$0x3FFB];
	_ =	sdelay $0x3  }
0x92: {  	_ =	strace s18  }
0x93: {  	s3 =	sld [smem:$0x3FFC];
	_ =	sdelay $0x3  }
0x94: {  	_ =	strace s3  }
0x95: {  	s3 =	sld [smem:$0x3FFD];
	_ =	sdelay $0x3  }
0x96: {  	_ =	strace s3  }
0x97: {  	_ =	strace $0x8FFFFFFF  }
0x98: {  	s19 =	sld [smem:$0x3FDB];
	_ =	sdelay $0x1  }
0x99: {  	s4 =	simm.s32 $_scs_section_size  }
0x9a: {  	s5 =	simm.s32 $_size__tile_overlayer_lowered;
	s6 =	simm.s32 $_tile_overlayer_lowered  }
0x9b: {  	s22 =	simm.s32 $0x1BFF;
	s21 =	sshll.u32 s6, $0x1;
	s3 =	sadd.s32 s4, s19  }
0x9c: {  	s7 =	simm.s32 $0x0;
	s20 =	sshll.u32 s5, $0x1;
	s5 =	sadd.s32 s21, s3  }
0x9d: {  	[timem:s7], [sflag:s22] =	dma.local [hbm:s5], s20  }
0x9e: {  	_ =	swait.ge [sflag:s22], s20  }
0x9f: {  	s4 =	ssub.s32 $0x0, s20;
	[sflag:s22] =	ssyncset.done $0x0  }
0xa0: {  	[sflag:s22] =	ssyncadd.s32 s4;
	_ =	sdelay $0x1  }
0xa1: {  	s23 =	simm.s32 $0x1B8B  }
0xa2: {  	_ =	swait.ge [sflag:s23], $0x1  }
0xa3: {  	[sflag:s23] =	ssyncset.done $0x0  }
0xa4: {  	s25 =	simm.s32 $0x1B8E;
	s24 =	sld [smem:$0x3FFE];
	[sflag:s23] =	ssyncadd.s32 $0xFFFFFFFF  }
0xa5: {  	s26 =	simm.s32 $execute0_lowered;
	[smem:$0x3FD2] =	sst s25  }
0xa6: {  	s5 =	sshll.u32 s26, $0x1;
	_ =	strace $0x80000049;
	[dreg:$0x1] =	wrdreg $0xFFFFFFFF  }
0xa7: {  	s28 =	simm.s32 $_size_execute0_lowered;
	s3 =	sadd.s32 s3, s5;
	[dreg:$0x0] =	wrdreg $0x0  }
0xa8: {  	s5 =	sshll.u32 s28, $0x1;
	[dreg:$0x2] =	wrdreg s3  }
0xa9: {  	[dreg:$0x3] =	wrdreg s5  }
0xaa: {  	[dreg:$0x4] =	wrdreg $0xC0  }
0xab: {  	_ =	task [dreg:s7], $0x5FFFF  }
0xac: {  	[dreg:$0x1] =	wrdreg $0xFFFFFFFF  }
0xad: {  	[dreg:$0x0] =	wrdreg $0x60  }
0xae: {  	[dreg:$0x2] =	wrdreg s2  }
0xaf: {  	[dreg:$0x3] =	wrdreg s24  }
0xb0: {  	[dreg:$0x4] =	wrdreg $0x9  }
0xb1: {  	_ =	task.clear_ibuf [dreg:s7], $0x5FFFF;
	_ =	strace $0x90000049  }
0xb2: {  	s29 =	simm.s32 $0x9;
	_ =	strace $0x8000004B  }
0xb3: {  	_ =	swait.ge [sflag:s29], $0x1  }
0xb4: {  	[sflag:s29] =	ssyncadd.s32 $0xFFFFFFFF  }
0xb5: {  	_ =	strace $0x9000004B  }
0xb6: {  	_ =	sfence  }
0xb7: {  	s30 =	sld [smem:$0x0];
	_ =	sdelay $0x2  }
0xb8: {  	s31 =	sshll.u32 s1, $0xD;
	s1 =	sshrl.u32 s1, $0x2  }
0xb9: {  	s3 =	sand.u32 $0x4000, s31;
	s1 =	sadd.s32 s1, s30  }
0xba: {  	s0 =	sor.u32 s3, s0;
	s1 =	sshll.u32 s1, $0x11  }
0xbb: {  	s0 =	sor.u32 s1, s0  }
0xbc: {  	s0 =	sadd.s32 $0x8F2B, s0  }
0xbd: {  	[sflag:s0] =	ssyncadd.remote.s32 $0x1  }
0xbe: {  	_ =	sfence.sel $0xFFFF  }
0xbf: {  	[dreg:$0x0] =	wrdreg $0xFFFFFFFF;
	(pc) =	sbr.abs _section_cstart, $3  }
0xc0: {  	[dreg:$0x1] =	wrdreg $0xFFFFFFFF  }
0xc1: {  	_ =	task.clear_ibuf [dreg:s7], $0x2FFFF;
	_ =	strace $0x9FFFFFFF  }
0xc2: {  	(tm) =	ssettm $0x7FFFFFFF  }
0xc3: {  	_ =	shalt  }
tec
execute0_lowered:
.L_overlay_start_1:
0x0: {  	(tag) =	ssettag $0x1  }
0x1: {  	s5 =	rddreg [dreg:$0x0]  }
0x2: {  	s0 =	rddreg [dreg:$0x1]  }
0x3: {  	s3 =	simm.s32 $0x0;
	s1 =	srdreg.scid;
	s4 =	stileid.u32  }
0x4: {  	s23 =	simm.s32 $0x2;
	s24 =	simm.s32 $0x10000;
	s30 =	simm.s32 $0x1  }
0x5: {  	[smem:$0x7FF] =	sst s3;
	s1 =	sand.u32 $0x1, s1;
	s4 =	sshll.u32 s4, $0x14  }
0x6: {  	s26 =	sadd.s32 $0x800, s0;
	s7 =	sadd.s32 $0xA00, s0;
	s8 =	sadd.s32 $0xC00, s0  }
0x7: {  	s9 =	sadd.s32 $0xE00, s0;
	s10 =	sadd.s32 $0x1000, s0;
	s11 =	sadd.s32 $0x1200, s0  }
0x8: {  	s12 =	sadd.s32 $0x1400, s0;
	s13 =	sadd.s32 $0x1600, s0;
	s14 =	sadd.s32 $0x1800, s0  }
0x9: {  	s15 =	sadd.s32 $0x1A00, s0;
	s16 =	sadd.s32 $0x1C00, s0;
	s17 =	sadd.s32 $0x1E00, s0  }
0xa: {  	v0 =	vlaneseq.u32;
	v1 =	vimm.s32 $0x0;
	v3 =	vimm.s32 $0x1;
	s18 =	sadd.s32 $0x2000, s0;
	s2 =	ssub.s32 $0x2, s1;
	s1 =	sshll.u32 s1, $0x13  }
.Ltmp0:
0xb: {  	v4 =	vimm.s32 $0x2;
	v5 =	vimm.s32 $0x3;
	v6 =	vimm.s32 $0x4;
	s19 =	sadd.s32 $0x2200, s0;
	s4 =	sor.u32 s1, s4;
	(pc) =	sbr.rel .LBB2_1-.Ltmp0, $4  }
0xc: {  	v7 =	vimm.s32 $0x5;
	v8 =	vimm.s32 $0x6;
	v9 =	vimm.s32 $0x7;
	_ =	strace $0x8000004A;
	s6 =	sshrl.u32 s2, $0x1;
	s29 =	sshrl.u32 s4, $0x3  }
0xd: {  	v10 =	vimm.s32 $0x8;
	v11 =	vimm.s32 $0x9;
	v12 =	vimm.s32 $0xA;
	[dreg:$0x3] =	wrdreg s26;
	s28 =	ssub.s32 s2, s6;
	s2 =	sadd.s32 s5, s29  }
0xe: {  	v13 =	vimm.s32 $0xB;
	v14 =	vimm.s32 $0xC;
	s20 =	sadd.s32 $0x2400, s0;
	v2 =	vmul.u32 $0x1000, v0;
	s31 =	smax.u32 s28, $0x1;
	[dreg:$0x4] =	wrdreg s2  }
0xf: {  	v15 =	vimm.s32 $0xD;
	v16 =	vimm.s32 $0xE;
	v17 =	vimm.s32 $0xF;
	s21 =	sadd.s32 $0x2600, s0;
	s1 =	simm.s32 $0x0;
	[dreg:$0x5] =	wrdreg s31  }
.LBB2_89:
0x10: {  	_ =	swait.ge [sflag:s30], $0x1000  }
0x11: {  	[sflag:s30] =	ssyncset.done $0x0  }
0x12: {  	[sflag:s30] =	ssyncadd.s32 $0xFFFFF000  }
0x13: {  	_ =	swait.ge [sflag:s30], $0x1000  }
0x14: {  	[sflag:s30] =	ssyncset.done $0x0  }
0x15: {  	[sflag:s30] =	ssyncadd.s32 $0xFFFFF000  }
0x16: {  	_ =	swait.ge [sflag:s30], $0x1000  }
0x17: {  	[sflag:s30] =	ssyncset.done $0x0  }
0x18: {  	[sflag:s30] =	ssyncadd.s32 $0xFFFFF000  }
0x19: {  	_ =	swait.ge [sflag:s30], $0x1000  }
0x1a: {  	[sflag:s30] =	ssyncset.done $0x0  }
0x1b: {  	[sflag:s30] =	ssyncadd.s32 $0xFFFFF000  }
0x1c: {  	_ =	swait.ge [sflag:s30], $0x1000  }
0x1d: {  	[sflag:s30] =	ssyncset.done $0x0  }
0x1e: {  	[sflag:s30] =	ssyncadd.s32 $0xFFFFF000  }
0x1f: {  	_ =	swait.ge [sflag:s30], $0x1000  }
0x20: {  	[sflag:s30] =	ssyncset.done $0x0  }
0x21: {  	[sflag:s30] =	ssyncadd.s32 $0xFFFFF000  }
0x22: {  	_ =	swait.ge [sflag:s30], $0x1000  }
0x23: {  	[sflag:s30] =	ssyncset.done $0x0  }
0x24: {  	[sflag:s30] =	ssyncadd.s32 $0xFFFFF000  }
0x25: {  	_ =	swait.ge [sflag:s30], $0x1000  }
0x26: {  	[sflag:s30] =	ssyncset.done $0x0  }
0x27: {  	[sflag:s30] =	ssyncadd.s32 $0xFFFFF000  }
0x28: {  	_ =	swait.ge [sflag:s30], $0x1000  }
0x29: {  	[sflag:s30] =	ssyncset.done $0x0  }
0x2a: {  	[sflag:s30] =	ssyncadd.s32 $0xFFFFF000  }
0x2b: {  	_ =	swait.ge [sflag:s30], $0x1000  }
0x2c: {  	[sflag:s30] =	ssyncset.done $0x0  }
0x2d: {  	[sflag:s30] =	ssyncadd.s32 $0xFFFFF000  }
0x2e: {  	_ =	swait.ge [sflag:s30], $0x1000  }
0x2f: {  	[sflag:s30] =	ssyncset.done $0x0  }
0x30: {  	[sflag:s30] =	ssyncadd.s32 $0xFFFFF000  }
0x31: {  	_ =	swait.ge [sflag:s30], $0x1000  }
0x32: {  	[sflag:s30] =	ssyncset.done $0x0  }
0x33: {  	[sflag:s30] =	ssyncadd.s32 $0xFFFFF000  }
0x34: {  	_ =	swait.ge [sflag:s30], $0x1000  }
0x35: {  	[sflag:s30] =	ssyncset.done $0x0  }
0x36: {  	[sflag:s30] =	ssyncadd.s32 $0xFFFFF000  }
0x37: {  	_ =	swait.ge [sflag:s30], $0x1000  }
0x38: {  	[sflag:s30] =	ssyncset.done $0x0  }
0x39: {  	[sflag:s30] =	ssyncadd.s32 $0xFFFFF000  }
0x3a: {  	_ =	swait.ge [sflag:s30], $0x1000  }
0x3b: {  	s1 =	rddreg [dreg:$0x6]  }
0x3c: {  	s0 =	rddreg [dreg:$0x5];
	s1 =	sadd.s32 $0x1, s1  }
0x3d: {  	p0 =	sne.s32 s1, s0  }
.Ltmp1:
0x3e: {  	_ = 	snop;
	(pc) =	sbr.rel @!p0 .LBB2_90-.Ltmp1, $3  }
0x3f: {  	_ =	sdelay $0x1  }
0x40: {  	[sflag:s30] =	ssyncset.done $0x0  }
0x41: {  	[sflag:s30] =	ssyncadd.s32 $0xFFFFF000  }
.LBB2_1:
0x42: {  	[dreg:$0x6] =	wrdreg s1;
	s0 =	simm.s32 $0x10060  }
0x43: {  	[tilespmem:s0+$0xFFFFFFB0] =	vst v1  }
0x44: {  	[tilespmem:s0+$0xFFFFFFC0] =	vst v1  }
0x45: {  	[tilespmem:s0+$0xFFFFFFD0] =	vst v1  }
0x46: {  	[tilespmem:s0+$0xFFFFFFE0] =	vst v1  }
0x47: {  	[tilespmem:s0+$0xFFFFFFF0] =	vst v1  }
0x48: {  	[tilespmem:s0+$0x0] =	vst v1  }
0x49: {  	[tilespmem:s0+$0x10] =	vst v1  }
0x4a: {  	[tilespmem:s0+$0x30] =	vst v1  }
0x4b: {  	[tilespmem:s0+$0x40] =	vst v1  }
0x4c: {  	[tilespmem:s0+$0x50] =	vst v1  }
0x4d: {  	s31 =	sand.u32 $0x7FC0, s3;
	[tilespmem:s0+$0xFFFFFFA0] =	vst v1  }
0x4e: {  	s1 =	simm.s32 $0x10120;
	s2 =	simm.s32 $0x0;
	s0 =	simm.s32 $0x0;
	[tilespmem:s31+$0x10080] =	vst v1  }
.LBB2_2:
0x4f: {  	[tilespmem:s1+$0xFFFFFFB0] =	vst v1  }
0x50: {  	[tilespmem:s1+$0xFFFFFFC0] =	vst v1  }
0x51: {  	[tilespmem:s1+$0xFFFFFFD0] =	vst v1  }
0x52: {  	[tilespmem:s1+$0xFFFFFFE0] =	vst v1  }
0x53: {  	[tilespmem:s1+$0xFFFFFFF0] =	vst v1  }
0x54: {  	s0 =	sadd.s32 $0xC, s0;
	[tilespmem:s1+$0x0] =	vst v1  }
0x55: {  	p0 =	slt.u32 s0, $0x7EC;
	[tilespmem:s1+$0x10] =	vst v1  }
.Ltmp2:
0x56: {  	[tilespmem:s1+$0x30] =	vst v1;
	(pc) =	sbr.rel @p0 .LBB2_2-.Ltmp2, $4  }
0x57: {  	[tilespmem:s1+$0x40] =	vst v1  }
0x58: {  	s2 =	sadd.s32 $0xC0, s2;
	[tilespmem:s1+$0x50] =	vst v1  }
0x59: {  	s6 =	sand.u32 $0x7FC0, s2;
	[tilespmem:s1+$0xFFFFFFA0] =	vst v1  }
0x5a: {  	s1 =	sadd.s32 $0xC0, s1;
	[tilespmem:s6+$0x10080] =	vst v1;
	s6 =	simm.s32 $0x0  }
.LBB2_3:
0x5b: {  	p0 =	sne.s32 s6, $0x1C0  }
.Ltmp3:
0x5c: {  	_ = 	snop;
	(pc) =	sbr.rel @p0 .LBB2_3-.Ltmp3, $3  }
0x5d: {  	_ =	sdelay $0x1  }
0x5e: {  	s0 =	sshra.s32 s6, $0x2  }
0x5f: {  	s6 =	sadd.s32 $0x40, s6;
	[tilespmem:s0+$0x17F80] =	vst v1  }
0x60: {  	s1 =	simm.s32 $0x0;
	s0 =	rddreg [dreg:$0x4];
	s31 =	simm.s32 $0x0  }
0x61: {  	[tilespmem:s1], [sflag:$0x2] =	stream.linear.gather [hbm4b:s0+s1], $0x10000, $0x38;
	[tilespmem:$0x18000] =	vst v63  }
.LBB2_5:
0x62: {  	s0 =	simm.s32 $0x0  }
0x63: {  	s22 =	simm.s32 $0x4;
	s1 =	simm.s32 $0x5;
	v18 =	vor.u32 s0, v2  }
0x64: {  	s2 =	simm.s32 $0xA;
	s25 =	simm.s32 $0xB;
	v19 =	vmov s22;
	v20 =	vadd.s32 s22, v2;
	v22 =	vadd.s32 s1, v2  }
0x65: {  	s6 =	simm.s32 $0x6;
	s26 =	simm.s32 $0x8;
	v23 =	vadd.s32 s25, v2;
	v21 =	vmov s2;
	v24 =	vadd.s32 s2, v2  }
0x66: {  	s28 =	simm.s32 $0x1;
	s29 =	simm.s32 $0x2;
	v25 =	vmov s6;
	v26 =	vmov s26;
	v27 =	vadd.s32 s26, v2  }
0x67: {  	s5 =	simm.s32 $0xC;
	v29 =	vor.u32 s28, v2;
	v31 =	vor.u32 s29, v2;
	v33 =	vmov s1  }
0x68: {  	s22 =	simm.s32 $0x9;
	v45 =	vor.u32 s5, v2;
	v21 =	vand.u32 $0x7E, v21;
	v24 =	vand.u32 $0x1FF80, v24  }
0x69: {  	_ =	swait.ge [sflag:s23], $0x10000;
	v28 =	vmov s22;
	v27 =	vand.u32 $0x1FF80, v27;
	v26 =	vand.u32 $0x7C, v26  }
0x6a: {  	[sflag:s23] =	ssyncset.done $0x0;
	s2 =	simm.s32 $0x7;
	s26 =	simm.s32 $0x12;
	v25 =	vand.u32 $0x7E, v25;
	v22 =	vand.u32 $0x1FF80, v22;
	v20 =	vand.u32 $0x1FF80, v20  }
0x6b: {  	s29 =	simm.s32 $0x17;
	s5 =	simm.s32 $0x16;
	[sflag:s23] =	ssyncadd.s32 $0xFFFF0000;
	v19 =	vand.u32 $0x7C, v19;
	v33 =	vand.u32 $0x7D, v33;
	v41 =	vadd.s32 s2, v2  }
0x6c: {  	s25 =	simm.s32 $0x15;
	v50 =	vmov s26;
	v51 =	vadd.s32 s29, v2;
	v59 =	vmov s5;
	v30 =	vld.idx.msk [tilespmem:v18+s3+$0x0], $0xffff  }
0x6d: {  	v53 =	vmov s25;
	v24 =	vor.u32 v21, v24;
	v21 =	vadd.s32 s22, v2;
	v34 =	vld.idx.msk [tilespmem:v23+s3+$0x0], $0xffff  }
0x6e: {  	v28 =	vand.u32 $0x7D, v28;
	v36 =	vor.u32 v19, v20;
	v20 =	vor.u32 v33, v22;
	v35 =	vld.idx.msk [tilespmem:v29+s3+$0x0], $0xffff  }
0x6f: {  	s1 =	simm.s32 $0x3;
	s22 =	simm.s32 $0x11;
	v61 =	vand.u32 $0x7D, v53;
	v32 =	vand.u32 $0x1FF80, v21;
	v21 =	vor.u32 v26, v27;
	v19 =	vld.idx.msk [tilespmem:v31+s3+$0x0], $0xffff  }
0x70: {  	v27 =	vadd.s32 s6, v2;
	v26 =	vor.u32 s1, v2;
	s6 =	simm.s32 $0x10;
	v49 =	vadd.s32 s22, v2  }
0x71: {  	v28 =	vor.u32 v28, v32;
	v27 =	vand.u32 $0x1FF80, v27;
	v47 =	vmov s6  }
0x72: {  	v48 =	vadd.s32 s6, v2;
	v32 =	vand.u32 $0x7E, v50;
	v49 =	vand.u32 $0x1FF80, v49  }
0x73: {  	v27 =	vor.u32 v25, v27;
	v63 =	vand.u32 $0x1FF80, v48;
	v30 =	vand.u32 $0x7FFFFFFF, v30  }
0x74: {  	v40 =	vld.idx.msk [tilespmem:v36+s3+$0x0], $0xffff;
	v34 =	vand.u32 $0x7FFFFFFF, v34;
	v56 =	vand.u32 $0x7FFFFFFF, v35;
	v19 =	vand.u32 $0x7FFFFFFF, v19  }
0x75: {  	s28 =	simm.s32 $0x14;
	v54 =	vld.idx.msk [tilespmem:v24+s3+$0x0], $0xffff;
	v22 =	vshrl.u32 v30, $0x10;
	v37 =	vshrl.u32 v34, $0x10;
	v42 =	vshrl.u32 v56, $0x10;
	[tilespmem:v18+s3+$0x0] =	vst.idx.msk $0xffff, v30  }
0x76: {  	v25 =	vld.idx.msk [tilespmem:v26+s3+$0x0], $0xffff;
	v43 =	vshrl.u32 v19, $0x10;
	v18 =	vmov s28;
	v30 =	vadd.s32 s28, v2;
	[tilespmem:v23+s3+$0x0] =	vst.idx.msk $0xffff, v34  }
0x77: {  	v55 =	vld.idx.msk [tilespmem:v21+s3+$0x0], $0xffff;
	v23 =	vadd.s32 s25, v2;
	v34 =	vand.u32 $0x7E, v59;
	[tilespmem:v29+s3+$0x0] =	vst.idx.msk $0xffff, v56;
	v29 =	vadd.s32 s26, v2  }
0x78: {  	v22 =	vand.u32 $0x7FF0, v22;
	v37 =	vand.u32 $0x7FF0, v37;
	v42 =	vand.u32 $0x7FF0, v42  }
0x79: {  	v38 =	vld.idx.msk [tilespmem:v28+s3+$0x0], $0xffff;
	v40 =	vand.u32 $0x7FFFFFFF, v40;
	v23 =	vand.u32 $0x1FF80, v23;
	v18 =	vand.u32 $0x7C, v18  }
0x7a: {  	[tilespmem:v31+s3+$0x0] =	vst.idx.msk $0xffff, v19;
	v31 =	vld.idx.msk [tilespmem:v51+s3+$0x0], $0xffff;
	v29 =	vand.u32 $0x1FF80, v29;
	v43 =	vand.u32 $0x7FF0, v43;
	v39 =	vor.u32 v0, v22  }
0x7b: {  	v22 =	vand.u32 $0x7FFFFFFF, v54;
	v57 =	vor.u32 v0, v37;
	v44 =	vand.u32 $0x7FFFFFFF, v25  }
0x7c: {  	v33 =	vand.u32 $0x7FFFFFFF, v55;
	v25 =	vld.idx.msk [tilespmem:v20+s3+$0x0], $0xffff;
	v42 =	vor.u32 v0, v42;
	v52 =	vshrl.u32 v40, $0x10;
	[tilespmem:v36+s3+$0x0] =	vst.idx.msk $0xffff, v40  }
0x7d: {  	v54 =	vand.u32 $0x7C, v47;
	v58 =	vshrl.u32 v22, $0x10;
	v46 =	vshrl.u32 v33, $0x10;
	[tilespmem:v24+s3+$0x0] =	vst.idx.msk $0xffff, v22  }
0x7e: {  	v38 =	vand.u32 $0x7FFFFFFF, v38;
	[tilespmem:v21+s3+$0x0] =	vst.idx.msk $0xffff, v33;
	v59 =	vshrl.u32 v44, $0x10;
	v21 =	vor.u32 v32, v29  }
0x7f: {  	v24 =	vld.idx.msk [tilespmem:v41+s3+$0x0], $0xffff;
	v37 =	vand.u32 $0x7FF0, v58;
	[tilespmem:v28+s3+$0x0] =	vst.idx.msk $0xffff, v38;
	v28 =	vand.u32 $0x1FF80, v30;
	v31 =	vand.u32 $0x7FFFFFFF, v31  }
0x80: {  	v60 =	vmov s22;
	v37 =	vor.u32 v0, v37;
	v19 =	vor.u32 v18, v28;
	v28 =	vld.idx.msk [tilespmem:v27+s3+$0x0], $0xffff;
	[tilespmem:v51+s3+$0x0] =	vst.idx.msk $0xffff, v31  }
0x81: {  	s28 =	simm.s32 $0xF;
	v30 =	vadd.s32 s5, v2;
	v46 =	vand.u32 $0x7FF0, v46;
	v25 =	vand.u32 $0x7FFFFFFF, v25;
	[tilespmem:v57+s24+$0x0] =	vst.idx.add.s32.msk $0xffff, v3  }
0x82: {  	s25 =	simm.s32 $0xD;
	v38 =	vshrl.u32 v38, $0x10;
	v18 =	vor.u32 s28, v2;
	[tilespmem:v42+s24+$0x0] =	vst.idx.add.s32.msk $0xffff, v3;
	v22 =	vshrl.u32 v25, $0x10  }
0x83: {  	[tilespmem:v20+s3+$0x0] =	vst.idx.msk $0xffff, v25;
	v20 =	vand.u32 $0x1FF80, v30;
	v30 =	vld.idx.msk [tilespmem:v45+s3+$0x0], $0xffff;
	v50 =	vand.u32 $0x7FF0, v22;
	v22 =	vor.u32 s25, v2  }
0x84: {  	s26 =	simm.s32 $0xE;
	v55 =	vor.u32 v0, v46;
	v31 =	vshrl.u32 v31, $0x10;
	[tilespmem:v39+s24+$0x0] =	vst.idx.add.s32.msk $0xffff, v3;
	v42 =	vor.u32 v34, v20  }
0x85: {  	v24 =	vand.u32 $0x7FFFFFFF, v24;
	v25 =	vor.u32 v61, v23;
	v20 =	vor.u32 s26, v2;
	[tilespmem:v37+s24+$0x0] =	vst.idx.add.s32.msk $0xffff, v3  }
0x86: {  	v23 =	vand.u32 $0x7D, v60;
	v62 =	vshrl.u32 v24, $0x10;
	[tilespmem:v41+s3+$0x0] =	vst.idx.msk $0xffff, v24;
	v24 =	vand.u32 $0x7FF0, v38;
	v57 =	vld.idx.msk [tilespmem:v19+s3+$0x0], $0xffff  }
0x87: {  	v23 =	vor.u32 v23, v49;
	v38 =	vand.u32 $0x7FF0, v52;
	v48 =	vor.u32 v0, v24;
	v61 =	vld.idx.msk [tilespmem:v18+s3+$0x0], $0xffff  }
0x88: {  	[tilespmem:v26+s3+$0x0] =	vst.idx.msk $0xffff, v44;
	v60 =	vand.u32 $0x7FFFFFFF, v28;
	v28 =	vand.u32 $0x7FF0, v31;
	v24 =	vand.u32 $0x7FFFFFFF, v30;
	v49 =	vld.idx.msk [tilespmem:v22+s3+$0x0], $0xffff  }
0x89: {  	v31 =	vand.u32 $0x7FF0, v59;
	v30 =	vor.u32 v0, v43;
	v53 =	vld.idx.msk [tilespmem:v42+s3+$0x0], $0xffff;
	[tilespmem:v45+s3+$0x0] =	vst.idx.msk $0xffff, v24;
	v24 =	vshrl.u32 v24, $0x10  }
0x8a: {  	v39 =	vor.u32 v0, v38;
	v58 =	vld.idx.msk [tilespmem:v20+s3+$0x0], $0xffff;
	v56 =	vand.u32 $0x7FF0, v24;
	v24 =	vor.u32 v54, v63  }
0x8b: {  	[tilespmem:v55+s24+$0x0] =	vst.idx.add.s32.msk $0xffff, v3;
	v40 =	vor.u32 v0, v50;
	v32 =	vor.u32 v0, v31;
	v31 =	vshrl.u32 v60, $0x10  }
0x8c: {  	s29 =	simm.s32 $0x13;
	v52 =	vand.u32 $0x7FF0, v62;
	v62 =	vor.u32 v0, v28;
	[tilespmem:v27+s3+$0x0] =	vst.idx.msk $0xffff, v60;
	v26 =	vand.u32 $0x7FF0, v31;
	v34 =	vld.idx.msk [tilespmem:v25+s3+$0x0], $0xffff  }
0x8d: {  	v41 =	vor.u32 v0, v52;
	v31 =	vadd.s32 s29, v2;
	v36 =	vor.u32 v0, v26;
	[tilespmem:v48+s24+$0x0] =	vst.idx.add.s32.msk $0xffff, v3  }
0x8e: {  	v27 =	vand.u32 $0x7FFFFFFF, v57;
	v29 =	vor.u32 v0, v56;
	[tilespmem:v30+s24+$0x0] =	vst.idx.add.s32.msk $0xffff, v3;
	v28 =	vand.u32 $0x7FFFFFFF, v53  }
0x8f: {  	v37 =	vand.u32 $0x7FFFFFFF, v49;
	v33 =	vand.u32 $0x7FFFFFFF, v58;
	v63 =	vshrl.u32 v28, $0x10;
	v35 =	vld.idx.msk [tilespmem:v24+s3+$0x0], $0xffff  }
0x90: {  	v38 =	vld.idx.msk [tilespmem:v23+s3+$0x0], $0xffff;
	[tilespmem:v42+s3+$0x0] =	vst.idx.msk $0xffff, v28;
	v26 =	vshrl.u32 v37, $0x10;
	v30 =	vshrl.u32 v33, $0x10;
	v28 =	vand.u32 $0x7FF0, v63  }
0x91: {  	s0 =	simm.s32 $0xFFC;
	s2 =	simm.s32 $0x18;
	[tilespmem:v62+s24+$0x0] =	vst.idx.add.s32.msk $0xffff, v3;
	v42 =	vand.u32 $0x7FF0, v26;
	v26 =	vand.u32 $0x7FFFFFFF, v61;
	v28 =	vor.u32 v0, v28  }
.LBB2_6:
0x92: {  	v43 =	vor.u32 s2, v2;
	s1 =	sadd.s32 $0x4, s2;
	s22 =	sadd.s32 $0x5, s2;
	s25 =	sadd.s32 $0xA, s2;
	[tilespmem:v22+s3+$0x0] =	vst.idx.msk $0xffff, v37;
	v37 =	vshrl.u32 v27, $0x10;
	v34 =	vand.u32 $0x7FFFFFFF, v34  }
0x93: {  	s26 =	sadd.s32 $0x1, s2;
	s6 =	sadd.s32 $0x7, s2;
	v22 =	vor.u32 v0, v42;
	v44 =	vmov s1;
	v45 =	vadd.s32 s1, v2;
	s1 =	sadd.s32 $0x6, s2;
	[tilespmem:v39+s24+$0x0] =	vst.idx.add.s32.msk $0xffff, v3  }
0x94: {  	s28 =	sadd.s32 $0x8, s2;
	s29 =	sadd.s32 $0x9, s2;
	s5 =	sadd.s32 $0xB, s2;
	v39 =	vadd.s32 s22, v2;
	v35 =	vand.u32 $0x7FFFFFFF, v35;
	v42 =	vmov s1;
	v46 =	vld.idx.msk [tilespmem:v31+s3+$0x0], $0xffff;
	[tilespmem:v25+s3+$0x0] =	vst.idx.msk $0xffff, v34  }
0x95: {  	p0 =	slt.u32 s2, $0xFF0;
	v47 =	vadd.s32 s28, v2;
	v48 =	vadd.s32 s5, v2;
	s5 =	smov.u32 s2;
	s2 =	sadd.s32 $0xC, s2;
	v25 =	vmov s28;
	[tilespmem:v40+s24+$0x0] =	vst.idx.add.s32.msk $0xffff, v3  }
0x96: {  	v49 =	vmov s25;
	v50 =	vshrl.u32 v35, $0x10;
	v40 =	vadd.s32 s29, v2;
	[tilespmem:v41+s24+$0x0] =	vst.idx.add.s32.msk $0xffff, v3  }
0x97: {  	v38 =	vand.u32 $0x7FFFFFFF, v38;
	v41 =	vmov s29;
	v40 =	vand.u32 $0x1FF80, v40;
	[tilespmem:v36+s24+$0x0] =	vst.idx.add.s32.msk $0xffff, v3  }
0x98: {  	v49 =	vand.u32 $0x7E, v49;
	v36 =	vmov s22;
	[tilespmem:v22+s24+$0x0] =	vst.idx.add.s32.msk $0xffff, v3;
	v22 =	vshrl.u32 v38, $0x10  }
0x99: {  	v51 =	vadd.s32 s1, v2;
	v42 =	vand.u32 $0x7E, v42;
	v52 =	vand.u32 $0x7FF0, v22;
	[tilespmem:v32+s24+$0x0] =	vst.idx.add.s32.msk $0xffff, v3  }
0x9a: {  	v22 =	vor.u32 s26, v2;
	v32 =	vand.u32 $0x1FF80, v47;
	v47 =	vadd.s32 s25, v2;
	[tilespmem:v23+s3+$0x0] =	vst.idx.msk $0xffff, v38  }
0x9b: {  	v23 =	vand.u32 $0x7C, v25;
	v25 =	vand.u32 $0x7D, v41;
	[tilespmem:v29+s24+$0x0] =	vst.idx.add.s32.msk $0xffff, v3;
	v29 =	vand.u32 $0x7FF0, v37  }
0x9c: {  	v38 =	vand.u32 $0x1FF80, v39;
	v39 =	vand.u32 $0x1FF80, v47;
	v37 =	vld.idx.msk [tilespmem:v43+s3+$0x0], $0xffff;
	[tilespmem:v20+s3+$0x0] =	vst.idx.msk $0xffff, v33;
	v20 =	vand.u32 $0x7FFFFFFF, v46  }
0x9d: {  	s1 =	sadd.s32 $0x2, s5;
	v25 =	vor.u32 v25, v40;
	v33 =	vor.u32 v49, v39;
	[tilespmem:v31+s3+$0x0] =	vst.idx.msk $0xffff, v20;
	v31 =	vshrl.u32 v20, $0x10  }
0x9e: {  	v39 =	vand.u32 $0x1FF80, v51;
	v20 =	vor.u32 s1, v2;
	v40 =	vld.idx.msk [tilespmem:v48+s3+$0x0], $0xffff;
	[tilespmem:v24+s3+$0x0] =	vst.idx.msk $0xffff, v35;
	v24 =	vshrl.u32 v34, $0x10  }
0x9f: {  	v32 =	vor.u32 v23, v32;
	s1 =	sadd.s32 $0x3, s5;
	v35 =	vand.u32 $0x1FF80, v45;
	v34 =	vand.u32 $0x7D, v36;
	v36 =	vld.idx.msk [tilespmem:v21+s3+$0x0], $0xffff  }
0xa0: {  	v41 =	vor.u32 s1, v2;
	v23 =	vor.u32 v34, v38;
	v24 =	vand.u32 $0x7FF0, v24;
	[tilespmem:v28+s24+$0x0] =	vst.idx.add.s32.msk $0xffff, v3  }
0xa1: {  	v30 =	vand.u32 $0x7FF0, v30;
	v38 =	vand.u32 $0x7FF0, v50;
	v45 =	vor.u32 v0, v24;
	v28 =	vld.idx.msk [tilespmem:v22+s3+$0x0], $0xffff  }
0xa2: {  	v30 =	vor.u32 v0, v30;
	v47 =	vand.u32 $0x7FF0, v31;
	v24 =	vand.u32 $0x7FFFFFFF, v37;
	v46 =	vld.idx.msk [tilespmem:v33+s3+$0x0], $0xffff  }
0xa3: {  	v31 =	vand.u32 $0x7C, v44;
	[tilespmem:v43+s3+$0x0] =	vst.idx.msk $0xffff, v24;
	v24 =	vshrl.u32 v24, $0x10;
	v34 =	vld.idx.msk [tilespmem:v25+s3+$0x0], $0xffff;
	v43 =	vor.u32 v0, v29  }
0xa4: {  	v29 =	vand.u32 $0x7FF0, v24;
	v24 =	vor.u32 v31, v35;
	v44 =	vld.idx.msk [tilespmem:v32+s3+$0x0], $0xffff;
	v31 =	vand.u32 $0x7FFFFFFF, v40;
	[tilespmem:v19+s3+$0x0] =	vst.idx.msk $0xffff, v27  }
0xa5: {  	v35 =	vshrl.u32 v26, $0x10;
	v19 =	vmovc v32;
	v27 =	vld.idx.msk [tilespmem:v20+s3+$0x0], $0xffff;
	[tilespmem:v48+s3+$0x0] =	vst.idx.msk $0xffff, v31;
	v31 =	vshrl.u32 v31, $0x10;
	v48 =	vand.u32 $0x7FFFFFFF, v36  }
0xa6: {  	v49 =	vor.u32 v42, v39;
	v32 =	vand.u32 $0x7FF0, v35;
	v31 =	vand.u32 $0x7FF0, v31;
	[tilespmem:v45+s24+$0x0] =	vst.idx.add.s32.msk $0xffff, v3  }
0xa7: {  	v29 =	vor.u32 v0, v29;
	v37 =	vand.u32 $0x7FFFFFFF, v28;
	v45 =	vld.idx.msk [tilespmem:v41+s3+$0x0], $0xffff;
	v50 =	vor.u32 v0, v31  }
0xa8: {  	v32 =	vor.u32 v0, v32;
	v28 =	vand.u32 $0x7FFFFFFF, v46;
	v31 =	vshrl.u32 v48, $0x10;
	[tilespmem:v43+s24+$0x0] =	vst.idx.add.s32.msk $0xffff, v3  }
.Ltmp4:
0xa9: {  	v39 =	vor.u32 v0, v38;
	v36 =	vshrl.u32 v28, $0x10;
	[tilespmem:v18+s3+$0x0] =	vst.idx.msk $0xffff, v26;
	v26 =	vand.u32 $0x7FF0, v31;
	v18 =	vmovc v41;
	(pc) =	sbr.rel @p0 .LBB2_6-.Ltmp4, $4  }
0xaa: {  	v31 =	vadd.s32 s6, v2;
	v35 =	vld.idx.msk [tilespmem:v24+s3+$0x0], $0xffff;
	[tilespmem:v33+s3+$0x0] =	vst.idx.msk $0xffff, v28;
	v28 =	vand.u32 $0x7FF0, v36;
	v36 =	vor.u32 v0, v26  }
0xab: {  	v40 =	vor.u32 v0, v52;
	v33 =	vand.u32 $0x7FFFFFFF, v27;
	v28 =	vor.u32 v0, v28;
	[tilespmem:v30+s24+$0x0] =	vst.idx.add.s32.msk $0xffff, v3  }
0xac: {  	v41 =	vor.u32 v0, v47;
	v26 =	vshrl.u32 v37, $0x10;
	v30 =	vshrl.u32 v33, $0x10;
	v38 =	vld.idx.msk [tilespmem:v23+s3+$0x0], $0xffff;
	[tilespmem:v21+s3+$0x0] =	vst.idx.msk $0xffff, v48  }
0xad: {  	v27 =	vand.u32 $0x7FFFFFFF, v44;
	v42 =	vand.u32 $0x7FF0, v26;
	v26 =	vand.u32 $0x7FFFFFFF, v45;
	v21 =	vmovc v49;
	[tilespmem:v50+s24+$0x0] =	vst.idx.add.s32.msk $0xffff, v3  }
0xae: {  	_ =	sdelay $0x3  }
0xaf: {  	[tilespmem:v22+s3+$0x0] =	vst.idx.msk $0xffff, v37  }
0xb0: {  	[tilespmem:v39+s24+$0x0] =	vst.idx.add.s32.msk $0xffff, v3  }
0xb1: {  	[tilespmem:v40+s24+$0x0] =	vst.idx.add.s32.msk $0xffff, v3  }
0xb2: {  	[tilespmem:v41+s24+$0x0] =	vst.idx.add.s32.msk $0xffff, v3  }
0xb3: {  	[tilespmem:v36+s24+$0x0] =	vst.idx.add.s32.msk $0xffff, v3  }
0xb4: {  	[tilespmem:v32+s24+$0x0] =	vst.idx.add.s32.msk $0xffff, v3  }
0xb5: {  	[tilespmem:v29+s24+$0x0] =	vst.idx.add.s32.msk $0xffff, v3  }
0xb6: {  	[tilespmem:v20+s3+$0x0] =	vst.idx.msk $0xffff, v33  }
0xb7: {  	[tilespmem:v28+s24+$0x0] =	vst.idx.add.s32.msk $0xffff, v3  }
0xb8: {  	v47 =	vand.u32 $0x7FFFFFFF, v34;
	v48 =	vor.u32 v0, v42;
	v49 =	vld.idx.msk [tilespmem:v31+s3+$0x0], $0xffff;
	[tilespmem:v19+s3+$0x0] =	vst.idx.msk $0xffff, v27  }
0xb9: {  	v51 =	vshrl.u32 v27, $0x10;
	v53 =	vld.idx.msk [tilespmem:v21+s3+$0x0], $0xffff;
	v55 =	vand.u32 $0x7FF0, v30;
	[tilespmem:v18+s3+$0x0] =	vst.idx.msk $0xffff, v26;
	v22 =	vshrl.u32 v47, $0x10  }
0xba: {  	v62 =	vshrl.u32 v26, $0x10;
	[tilespmem:v25+s3+$0x0] =	vst.idx.msk $0xffff, v47;
	v54 =	vand.u32 $0x7FFFFFFF, v35;
	v22 =	vand.u32 $0x7FF0, v22  }
0xbb: {  	[tilespmem:v24+s3+$0x0] =	vst.idx.msk $0xffff, v54;
	v56 =	vshrl.u32 v54, $0x10;
	v24 =	vor.u32 v0, v55;
	v50 =	vand.u32 $0x7FFFFFFF, v38  }
0xbc: {  	v22 =	vor.u32 v0, v22;
	v57 =	vand.u32 $0x7FF0, v56;
	[tilespmem:v23+s3+$0x0] =	vst.idx.msk $0xffff, v50;
	v23 =	vand.u32 $0x7FF0, v51  }
0xbd: {  	v25 =	vshrl.u32 v50, $0x10;
	v59 =	vor.u32 v0, v57;
	[tilespmem:v48+s24+$0x0] =	vst.idx.add.s32.msk $0xffff, v3;
	v52 =	vand.u32 $0x7FFFFFFF, v49  }
0xbe: {  	v23 =	vor.u32 v0, v23;
	v25 =	vand.u32 $0x7FF0, v25;
	v58 =	vand.u32 $0x7FFFFFFF, v53;
	[tilespmem:v31+s3+$0x0] =	vst.idx.msk $0xffff, v52  }
0xbf: {  	v19 =	vshrl.u32 v52, $0x10;
	v61 =	vor.u32 v0, v25;
	v25 =	vand.u32 $0x7FF0, v62;
	[tilespmem:v21+s3+$0x0] =	vst.idx.msk $0xffff, v58  }
0xc0: {  	v60 =	vshrl.u32 v58, $0x10;
	v19 =	vand.u32 $0x7FF0, v19;
	[tilespmem:v24+s24+$0x0] =	vst.idx.add.s32.msk $0xffff, v3;
	v63 =	vor.u32 v0, v25  }
0xc1: {  	v18 =	vand.u32 $0x7FF0, v60;
	[tilespmem:v22+s24+$0x0] =	vst.idx.add.s32.msk $0xffff, v3;
	v19 =	vor.u32 v0, v19  }
0xc2: {  	v18 =	vor.u32 v0, v18;
	[tilespmem:v59+s24+$0x0] =	vst.idx.add.s32.msk $0xffff, v3  }
0xc3: {  	[tilespmem:v23+s24+$0x0] =	vst.idx.add.s32.msk $0xffff, v3  }
0xc4: {  	[tilespmem:v61+s24+$0x0] =	vst.idx.add.s32.msk $0xffff, v3  }
0xc5: {  	[tilespmem:v63+s24+$0x0] =	vst.idx.add.s32.msk $0xffff, v3  }
0xc6: {  	[tilespmem:v19+s24+$0x0] =	vst.idx.add.s32.msk $0xffff, v3  }
0xc7: {  	[tilespmem:v18+s24+$0x0] =	vst.idx.add.s32.msk $0xffff, v3  }
.LBB2_8:
0xc8: {  	v18 =	vor.u32 s0, v2;
	_ =	sdelay $0x4  }
0xc9: {  	v19 =	vld.idx.msk [tilespmem:v18+s3+$0x0], $0xffff;
	_ =	sdelay $0x4  }
0xca: {  	v19 =	vand.u32 $0x7FFFFFFF, v19  }
0xcb: {  	v20 =	vshrl.u32 v19, $0x10  }
0xcc: {  	v20 =	vand.u32 $0x7FF0, v20  }
0xcd: {  	p0 =	sne.s32 s0, $0xFFF;
	v20 =	vor.u32 v0, v20  }
.Ltmp5:
0xce: {  	_ = 	snop;
	(pc) =	sbr.rel @p0 .LBB2_8-.Ltmp5, $3  }
0xcf: {  	_ =	sdelay $0x1  }
0xd0: {  	[tilespmem:v18+s3+$0x0] =	vst.idx.msk $0xffff, v19  }
0xd1: {  	s0 =	sadd.s32 $0x1, s0;
	[tilespmem:v20+s24+$0x0] =	vst.idx.add.s32.msk $0xffff, v3  }
0xd2: {  	s2 =	simm.s32 $0x10020  }
0xd3: {  	v19 =	vld [tilespmem:s2+$0xFFFFFFE0];
	_ =	sdelay $0x1  }
0xd4: {  	v20 =	vld [tilespmem:s2+$0xFFFFFFF0]  }
0xd5: {  	v22 =	vld [tilespmem:s2+$0x0]  }
0xd6: {  	v25 =	vimm.s32 $0x0  }
0xd7: {  	s0 =	simm.s32 $0x10060;
	v23 =	vld [tilespmem:s2+$0x10];
	v18 =	vadd.s32 v25, v19  }
0xd8: {  	v24 =	vld [tilespmem:s0+$0xFFFFFFE0];
	vm0 =	vlt.s32 v18, $0x801  }
0xd9: {  	v21 =	vadd.s32 v18, v20;
	v18 =	vld [tilespmem:s0+$0xFFFFFFF0];
	v26 =	vsel vm0, $0x1, v1  }
0xda: {  	v28 =	vadd.s32 v21, v22;
	vm1 =	vlt.s32 v21, $0x801;
	v21 =	vnsel vm0, $0x0, v19;
	v19 =	vld [tilespmem:s0+$0x0]  }
0xdb: {  	[tilespmem:s2+$0xFFFFFFE0] =	vst v1;
	v20 =	vnsel vm1, $0x0, v20;
	v27 =	vadd.s32 v25, v21;
	v21 =	vsel vm1, $0x1, v1  }
0xdc: {  	[tilespmem:s2+$0x0] =	vst v1;
	vm1 =	vlt.s32 v28, $0x801;
	v31 =	vadd.s32 v28, v23;
	v26 =	vadd.s32 v26, v25  }
0xdd: {  	[tilespmem:s0+$0xFFFFFFE0] =	vst v1;
	v27 =	vadd.s32 v20, v27;
	v20 =	vadd.s32 v31, v24;
	v29 =	vnsel vm1, $0x0, v22  }
0xde: {  	[tilespmem:s2+$0xFFFFFFF0] =	vst v1;
	v28 =	vsel vm1, $0x1, v1;
	vm0 =	vlt.s32 v20, $0x801;
	v30 =	vadd.s32 v20, v18  }
0xdf: {  	s1 =	simm.s32 $0x4;
	s6 =	simm.s32 $0x100A0;
	[tilespmem:s0+$0x0] =	vst v1;
	vm1 =	vlt.s32 v31, $0x801;
	v22 =	vsel vm0, $0x1, v1;
	v20 =	vld [tilespmem:s0+$0x10];
	v25 =	vadd.s32 v30, v19  }
.LBB2_10:
0xe0: {  	v31 =	vld [tilespmem:s6+$0xFFFFFFE0];
	s1 =	sadd.s32 $0x4, s1;
	vm2 =	vlt.s32 v30, $0x801;
	v27 =	vadd.s32 v29, v27;
	[tilespmem:s2+$0x10] =	vst v1;
	v23 =	vnsel vm1, $0x0, v23;
	s2 =	smov.u32 s0;
	s0 =	smov.u32 s6  }
0xe1: {  	v24 =	vnsel vm0, $0x0, v24;
	v21 =	vadd.s32 v21, v26;
	[tilespmem:s6+$0xFFFFFFE0] =	vst v1;
	p0 =	slt.u32 s1, $0x7FC;
	v29 =	vnsel vm2, $0x0, v18;
	v18 =	vld [tilespmem:s6+$0xFFFFFFF0]  }
0xe2: {  	v26 =	vadd.s32 v28, v21;
	v28 =	vsel vm1, $0x1, v1;
	v21 =	vadd.s32 v23, v27;
	v32 =	vld [tilespmem:s6+$0x0]  }
.Ltmp6:
0xe3: {  	v30 =	vadd.s32 v21, v24;
	v21 =	vsel vm2, $0x1, v1;
	v28 =	vadd.s32 v28, v26;
	[tilespmem:s6+$0x0] =	vst v1;
	(pc) =	sbr.rel @p0 .LBB2_10-.Ltmp6, $4  }
0xe4: {  	vm1 =	vlt.s32 v25, $0x801;
	v27 =	vadd.s32 v29, v30;
	v33 =	vadd.s32 v25, v20;
	v23 =	vmovc v20  }
0xe5: {  	v26 =	vadd.s32 v22, v28;
	v29 =	vnsel vm1, $0x0, v19;
	v20 =	vadd.s32 v33, v31;
	v24 =	vmovc v31  }
0xe6: {  	v28 =	vsel vm1, $0x1, v1;
	vm0 =	vlt.s32 v20, $0x801;
	v30 =	vadd.s32 v20, v18  }
0xe7: {  	s6 =	sadd.s32 $0x40, s6;
	vm1 =	vlt.s32 v33, $0x801;
	v22 =	vsel vm0, $0x1, v1;
	v25 =	vadd.s32 v30, v32;
	v20 =	vld [tilespmem:s0+$0x10];
	[tilespmem:s2+$0xFFFFFFF0] =	vst v1;
	v19 =	vmovc v32  }
0xe8: {  	vm2 =	vlt.s32 v30, $0x801;
	v27 =	vadd.s32 v29, v27  }
0xe9: {  	v23 =	vnsel vm1, $0x0, v23;
	v24 =	vnsel vm0, $0x0, v24;
	v21 =	vadd.s32 v21, v26  }
0xea: {  	v26 =	vsel vm1, $0x1, v1;
	vm0 =	vlt.s32 v25, $0x801;
	[tilespmem:s2+$0x10] =	vst v1;
	v18 =	vnsel vm2, $0x0, v18  }
0xeb: {  	[tilespmem:s0+$0xFFFFFFF0] =	vst v1;
	s26 =	simm.s32 $0x9;
	s28 =	simm.s32 $0xA;
	v21 =	vadd.s32 v28, v21;
	v23 =	vadd.s32 v23, v27;
	v19 =	vnsel vm0, $0x0, v19  }
0xec: {  	s25 =	simm.s32 $0x6;
	[tilespmem:s0+$0x10] =	vst v1;
	s2 =	simm.s32 $0x3;
	s0 =	simm.s32 $0x12;
	v27 =	vmov s28;
	v28 =	vadd.s32 s28, v2;
	v30 =	vmov s26  }
0xed: {  	v31 =	vadd.s32 s25, v2;
	v32 =	vor.u32 s2, v2;
	v39 =	vmov s0  }
0xee: {  	v48 =	vadd.s32 s0, v2;
	v23 =	vadd.s32 v23, v24;
	v24 =	vsel vm2, $0x1, v1  }
0xef: {  	v21 =	vadd.s32 v26, v21;
	v26 =	vmov s25;
	v28 =	vand.u32 $0x1FF80, v28  }
0xf0: {  	s28 =	simm.s32 $0xD;
	v27 =	vand.u32 $0x7E, v27;
	v30 =	vand.u32 $0x7D, v30;
	v31 =	vand.u32 $0x1FF80, v31  }
0xf1: {  	v43 =	vor.u32 s28, v2;
	v39 =	vand.u32 $0x7E, v39;
	v18 =	vadd.s32 v18, v23  }
0xf2: {  	s22 =	simm.s32 $0x5;
	s25 =	simm.s32 $0x11;
	v21 =	vadd.s32 v22, v21;
	v22 =	vsel vm0, $0x1, v1;
	v27 =	vor.u32 v27, v28  }
0xf3: {  	s28 =	simm.s32 $0x17;
	v28 =	vmov s22;
	v26 =	vand.u32 $0x7E, v26;
	v38 =	vadd.s32 s25, v2  }
0xf4: {  	s1 =	simm.s32 $0x4;
	v46 =	vmov s25;
	v59 =	vadd.s32 s28, v2;
	v23 =	vadd.s32 v25, v20  }
0xf5: {  	s6 =	simm.s32 $0x7;
	v18 =	vadd.s32 v19, v18;
	v19 =	vadd.s32 v24, v21;
	v21 =	vmov s1  }
0xf6: {  	s25 =	simm.s32 $0xF;
	v24 =	vadd.s32 s6, v2;
	v25 =	vadd.s32 s22, v2;
	v28 =	vand.u32 $0x7D, v28  }
0xf7: {  	v26 =	vor.u32 v26, v31;
	v38 =	vand.u32 $0x1FF80, v38;
	v51 =	vor.u32 s25, v2  }
0xf8: {  	v46 =	vand.u32 $0x7D, v46;
	vm0 =	vlt.s32 v23, $0x801;
	v19 =	vadd.s32 v22, v19  }
0xf9: {  	s6 =	simm.s32 $0x0;
	s22 =	simm.s32 $0x10;
	v22 =	vadd.s32 s1, v2;
	v21 =	vand.u32 $0x7C, v21;
	v25 =	vand.u32 $0x1FF80, v25  }
0xfa: {  	v34 =	vor.u32 s6, v2;
	v55 =	vmov s22;
	v36 =	vadd.s32 s22, v2  }
0xfb: {  	s6 =	simm.s32 $0x15;
	v23 =	vsel vm0, $0x1, v1;
	v22 =	vand.u32 $0x1FF80, v22;
	v20 =	vnsel vm0, $0x0, v20  }
0xfc: {  	s22 =	simm.s32 $0xE;
	v25 =	vor.u32 v28, v25;
	v44 =	vadd.s32 s6, v2;
	v36 =	vand.u32 $0x1FF80, v36  }
0xfd: {  	s5 =	simm.s32 $0x8;
	v50 =	vor.u32 s22, v2;
	v23 =	vadd.s32 v23, v19;
	v21 =	vor.u32 v21, v22  }
0xfe: {  	s29 =	simm.s32 $0x1;
	v19 =	vadd.s32 v20, v18;
	v20 =	vmov s5;
	v22 =	vadd.s32 s5, v2  }
0xff: {  	v32 =	vld.idx.msk [tilespmem:v32+s3+$0x0], $0xffff;
	s5 =	simm.s32 $0xB;
	v44 =	vand.u32 $0x1FF80, v44;
	v18 =	vshll.u32 v23, $0x14;
	v23 =	vor.u32 s29, v2  }
0x100: {  	v20 =	vand.u32 $0x7C, v20;
	v22 =	vand.u32 $0x1FF80, v22;
	s29 =	simm.s32 $0x2;
	v33 =	vadd.s32 s5, v2;
	v27 =	vld.idx.msk [tilespmem:v27+s3+$0x0], $0xffff  }
0x101: {  	v20 =	vor.u32 v20, v22;
	v22 =	vadd.s32 s26, v2;
	v29 =	vor.u32 s29, v2;
	v24 =	vld.idx.msk [tilespmem:v24+s3+$0x0], $0xffff;
	s26 =	simm.s32 $0x14  }
0x102: {  	s29 =	simm.s32 $0x16;
	v22 =	vand.u32 $0x1FF80, v22;
	v53 =	vld.idx.msk [tilespmem:v34+s3+$0x0], $0xffff;
	v41 =	vmov s26;
	v42 =	vadd.s32 s26, v2  }
0x103: {  	v45 =	vmov s29;
	v58 =	vadd.s32 s29, v2;
	v22 =	vor.u32 v30, v22;
	v25 =	vld.idx.msk [tilespmem:v25+s3+$0x0], $0xffff  }
0x104: {  	v57 =	vand.u32 $0x1FF80, v42;
	v42 =	vand.u32 $0x1FF80, v58;
	v45 =	vand.u32 $0x7E, v45;
	v21 =	vld.idx.msk [tilespmem:v21+s3+$0x0], $0xffff  }
0x105: {  	v56 =	vand.u32 $0x7C, v41;
	v47 =	vshrl.u32 v32, $0x6;
	v42 =	vor.u32 v45, v42  }
0x106: {  	v54 =	vsub.s32 v27, v18;
	v31 =	vsub.s32 v24, v18;
	v24 =	vshrl.u32 v24, $0x6  }
0x107: {  	v26 =	vld.idx.msk [tilespmem:v26+s3+$0x0], $0xffff;
	s26 =	simm.s32 $0x13;
	vm3 =	vlt.u32 v54, $0x100000;
	v24 =	vand.u32 $0x3FF0, v24;
	v40 =	vshrl.u32 v53, $0x6  }
0x108: {  	v30 =	vld.idx.msk [tilespmem:v33+s3+$0x0], $0xffff;
	v33 =	vsub.s32 v53, v18;
	v53 =	vadd.s32 s26, v2;
	vm9 =	vlt.u32 v31, $0x100000  }
0x109: {  	v23 =	vld.idx.msk [tilespmem:v23+s3+$0x0], $0xffff;
	v24 =	vor.u32 v0, v24;
	v49 =	vsub.s32 v25, v18;
	v35 =	vsub.s32 v21, v18  }
0x10a: {  	v20 =	vld.idx.msk [tilespmem:v20+s3+$0x0], $0xffff;
	v60 =	vand.u32 $0x3FF0, v40;
	vm1 =	vlt.u32 v35, $0x100000;
	v35 =	vand.u32 $0x7C, v55  }
0x10b: {  	v61 =	vld.idx.msk [tilespmem:v22+s3+$0x0], $0xffff;
	v22 =	vshrl.u32 v27, $0x6;
	v21 =	vshrl.u32 v21, $0x6;
	v35 =	vor.u32 v35, v36  }
0x10c: {  	v29 =	vld.idx.msk [tilespmem:v29+s3+$0x0], $0xffff;
	v25 =	vshrl.u32 v25, $0x6;
	vm7 =	vlt.u32 v33, $0x100000;
	v21 =	vand.u32 $0x3FF0, v21  }
0x10d: {  	vm0 =	vlt.u32 v49, $0x100000;
	v63 =	vand.u32 $0x3FF0, v25;
	v21 =	vor.u32 v0, v21  }
0x10e: {  	v52 =	vshrl.u32 v23, $0x6;
	v23 =	vsub.s32 v23, v18;
	v37 =	vsub.s32 v30, v18  }
0x10f: {  	v30 =	vshrl.u32 v30, $0x6;
	vm2 =	vlt.u32 v23, $0x100000;
	v23 =	vand.u32 $0x3FF0, v52  }
0x110: {  	v28 =	vsub.s32 v20, v18;
	v20 =	vshrl.u32 v20, $0x6;
	v23 =	vor.u32 v0, v23;
	v35 =	vld.idx.msk [tilespmem:v35+s3+$0x0], $0xffff  }
0x111: {  	s29 =	simm.s32 $0xC;
	v34 =	vshrl.u32 v29, $0x6;
	v29 =	vsub.s32 v29, v18;
	v52 =	vsub.s32 v26, v18  }
0x112: {  	vm6 =	vlt.u32 v37, $0x100000;
	v25 =	vand.u32 $0x3FF0, v30;
	[tilespmem:v21+s24+$0x0] =	vst.idx.add.s32.msk vm1, v3;
	v21 =	vor.u32 s29, v2  }
0x113: {  	v27 =	vld.idx.msk [tilespmem:v43+s3+$0x0], $0xffff;
	v30 =	vsub.s32 v32, v18;
	v20 =	vand.u32 $0x3FF0, v20;
	vm4 =	vlt.u32 v28, $0x100000  }
0x114: {  	v36 =	vld.idx.msk [tilespmem:v50+s3+$0x0], $0xffff;
	v62 =	vor.u32 v0, v20;
	v20 =	vand.u32 $0x3FF0, v22;
	vm1 =	vlt.u32 v29, $0x100000  }
0x115: {  	v29 =	vor.u32 v56, v57;
	[tilespmem:v23+s24+$0x0] =	vst.idx.add.s32.msk vm2, v3;
	v22 =	vsub.s32 v35, v18;
	v35 =	vshrl.u32 v35, $0x6  }
0x116: {  	v23 =	vor.u32 v0, v20;
	v20 =	vld.idx.msk [tilespmem:v42+s3+$0x0], $0xffff;
	v35 =	vand.u32 $0x3FF0, v35;
	vm8 =	vlt.u32 v22, $0x100000  }
0x117: {  	v26 =	vshrl.u32 v26, $0x6;
	v42 =	vor.u32 v0, v25;
	v25 =	vld.idx.msk [tilespmem:v21+s3+$0x0], $0xffff;
	v21 =	vor.u32 v0, v35  }
0x118: {  	v37 =	vor.u32 v46, v38;
	v28 =	vmov s6;
	v41 =	vld.idx.msk [tilespmem:v53+s3+$0x0], $0xffff;
	vm5 =	vlt.u32 v52, $0x100000  }
0x119: {  	v26 =	vand.u32 $0x3FF0, v26;
	v28 =	vand.u32 $0x7D, v28;
	v56 =	vor.u32 v0, v60;
	[tilespmem:v62+s24+$0x0] =	vst.idx.add.s32.msk vm4, v3  }
0x11a: {  	v58 =	vshrl.u32 v27, $0x6;
	v31 =	vsub.s32 v61, v18;
	v57 =	vld.idx.msk [tilespmem:v29+s3+$0x0], $0xffff;
	v22 =	vand.u32 $0x3FF0, v34  }
0x11b: {  	v29 =	vor.u32 v0, v22;
	v22 =	vor.u32 v28, v44;
	v28 =	vld.idx.msk [tilespmem:v59+s3+$0x0], $0xffff;
	v59 =	vshrl.u32 v61, $0x6  }
0x11c: {  	v32 =	vand.u32 $0x3FF0, v58;
	vm4 =	vlt.u32 v31, $0x100000;
	[tilespmem:v21+s24+$0x0] =	vst.idx.add.s32.msk vm8, v3;
	v21 =	vand.u32 $0x3FF0, v59  }
0x11d: {  	[tilespmem:v24+s24+$0x0] =	vst.idx.add.s32.msk vm9, v3;
	vm2 =	vlt.u32 v30, $0x100000;
	v30 =	vand.u32 $0x1FF80, v48;
	v60 =	vor.u32 v0, v21  }
0x11e: {  	v24 =	vshrl.u32 v36, $0x6;
	v30 =	vor.u32 v39, v30;
	[tilespmem:v56+s24+$0x0] =	vst.idx.add.s32.msk vm7, v3;
	v34 =	vor.u32 v0, v26  }
0x11f: {  	[tilespmem:v23+s24+$0x0] =	vst.idx.add.s32.msk vm3, v3;
	v23 =	vsub.s32 v41, v18;
	v26 =	vshrl.u32 v41, $0x6;
	v38 =	vsub.s32 v20, v18  }
0x120: {  	[tilespmem:v42+s24+$0x0] =	vst.idx.add.s32.msk vm6, v3;
	v61 =	vand.u32 $0x3FF0, v47;
	v35 =	vor.u32 v0, v63;
	v63 =	vsub.s32 v27, v18  }
0x121: {  	v26 =	vand.u32 $0x3FF0, v26;
	v33 =	vor.u32 v0, v61;
	v62 =	vshrl.u32 v57, $0x6;
	v21 =	vld.idx.msk [tilespmem:v51+s3+$0x0], $0xffff  }
0x122: {  	s0 =	simm.s32 $0x18;
	vm3 =	vlt.u32 v63, $0x100000;
	v31 =	vsub.s32 v57, v18;
	v27 =	vand.u32 $0x3FF0, v62;
	[tilespmem:v60+s24+$0x0] =	vst.idx.add.s32.msk vm4, v3  }
.LBB2_12:
0x123: {  	s2 =	sadd.s32 $0x1, s0  }
0x124: {  	s5 =	sadd.s32 $0x4, s0;
	s6 =	sadd.s32 $0x5, s0;
	v36 =	vsub.s32 v36, v18;
	v26 =	vor.u32 v0, v26;
	vm4 =	vlt.u32 v38, $0x100000;
	[tilespmem:v29+s24+$0x0] =	vst.idx.add.s32.msk vm1, v3;
	s1 =	smov.u32 s0  }
0x125: {  	p0 =	slt.u32 s0, $0xFF0;
	s0 =	sadd.s32 $0xC, s0;
	v39 =	vsub.s32 v28, v18;
	v29 =	vmov s5;
	v38 =	vadd.s32 s5, v2;
	s5 =	sadd.s32 $0x6, s1;
	v37 =	vld.idx.msk [tilespmem:v37+s3+$0x0], $0xffff  }
0x126: {  	v42 =	vshrl.u32 v25, $0x6;
	v40 =	vadd.s32 s6, v2;
	s22 =	sadd.s32 $0x8, s1;
	s25 =	sadd.s32 $0x9, s1;
	v41 =	vmov s5;
	[tilespmem:v34+s24+$0x0] =	vst.idx.add.s32.msk vm5, v3  }
0x127: {  	v28 =	vshrl.u32 v28, $0x6;
	v34 =	vmov s22;
	v43 =	vadd.s32 s22, v2;
	s22 =	sadd.s32 $0xA, s1;
	[tilespmem:v35+s24+$0x0] =	vst.idx.add.s32.msk vm0, v3  }
0x128: {  	v44 =	vadd.s32 s25, v2;
	v35 =	vor.u32 s2, v2;
	v45 =	vmov s22;
	[tilespmem:v33+s24+$0x0] =	vst.idx.add.s32.msk vm2, v3  }
0x129: {  	v25 =	vsub.s32 v25, v18;
	v29 =	vand.u32 $0x7C, v29;
	v33 =	vand.u32 $0x1FF80, v38;
	v30 =	vld.idx.msk [tilespmem:v30+s3+$0x0], $0xffff  }
0x12a: {  	v34 =	vand.u32 $0x7C, v34;
	v29 =	vor.u32 v29, v33;
	v33 =	vand.u32 $0x1FF80, v40  }
0x12b: {  	vm5 =	vlt.u32 v31, $0x100000;
	v38 =	vand.u32 $0x1FF80, v43;
	v40 =	vadd.s32 s22, v2  }
0x12c: {  	v31 =	vmov s25;
	v43 =	vand.u32 $0x1FF80, v44;
	v40 =	vand.u32 $0x1FF80, v40  }
0x12d: {  	v46 =	vshrl.u32 v21, $0x6;
	v44 =	vmov s6;
	v45 =	vand.u32 $0x7E, v45  }
0x12e: {  	v47 =	vadd.s32 s5, v2;
	s2 =	sadd.s32 $0x2, s1;
	v41 =	vand.u32 $0x7E, v41;
	s6 =	sadd.s32 $0x3, s1;
	v48 =	vsub.s32 v37, v18  }
0x12f: {  	s5 =	sadd.s32 $0xB, s1;
	v49 =	vor.u32 s2, v2;
	s2 =	sadd.s32 $0x7, s1;
	v50 =	vor.u32 s6, v2;
	v51 =	vsub.s32 v30, v18;
	v29 =	vld.idx.msk [tilespmem:v29+s3+$0x0], $0xffff  }
0x130: {  	v53 =	vadd.s32 s5, v2;
	v52 =	vadd.s32 s2, v2;
	vm0 =	vlt.u32 v48, $0x100000  }
0x131: {  	v32 =	vor.u32 v0, v32;
	v44 =	vand.u32 $0x7D, v44;
	v40 =	vor.u32 v45, v40  }
0x132: {  	vm1 =	vlt.u32 v36, $0x100000;
	vm6 =	vlt.u32 v39, $0x100000;
	v45 =	vor.u32 s1, v2  }
0x133: {  	v20 =	vshrl.u32 v20, $0x6;
	v36 =	vand.u32 $0x3FF0, v42;
	v34 =	vor.u32 v34, v38;
	v38 =	vld.idx.msk [tilespmem:v22+s3+$0x0], $0xffff  }
0x134: {  	v27 =	vor.u32 v0, v27;
	v20 =	vand.u32 $0x3FF0, v20;
	v22 =	vshrl.u32 v37, $0x6;
	v39 =	vld.idx.msk [tilespmem:v35+s3+$0x0], $0xffff  }
0x135: {  	v35 =	vsub.s32 v29, v18;
	v29 =	vshrl.u32 v29, $0x6;
	v48 =	vand.u32 $0x3FF0, v22;
	v42 =	vld.idx.msk [tilespmem:v52+s3+$0x0], $0xffff  }
0x136: {  	v28 =	vand.u32 $0x3FF0, v28;
	v22 =	vand.u32 $0x3FF0, v29;
	[tilespmem:v32+s24+$0x0] =	vst.idx.add.s32.msk vm3, v3;
	v32 =	vor.u32 v0, v20  }
0x137: {  	vm7 =	vlt.u32 v35, $0x100000;
	vm3 =	vlt.u32 v25, $0x100000;
	v20 =	vld.idx.msk [tilespmem:v40+s3+$0x0], $0xffff;
	v40 =	vor.u32 v0, v28  }
0x138: {  	v35 =	vor.u32 v0, v22;
	v22 =	vand.u32 $0x3FF0, v24;
	v25 =	vld.idx.msk [tilespmem:v45+s3+$0x0], $0xffff;
	v45 =	vor.u32 v0, v36  }
0x139: {  	vm8 =	vlt.u32 v23, $0x100000;
	v28 =	vand.u32 $0x7D, v31;
	v29 =	vor.u32 v0, v22;
	v24 =	vld.idx.msk [tilespmem:v34+s3+$0x0], $0xffff  }
0x13a: {  	v21 =	vsub.s32 v21, v18;
	v22 =	vor.u32 v28, v43;
	v52 =	vshrl.u32 v39, $0x6;
	v28 =	vld.idx.msk [tilespmem:v53+s3+$0x0], $0xffff  }
0x13b: {  	vm2 =	vlt.u32 v21, $0x100000;
	v21 =	vsub.s32 v38, v18;
	v23 =	vshrl.u32 v38, $0x6;
	[tilespmem:v27+s24+$0x0] =	vst.idx.add.s32.msk vm5, v3  }
0x13c: {  	v31 =	vshrl.u32 v30, $0x6;
	v27 =	vand.u32 $0x1FF80, v47;
	vm5 =	vlt.u32 v51, $0x100000;
	v36 =	vld.idx.msk [tilespmem:v49+s3+$0x0], $0xffff  }
0x13d: {  	v30 =	vor.u32 v41, v27;
	[tilespmem:v35+s24+$0x0] =	vst.idx.add.s32.msk vm7, v3;
	vm7 =	vlt.u32 v21, $0x100000;
	v21 =	vand.u32 $0x3FF0, v23  }
0x13e: {  	v37 =	vor.u32 v44, v33;
	v23 =	vand.u32 $0x3FF0, v31;
	v41 =	vor.u32 v0, v21;
	[tilespmem:v32+s24+$0x0] =	vst.idx.add.s32.msk vm4, v3  }
.Ltmp7:
0x13f: {  	v27 =	vand.u32 $0x3FF0, v46;
	v31 =	vsub.s32 v24, v18;
	v34 =	vor.u32 v0, v23;
	[tilespmem:v26+s24+$0x0] =	vst.idx.add.s32.msk vm8, v3;
	(pc) =	sbr.rel @p0 .LBB2_12-.Ltmp7, $4  }
0x140: {  	v35 =	vor.u32 v0, v48;
	v23 =	vsub.s32 v42, v18;
	v32 =	vshrl.u32 v24, $0x6;
	v21 =	vld.idx.msk [tilespmem:v50+s3+$0x0], $0xffff  }
0x141: {  	v38 =	vsub.s32 v39, v18;
	v33 =	vor.u32 v0, v27;
	v26 =	vshrl.u32 v42, $0x6;
	[tilespmem:v40+s24+$0x0] =	vst.idx.add.s32.msk vm6, v3  }
0x142: {  	v27 =	vand.u32 $0x3FF0, v32;
	v26 =	vand.u32 $0x3FF0, v26;
	v24 =	vshrl.u32 v36, $0x6;
	[tilespmem:v45+s24+$0x0] =	vst.idx.add.s32.msk vm3, v3  }
0x143: {  	s2 =	simm.s32 $0xFFC;
	v32 =	vand.u32 $0x3FF0, v52;
	vm3 =	vlt.u32 v38, $0x100000;
	v38 =	vsub.s32 v20, v18;
	[tilespmem:v41+s24+$0x0] =	vst.idx.add.s32.msk vm7, v3  }
0x144: {  	_ =	sdelay $0x2  }
0x145: {  	v36 =	vsub.s32 v36, v18;
	v26 =	vor.u32 v0, v26;
	vm7 =	vlt.u32 v38, $0x100000  }
0x146: {  	v37 =	vld.idx.msk [tilespmem:v37+s3+$0x0], $0xffff;
	v50 =	vsub.s32 v28, v18;
	v39 =	vshrl.u32 v25, $0x6;
	v51 =	vshrl.u32 v28, $0x6  }
0x147: {  	v30 =	vld.idx.msk [tilespmem:v30+s3+$0x0], $0xffff;
	v52 =	vsub.s32 v25, v18;
	vm8 =	vlt.u32 v31, $0x100000;
	v32 =	vor.u32 v0, v32  }
0x148: {  	v22 =	vld.idx.msk [tilespmem:v22+s3+$0x0], $0xffff;
	v20 =	vshrl.u32 v20, $0x6;
	v27 =	vor.u32 v0, v27;
	vm11 =	vlt.u32 v23, $0x100000  }
0x149: {  	[tilespmem:v29+s24+$0x0] =	vst.idx.add.s32.msk vm1, v3;
	v24 =	vand.u32 $0x3FF0, v24;
	v54 =	vshrl.u32 v21, $0x6;
	vm6 =	vlt.u32 v36, $0x100000  }
0x14a: {  	[tilespmem:v34+s24+$0x0] =	vst.idx.add.s32.msk vm5, v3;
	vm10 =	vlt.u32 v50, $0x100000;
	v20 =	vand.u32 $0x3FF0, v20;
	v56 =	vand.u32 $0x3FF0, v39  }
0x14b: {  	[tilespmem:v35+s24+$0x0] =	vst.idx.add.s32.msk vm0, v3;
	v28 =	vand.u32 $0x3FF0, v51;
	vm12 =	vlt.u32 v52, $0x100000;
	v24 =	vor.u32 v0, v24  }
0x14c: {  	[tilespmem:v33+s24+$0x0] =	vst.idx.add.s32.msk vm2, v3;
	v61 =	vsub.s32 v21, v18;
	v20 =	vor.u32 v0, v20;
	v63 =	vand.u32 $0x3FF0, v54  }
0x14d: {  	v58 =	vor.u32 v0, v28;
	v29 =	vor.u32 v0, v56;
	v21 =	vor.u32 v0, v63  }
0x14e: {  	vm15 =	vlt.u32 v61, $0x100000;
	v53 =	vsub.s32 v37, v18;
	v55 =	vsub.s32 v30, v18;
	[tilespmem:v32+s24+$0x0] =	vst.idx.add.s32.msk vm3, v3  }
0x14f: {  	v57 =	vshrl.u32 v37, $0x6;
	v59 =	vsub.s32 v22, v18;
	v22 =	vshrl.u32 v22, $0x6;
	[tilespmem:v27+s24+$0x0] =	vst.idx.add.s32.msk vm8, v3  }
0x150: {  	v60 =	vshrl.u32 v30, $0x6;
	vm13 =	vlt.u32 v59, $0x100000;
	v22 =	vand.u32 $0x3FF0, v22;
	[tilespmem:v26+s24+$0x0] =	vst.idx.add.s32.msk vm11, v3  }
0x151: {  	vm14 =	vlt.u32 v55, $0x100000;
	v27 =	vand.u32 $0x3FF0, v60;
	v22 =	vor.u32 v0, v22;
	[tilespmem:v20+s24+$0x0] =	vst.idx.add.s32.msk vm7, v3  }
0x152: {  	vm4 =	vlt.u32 v53, $0x100000;
	v20 =	vand.u32 $0x3FF0, v57;
	v62 =	vor.u32 v0, v27;
	[tilespmem:v58+s24+$0x0] =	vst.idx.add.s32.msk vm10, v3  }
0x153: {  	[tilespmem:v29+s24+$0x0] =	vst.idx.add.s32.msk vm12, v3;
	v20 =	vor.u32 v0, v20  }
0x154: {  	[tilespmem:v24+s24+$0x0] =	vst.idx.add.s32.msk vm6, v3  }
0x155: {  	[tilespmem:v21+s24+$0x0] =	vst.idx.add.s32.msk vm15, v3  }
0x156: {  	[tilespmem:v22+s24+$0x0] =	vst.idx.add.s32.msk vm13, v3  }
0x157: {  	[tilespmem:v62+s24+$0x0] =	vst.idx.add.s32.msk vm14, v3  }
0x158: {  	[tilespmem:v20+s24+$0x0] =	vst.idx.add.s32.msk vm4, v3  }
.LBB2_14:
0x159: {  	v20 =	vor.u32 s2, v2;
	_ =	sdelay $0x4  }
0x15a: {  	v20 =	vld.idx.msk [tilespmem:v20+s3+$0x0], $0xffff;
	_ =	sdelay $0x4  }
0x15b: {  	v21 =	vsub.s32 v20, v18;
	v20 =	vshrl.u32 v20, $0x6  }
0x15c: {  	vm0 =	vlt.u32 v21, $0x100000;
	v20 =	vand.u32 $0x3FF0, v20  }
0x15d: {  	p0 =	sne.s32 s2, $0xFFF;
	v20 =	vor.u32 v0, v20  }
.Ltmp8:
0x15e: {  	_ = 	snop;
	(pc) =	sbr.rel @p0 .LBB2_14-.Ltmp8, $2  }
0x15f: {  	_ =	sdelay $0x2  }
0x160: {  	s2 =	sadd.s32 $0x1, s2;
	[tilespmem:v20+s24+$0x0] =	vst.idx.add.s32.msk vm0, v3  }
0x161: {  	s2 =	simm.s32 $0x10020  }
0x162: {  	v20 =	vld [tilespmem:s2+$0xFFFFFFE0];
	_ =	sdelay $0x1  }
0x163: {  	v23 =	vld [tilespmem:s2+$0xFFFFFFF0]  }
0x164: {  	v24 =	vld [tilespmem:s2+$0x0]  }
0x165: {  	v27 =	vimm.s32 $0x0  }
0x166: {  	v19 =	vsub.s32 $0x800, v19;
	s0 =	simm.s32 $0x10060;
	v25 =	vld [tilespmem:s2+$0x10];
	v21 =	vadd.s32 v27, v20  }
0x167: {  	v26 =	vld [tilespmem:s0+$0xFFFFFFE0];
	vm0 =	vle.s32 v21, v19  }
0x168: {  	v22 =	vadd.s32 v21, v23;
	v21 =	vld [tilespmem:s0+$0xFFFFFFF0];
	v28 =	vsel vm0, $0x1, v1  }
0x169: {  	v30 =	vadd.s32 v22, v24;
	vm1 =	vle.s32 v22, v19;
	v20 =	vnsel vm0, $0x0, v20;
	v22 =	vld [tilespmem:s0+$0x0]  }
0x16a: {  	[tilespmem:s2+$0xFFFFFFE0] =	vst v1;
	v29 =	vnsel vm1, $0x0, v23;
	v20 =	vadd.s32 v27, v20;
	v23 =	vsel vm1, $0x1, v1  }
0x16b: {  	[tilespmem:s2+$0x0] =	vst v1;
	vm1 =	vle.s32 v30, v19;
	v33 =	vadd.s32 v30, v25;
	v28 =	vadd.s32 v28, v27  }
0x16c: {  	[tilespmem:s0+$0xFFFFFFE0] =	vst v1;
	v29 =	vadd.s32 v29, v20;
	v20 =	vadd.s32 v33, v26;
	v31 =	vnsel vm1, $0x0, v24  }
0x16d: {  	[tilespmem:s2+$0xFFFFFFF0] =	vst v1;
	v30 =	vsel vm1, $0x1, v1;
	vm0 =	vle.s32 v20, v19;
	v32 =	vadd.s32 v20, v21  }
0x16e: {  	s1 =	simm.s32 $0x4;
	s6 =	simm.s32 $0x100A0;
	[tilespmem:s0+$0x0] =	vst v1;
	vm1 =	vle.s32 v33, v19;
	v24 =	vsel vm0, $0x1, v1;
	v20 =	vld [tilespmem:s0+$0x10];
	v27 =	vadd.s32 v32, v22  }
.LBB2_16:
0x16f: {  	v33 =	vld [tilespmem:s6+$0xFFFFFFE0];
	s1 =	sadd.s32 $0x4, s1;
	vm2 =	vle.s32 v32, v19;
	v29 =	vadd.s32 v31, v29;
	[tilespmem:s2+$0x10] =	vst v1;
	v25 =	vnsel vm1, $0x0, v25;
	s2 =	smov.u32 s0;
	s0 =	smov.u32 s6  }
0x170: {  	v26 =	vnsel vm0, $0x0, v26;
	v23 =	vadd.s32 v23, v28;
	[tilespmem:s6+$0xFFFFFFE0] =	vst v1;
	p0 =	slt.u32 s1, $0x3FC;
	v31 =	vnsel vm2, $0x0, v21;
	v21 =	vld [tilespmem:s6+$0xFFFFFFF0]  }
0x171: {  	v28 =	vadd.s32 v30, v23;
	v30 =	vsel vm1, $0x1, v1;
	v23 =	vadd.s32 v25, v29;
	v34 =	vld [tilespmem:s6+$0x0]  }
.Ltmp9:
0x172: {  	v32 =	vadd.s32 v23, v26;
	v23 =	vsel vm2, $0x1, v1;
	v30 =	vadd.s32 v30, v28;
	[tilespmem:s6+$0x0] =	vst v1;
	(pc) =	sbr.rel @p0 .LBB2_16-.Ltmp9, $4  }
0x173: {  	vm1 =	vle.s32 v27, v19;
	v29 =	vadd.s32 v31, v32;
	v35 =	vadd.s32 v27, v20;
	v25 =	vmovc v20  }
0x174: {  	v28 =	vadd.s32 v24, v30;
	v31 =	vnsel vm1, $0x0, v22;
	v20 =	vadd.s32 v35, v33;
	v26 =	vmovc v33  }
0x175: {  	v30 =	vsel vm1, $0x1, v1;
	vm0 =	vle.s32 v20, v19;
	v32 =	vadd.s32 v20, v21  }
0x176: {  	s6 =	sadd.s32 $0x40, s6;
	vm1 =	vle.s32 v35, v19;
	v24 =	vsel vm0, $0x1, v1;
	v27 =	vadd.s32 v32, v34;
	v20 =	vld [tilespmem:s0+$0x10];
	[tilespmem:s2+$0xFFFFFFF0] =	vst v1;
	v22 =	vmovc v34  }
0x177: {  	vm2 =	vle.s32 v32, v19;
	v29 =	vadd.s32 v31, v29  }
0x178: {  	v25 =	vnsel vm1, $0x0, v25;
	v26 =	vnsel vm0, $0x0, v26;
	v23 =	vadd.s32 v23, v28  }
0x179: {  	v28 =	vsel vm1, $0x1, v1;
	vm0 =	vle.s32 v27, v19;
	[tilespmem:s2+$0x10] =	vst v1;
	v21 =	vnsel vm2, $0x0, v21  }
0x17a: {  	s5 =	simm.s32 $0x9;
	s22 =	simm.s32 $0x1;
	s25 =	simm.s32 $0x7;
	[tilespmem:s0+$0xFFFFFFF0] =	vst v1;
	v23 =	vadd.s32 v30, v23;
	v25 =	vadd.s32 v25, v29;
	v22 =	vnsel vm0, $0x0, v22  }
0x17b: {  	[tilespmem:s0+$0x10] =	vst v1;
	s2 =	simm.s32 $0x3;
	s0 =	simm.s32 $0x12;
	v29 =	vor.u32 s22, v2;
	v30 =	vmov s5;
	v31 =	vadd.s32 s25, v2  }
0x17c: {  	v57 =	vor.u32 s2, v2;
	v40 =	vmov s0;
	v49 =	vadd.s32 s0, v2  }
0x17d: {  	s6 =	simm.s32 $0xA;
	s25 =	simm.s32 $0x11;
	v25 =	vadd.s32 v25, v26;
	v26 =	vsel vm2, $0x1, v1;
	v23 =	vadd.s32 v28, v23  }
0x17e: {  	v28 =	vadd.s32 s6, v2;
	v30 =	vand.u32 $0x7D, v30;
	v39 =	vadd.s32 s25, v2  }
0x17f: {  	v48 =	vmov s25;
	v40 =	vand.u32 $0x7E, v40;
	v21 =	vadd.s32 v21, v25  }
0x180: {  	v23 =	vadd.s32 v24, v23;
	v24 =	vsel vm0, $0x1, v1;
	v28 =	vand.u32 $0x1FF80, v28  }
0x181: {  	s1 =	simm.s32 $0x4;
	v25 =	vadd.s32 v27, v20;
	v21 =	vadd.s32 v22, v21;
	v22 =	vadd.s32 v26, v23  }
0x182: {  	v23 =	vmov s1;
	v26 =	vadd.s32 s5, v2;
	v27 =	vmov s6  }
0x183: {  	vm0 =	vle.s32 v25, v19;
	v22 =	vadd.s32 v24, v22;
	v24 =	vadd.s32 s1, v2  }
0x184: {  	s5 =	simm.s32 $0xB;
	s6 =	simm.s32 $0x0;
	v23 =	vand.u32 $0x7C, v23;
	v26 =	vand.u32 $0x1FF80, v26;
	v27 =	vand.u32 $0x7E, v27  }
0x185: {  	v33 =	vadd.s32 s5, v2;
	v35 =	vor.u32 s6, v2;
	v25 =	vsel vm0, $0x1, v1  }
0x186: {  	s26 =	simm.s32 $0x5;
	s5 =	simm.s32 $0x15;
	v24 =	vand.u32 $0x1FF80, v24;
	v26 =	vor.u32 v30, v26;
	v27 =	vor.u32 v27, v28  }
0x187: {  	s29 =	simm.s32 $0x8;
	v20 =	vnsel vm0, $0x0, v20;
	v30 =	vmov s26;
	v44 =	vadd.s32 s5, v2  }
0x188: {  	v51 =	vmov s5;
	v22 =	vadd.s32 v25, v22;
	v25 =	vmov s29  }
0x189: {  	s28 =	simm.s32 $0x6;
	v23 =	vor.u32 v23, v24;
	v24 =	vadd.s32 s29, v2;
	v20 =	vadd.s32 v20, v21;
	v21 =	vld.idx.msk [tilespmem:v29+s3+$0x0], $0xffff  }
0x18a: {  	v29 =	vld.idx.msk [tilespmem:v31+s3+$0x0], $0xffff;
	v31 =	vadd.s32 s28, v2;
	v30 =	vand.u32 $0x7D, v30;
	v44 =	vand.u32 $0x1FF80, v44  }
0x18b: {  	s29 =	simm.s32 $0x2;
	v51 =	vand.u32 $0x7D, v51;
	v25 =	vand.u32 $0x7C, v25;
	v24 =	vand.u32 $0x1FF80, v24  }
0x18c: {  	v22 =	vshll.u32 v22, $0xA;
	v28 =	vor.u32 s29, v2;
	v31 =	vand.u32 $0x1FF80, v31  }
0x18d: {  	v32 =	vld.idx.msk [tilespmem:v57+s3+$0x0], $0xffff;
	s29 =	simm.s32 $0xD;
	v24 =	vor.u32 v25, v24;
	v18 =	vor.u32 v18, v22;
	v25 =	vmov s28  }
0x18e: {  	v22 =	vadd.s32 s26, v2;
	s26 =	simm.s32 $0x14;
	v46 =	vor.u32 s29, v2;
	v25 =	vand.u32 $0x7E, v25  }
0x18f: {  	s28 =	simm.s32 $0x16;
	s29 =	simm.s32 $0xC;
	v22 =	vand.u32 $0x1FF80, v22;
	v42 =	vmov s26;
	v43 =	vadd.s32 s26, v2  }
0x190: {  	v33 =	vld.idx.msk [tilespmem:v33+s3+$0x0], $0xffff;
	v45 =	vmov s28;
	v54 =	vor.u32 s29, v2;
	v22 =	vor.u32 v30, v22  }
0x191: {  	s26 =	simm.s32 $0x13;
	v26 =	vld.idx.msk [tilespmem:v26+s3+$0x0], $0xffff;
	v25 =	vor.u32 v25, v31;
	v43 =	vand.u32 $0x1FF80, v43;
	v45 =	vand.u32 $0x7E, v45  }
0x192: {  	v27 =	vld.idx.msk [tilespmem:v27+s3+$0x0], $0xffff;
	v52 =	vadd.s32 s26, v2;
	v62 =	vsub.s32 v32, v18;
	v58 =	vshll.u32 v21, $0x4  }
0x193: {  	v36 =	vsub.s32 v29, v18;
	v21 =	vsub.s32 v21, v18;
	v29 =	vshll.u32 v29, $0x4  }
0x194: {  	s22 =	simm.s32 $0x10;
	v23 =	vld.idx.msk [tilespmem:v23+s3+$0x0], $0xffff;
	vm7 =	vlt.u32 v62, $0x400;
	v29 =	vor.u32 v0, v29;
	vm1 =	vlt.u32 v21, $0x400  }
0x195: {  	vm8 =	vlt.u32 v36, $0x400;
	v38 =	vand.u32 $0x3FFF, v29;
	v29 =	vadd.s32 s22, v2  }
0x196: {  	v60 =	vsub.s32 v33, v18;
	v33 =	vshll.u32 v33, $0x4;
	v29 =	vand.u32 $0x1FF80, v29  }
0x197: {  	v28 =	vld.idx.msk [tilespmem:v28+s3+$0x0], $0xffff;
	v30 =	vshll.u32 v26, $0x4;
	v31 =	vshll.u32 v27, $0x4;
	v26 =	vsub.s32 v26, v18  }
0x198: {  	v21 =	vsub.s32 v27, v18;
	v33 =	vor.u32 v0, v33;
	vm6 =	vlt.u32 v60, $0x400  }
0x199: {  	v24 =	vld.idx.msk [tilespmem:v24+s3+$0x0], $0xffff;
	v34 =	vshll.u32 v23, $0x4;
	v23 =	vsub.s32 v23, v18;
	v30 =	vor.u32 v0, v30  }
0x19a: {  	vm4 =	vlt.u32 v26, $0x400;
	vm2 =	vlt.u32 v21, $0x400;
	v21 =	vmov s22  }
0x19b: {  	v57 =	vand.u32 $0x3FFF, v33;
	v34 =	vor.u32 v0, v34;
	vm0 =	vlt.u32 v23, $0x400  }
0x19c: {  	s22 =	simm.s32 $0xE;
	v30 =	vand.u32 $0x3FFF, v30;
	v59 =	vshll.u32 v28, $0x4;
	v28 =	vsub.s32 v28, v18  }
0x19d: {  	v22 =	vld.idx.msk [tilespmem:v22+s3+$0x0], $0xffff;
	v21 =	vand.u32 $0x7C, v21;
	v50 =	vor.u32 s22, v2;
	v23 =	vand.u32 $0x3FFF, v34  }
0x19e: {  	v25 =	vld.idx.msk [tilespmem:v25+s3+$0x0], $0xffff;
	v37 =	vshll.u32 v24, $0x4;
	v34 =	vor.u32 v0, v58;
	v27 =	vor.u32 v0, v59  }
0x19f: {  	v55 =	vld.idx.msk [tilespmem:v52+s3+$0x0], $0xffff;
	vm3 =	vlt.u32 v28, $0x400;
	v28 =	vor.u32 v21, v29;
	v29 =	vand.u32 $0x7C, v42  }
0x1a0: {  	s25 =	simm.s32 $0xF;
	v26 =	vld.idx.msk [tilespmem:v35+s3+$0x0], $0xffff;
	v21 =	vadd.s32 s28, v2;
	s28 =	simm.s32 $0x17;
	v24 =	vsub.s32 v24, v18;
	v37 =	vor.u32 v0, v37  }
0x1a1: {  	[tilespmem:v38+s24+$0x0] =	vst.idx.add.s32.msk vm8, v3;
	v47 =	vand.u32 $0x1FF80, v21;
	v21 =	vor.u32 s25, v2;
	v53 =	vadd.s32 s28, v2  }
0x1a2: {  	v34 =	vand.u32 $0x3FFF, v34;
	v61 =	vsub.s32 v22, v18;
	v45 =	vor.u32 v45, v47;
	[tilespmem:v30+s24+$0x0] =	vst.idx.add.s32.msk vm4, v3  }
0x1a3: {  	v63 =	vsub.s32 v25, v18;
	v37 =	vand.u32 $0x3FFF, v37;
	v30 =	vshll.u32 v32, $0x4;
	v32 =	vld.idx.msk [tilespmem:v46+s3+$0x0], $0xffff  }
0x1a4: {  	v25 =	vshll.u32 v25, $0x4;
	[tilespmem:v23+s24+$0x0] =	vst.idx.add.s32.msk vm0, v3;
	v23 =	vor.u32 v29, v43;
	v29 =	vor.u32 v51, v44  }
0x1a5: {  	v22 =	vshll.u32 v22, $0x4;
	v41 =	vshll.u32 v26, $0x4;
	vm4 =	vlt.u32 v24, $0x400;
	v28 =	vld.idx.msk [tilespmem:v28+s3+$0x0], $0xffff  }
0x1a6: {  	v26 =	vsub.s32 v26, v18;
	v25 =	vor.u32 v0, v25;
	v24 =	vor.u32 v0, v31  }
0x1a7: {  	vm9 =	vlt.u32 v63, $0x400;
	v22 =	vor.u32 v0, v22;
	v56 =	vand.u32 $0x3FFF, v24;
	[tilespmem:v34+s24+$0x0] =	vst.idx.add.s32.msk vm1, v3  }
0x1a8: {  	v41 =	vor.u32 v0, v41;
	v60 =	vand.u32 $0x3FFF, v25;
	v25 =	vand.u32 $0x1FF80, v39;
	v45 =	vld.idx.msk [tilespmem:v45+s3+$0x0], $0xffff  }
0x1a9: {  	v35 =	vand.u32 $0x3FFF, v22;
	v22 =	vsub.s32 v55, v18;
	vm1 =	vlt.u32 v26, $0x400;
	v26 =	vld.idx.msk [tilespmem:v29+s3+$0x0], $0xffff  }
0x1aa: {  	v59 =	vshll.u32 v32, $0x4;
	v63 =	vsub.s32 v32, v18;
	v31 =	vsub.s32 v28, v18;
	v23 =	vld.idx.msk [tilespmem:v23+s3+$0x0], $0xffff  }
0x1ab: {  	v28 =	vshll.u32 v28, $0x4;
	v29 =	vor.u32 v0, v30;
	[tilespmem:v37+s24+$0x0] =	vst.idx.add.s32.msk vm4, v3;
	vm4 =	vlt.u32 v61, $0x400  }
0x1ac: {  	[tilespmem:v56+s24+$0x0] =	vst.idx.add.s32.msk vm2, v3;
	vm2 =	vlt.u32 v63, $0x400;
	vm0 =	vlt.u32 v31, $0x400;
	v31 =	vand.u32 $0x3FFF, v27  }
0x1ad: {  	[tilespmem:v57+s24+$0x0] =	vst.idx.add.s32.msk vm6, v3;
	v34 =	vor.u32 v0, v59;
	v28 =	vor.u32 v0, v28;
	v58 =	vand.u32 $0x3FFF, v29  }
0x1ae: {  	v33 =	vld.idx.msk [tilespmem:v50+s3+$0x0], $0xffff;
	v27 =	vand.u32 $0x7D, v48;
	v24 =	vand.u32 $0x3FFF, v28;
	v28 =	vand.u32 $0x3FFF, v41  }
0x1af: {  	[tilespmem:v60+s24+$0x0] =	vst.idx.add.s32.msk vm9, v3;
	v36 =	vor.u32 v27, v25;
	v25 =	vand.u32 $0x1FF80, v49;
	v38 =	vsub.s32 v45, v18  }
0x1b0: {  	v30 =	vld.idx.msk [tilespmem:v53+s3+$0x0], $0xffff;
	v27 =	vor.u32 v40, v25;
	v25 =	vshll.u32 v45, $0x4;
	v61 =	vshll.u32 v26, $0x4  }
0x1b1: {  	v26 =	vsub.s32 v26, v18;
	v62 =	vshll.u32 v23, $0x4;
	[tilespmem:v31+s24+$0x0] =	vst.idx.add.s32.msk vm3, v3;
	v31 =	vor.u32 v0, v61  }
0x1b2: {  	v29 =	vld.idx.msk [tilespmem:v54+s3+$0x0], $0xffff;
	vm5 =	vlt.u32 v26, $0x400;
	v26 =	vshll.u32 v55, $0x4;
	v32 =	vor.u32 v0, v62  }
0x1b3: {  	s0 =	simm.s32 $0x18;
	[tilespmem:v58+s24+$0x0] =	vst.idx.add.s32.msk vm7, v3;
	v37 =	vand.u32 $0x3FFF, v31;
	v31 =	vshll.u32 v33, $0x4;
	v26 =	vor.u32 v0, v26  }
.LBB2_18:
0x1b4: {  	s2 =	sadd.s32 $0x1, s0  }
0x1b5: {  	s5 =	sadd.s32 $0x4, s0;
	s6 =	sadd.s32 $0x5, s0;
	v39 =	vor.u32 v0, v31;
	v31 =	vld.idx.msk [tilespmem:v36+s3+$0x0], $0xffff;
	v26 =	vand.u32 $0x3FFF, v26;
	vm3 =	vlt.u32 v38, $0x400;
	s1 =	smov.u32 s0  }
0x1b6: {  	p0 =	slt.u32 s0, $0xFF0;
	s0 =	sadd.s32 $0xC, s0;
	v40 =	vsub.s32 v30, v18;
	v36 =	vmov s5;
	v38 =	vadd.s32 s5, v2;
	s5 =	sadd.s32 $0x6, s1;
	[tilespmem:v28+s24+$0x0] =	vst.idx.add.s32.msk vm1, v3  }
0x1b7: {  	v42 =	vshll.u32 v29, $0x4;
	v41 =	vadd.s32 s6, v2;
	s22 =	sadd.s32 $0x8, s1;
	s25 =	sadd.s32 $0x9, s1;
	v28 =	vmov s5;
	[tilespmem:v35+s24+$0x0] =	vst.idx.add.s32.msk vm4, v3  }
0x1b8: {  	v30 =	vshll.u32 v30, $0x4;
	v35 =	vmov s22;
	v43 =	vadd.s32 s22, v2;
	s22 =	sadd.s32 $0xA, s1;
	[tilespmem:v37+s24+$0x0] =	vst.idx.add.s32.msk vm5, v3  }
0x1b9: {  	v33 =	vsub.s32 v33, v18;
	v37 =	vadd.s32 s25, v2;
	v44 =	vmov s22;
	[tilespmem:v24+s24+$0x0] =	vst.idx.add.s32.msk vm0, v3  }
0x1ba: {  	v36 =	vand.u32 $0x7C, v36;
	vm5 =	vlt.u32 v33, $0x400;
	v24 =	vand.u32 $0x1FF80, v38  }
0x1bb: {  	v33 =	vand.u32 $0x7C, v35;
	v24 =	vor.u32 v36, v24;
	v35 =	vsub.s32 v31, v18  }
0x1bc: {  	v30 =	vor.u32 v0, v30;
	v38 =	vadd.s32 s22, v2;
	v36 =	vand.u32 $0x1FF80, v43;
	v43 =	vld.idx.msk [tilespmem:v21+s3+$0x0], $0xffff  }
0x1bd: {  	v45 =	vor.u32 s2, v2;
	v37 =	vand.u32 $0x1FF80, v37;
	v38 =	vand.u32 $0x1FF80, v38  }
0x1be: {  	v29 =	vsub.s32 v29, v18;
	v46 =	vmov s6;
	v44 =	vand.u32 $0x7E, v44  }
0x1bf: {  	s2 =	sadd.s32 $0x2, s1;
	s6 =	sadd.s32 $0x3, s1;
	v47 =	vadd.s32 s5, v2;
	v48 =	vand.u32 $0x7E, v28;
	v28 =	vor.u32 v0, v42;
	v27 =	vld.idx.msk [tilespmem:v27+s3+$0x0], $0xffff  }
0x1c0: {  	v49 =	vmov s25;
	s5 =	sadd.s32 $0xB, s1;
	v42 =	vor.u32 s2, v2;
	s2 =	sadd.s32 $0x7, s1;
	v21 =	vor.u32 s6, v2;
	v24 =	vld.idx.msk [tilespmem:v24+s3+$0x0], $0xffff  }
0x1c1: {  	v49 =	vand.u32 $0x7D, v49;
	v51 =	vadd.s32 s5, v2;
	v50 =	vadd.s32 s2, v2  }
0x1c2: {  	v34 =	vand.u32 $0x3FFF, v34;
	v38 =	vor.u32 v44, v38;
	v44 =	vsub.s32 v43, v18  }
0x1c3: {  	v23 =	vsub.s32 v23, v18;
	v52 =	vor.u32 s1, v2;
	v43 =	vshll.u32 v43, $0x4  }
0x1c4: {  	vm4 =	vlt.u32 v23, $0x400;
	v33 =	vor.u32 v33, v36;
	v36 =	vor.u32 v49, v37  }
0x1c5: {  	v32 =	vand.u32 $0x3FFF, v32;
	v23 =	vor.u32 v0, v25;
	v37 =	vld.idx.msk [tilespmem:v45+s3+$0x0], $0xffff;
	v45 =	vsub.s32 v27, v18  }
0x1c6: {  	v25 =	vsub.s32 v24, v18;
	v24 =	vshll.u32 v24, $0x4;
	v27 =	vshll.u32 v27, $0x4;
	v49 =	vld.idx.msk [tilespmem:v50+s3+$0x0], $0xffff  }
0x1c7: {  	v24 =	vor.u32 v0, v24;
	v50 =	vand.u32 $0x3FFF, v30;
	[tilespmem:v34+s24+$0x0] =	vst.idx.add.s32.msk vm2, v3;
	v34 =	vand.u32 $0x3FFF, v23  }
0x1c8: {  	vm1 =	vlt.u32 v29, $0x400;
	vm0 =	vlt.u32 v25, $0x400;
	vm2 =	vlt.u32 v40, $0x400;
	v38 =	vld.idx.msk [tilespmem:v38+s3+$0x0], $0xffff  }
0x1c9: {  	v28 =	vand.u32 $0x3FFF, v28;
	v25 =	vor.u32 v0, v43;
	v24 =	vand.u32 $0x3FFF, v24;
	v40 =	vld.idx.msk [tilespmem:v36+s3+$0x0], $0xffff  }
0x1ca: {  	v39 =	vand.u32 $0x3FFF, v39;
	v43 =	vand.u32 $0x3FFF, v25;
	v25 =	vor.u32 v0, v27;
	v23 =	vld.idx.msk [tilespmem:v33+s3+$0x0], $0xffff  }
0x1cb: {  	vm7 =	vlt.u32 v44, $0x400;
	v44 =	vand.u32 $0x3FFF, v25;
	v53 =	vshll.u32 v37, $0x4;
	v30 =	vld.idx.msk [tilespmem:v51+s3+$0x0], $0xffff  }
0x1cc: {  	vm8 =	vlt.u32 v22, $0x400;
	v27 =	vand.u32 $0x7D, v46;
	v25 =	vand.u32 $0x1FF80, v41;
	[tilespmem:v32+s24+$0x0] =	vst.idx.add.s32.msk vm4, v3  }
0x1cd: {  	v22 =	vand.u32 $0x1FF80, v47;
	vm6 =	vlt.u32 v45, $0x400;
	v36 =	vor.u32 v27, v25;
	v33 =	vld.idx.msk [tilespmem:v42+s3+$0x0], $0xffff  }
0x1ce: {  	v27 =	vor.u32 v48, v22;
	v22 =	vshll.u32 v31, $0x4;
	vm4 =	vlt.u32 v35, $0x400;
	v29 =	vld.idx.msk [tilespmem:v52+s3+$0x0], $0xffff  }
0x1cf: {  	v22 =	vor.u32 v0, v22;
	v25 =	vshll.u32 v38, $0x4;
	v31 =	vshll.u32 v40, $0x4;
	[tilespmem:v39+s24+$0x0] =	vst.idx.add.s32.msk vm5, v3  }
.Ltmp10:
0x1d0: {  	v35 =	vand.u32 $0x3FFF, v22;
	v32 =	vsub.s32 v40, v18;
	v31 =	vor.u32 v0, v31;
	[tilespmem:v34+s24+$0x0] =	vst.idx.add.s32.msk vm3, v3;
	(pc) =	sbr.rel @p0 .LBB2_18-.Ltmp10, $4  }
0x1d1: {  	v22 =	vsub.s32 v49, v18;
	vm5 =	vlt.u32 v32, $0x400;
	v34 =	vshll.u32 v23, $0x4;
	[tilespmem:v43+s24+$0x0] =	vst.idx.add.s32.msk vm7, v3  }
0x1d2: {  	v39 =	vsub.s32 v37, v18;
	v32 =	vshll.u32 v49, $0x4;
	v37 =	vand.u32 $0x3FFF, v31;
	[tilespmem:v26+s24+$0x0] =	vst.idx.add.s32.msk vm8, v3  }
0x1d3: {  	v31 =	vshll.u32 v33, $0x4;
	v26 =	vor.u32 v0, v32;
	v32 =	vor.u32 v0, v34;
	[tilespmem:v50+s24+$0x0] =	vst.idx.add.s32.msk vm2, v3  }
0x1d4: {  	s2 =	simm.s32 $0xFFC;
	v38 =	vsub.s32 v38, v18;
	v34 =	vor.u32 v0, v53;
	vm2 =	vlt.u32 v39, $0x400;
	[tilespmem:v44+s24+$0x0] =	vst.idx.add.s32.msk vm6, v3  }
0x1d5: {  	_ =	sdelay $0x1  }
0x1d6: {  	v31 =	vor.u32 v0, v31  }
0x1d7: {  	v26 =	vand.u32 $0x3FFF, v26;
	vm3 =	vlt.u32 v38, $0x400;
	v33 =	vsub.s32 v33, v18  }
0x1d8: {  	v36 =	vld.idx.msk [tilespmem:v36+s3+$0x0], $0xffff;
	v56 =	vsub.s32 v30, v18;
	v23 =	vsub.s32 v23, v18;
	v57 =	vshll.u32 v29, $0x4  }
0x1d9: {  	v21 =	vld.idx.msk [tilespmem:v21+s3+$0x0], $0xffff;
	v58 =	vshll.u32 v30, $0x4;
	v34 =	vand.u32 $0x3FFF, v34;
	v59 =	vsub.s32 v29, v18  }
0x1da: {  	v27 =	vld.idx.msk [tilespmem:v27+s3+$0x0], $0xffff;
	v32 =	vand.u32 $0x3FFF, v32;
	v25 =	vor.u32 v0, v25;
	vm11 =	vlt.u32 v22, $0x400  }
0x1db: {  	[tilespmem:v28+s24+$0x0] =	vst.idx.add.s32.msk vm1, v3;
	vm6 =	vlt.u32 v33, $0x400;
	vm7 =	vlt.u32 v23, $0x400;
	v25 =	vand.u32 $0x3FFF, v25  }
0x1dc: {  	[tilespmem:v35+s24+$0x0] =	vst.idx.add.s32.msk vm4, v3;
	v30 =	vor.u32 v0, v58;
	v31 =	vand.u32 $0x3FFF, v31;
	v61 =	vor.u32 v0, v57  }
0x1dd: {  	[tilespmem:v37+s24+$0x0] =	vst.idx.add.s32.msk vm5, v3;
	vm12 =	vlt.u32 v56, $0x400;
	vm14 =	vlt.u32 v59, $0x400;
	v62 =	vand.u32 $0x3FFF, v30  }
0x1de: {  	[tilespmem:v24+s24+$0x0] =	vst.idx.add.s32.msk vm0, v3;
	v24 =	vand.u32 $0x3FFF, v61;
	v23 =	vsub.s32 v36, v18;
	v60 =	vsub.s32 v21, v18  }
0x1df: {  	v21 =	vshll.u32 v21, $0x4;
	v22 =	vsub.s32 v27, v18;
	v27 =	vshll.u32 v27, $0x4;
	[tilespmem:v34+s24+$0x0] =	vst.idx.add.s32.msk vm2, v3  }
0x1e0: {  	v63 =	vshll.u32 v36, $0x4;
	v21 =	vor.u32 v0, v21;
	vm10 =	vlt.u32 v60, $0x400;
	[tilespmem:v25+s24+$0x0] =	vst.idx.add.s32.msk vm3, v3  }
0x1e1: {  	v27 =	vor.u32 v0, v27;
	vm13 =	vlt.u32 v22, $0x400;
	[tilespmem:v26+s24+$0x0] =	vst.idx.add.s32.msk vm11, v3;
	v21 =	vand.u32 $0x3FFF, v21  }
0x1e2: {  	vm15 =	vlt.u32 v23, $0x400;
	v23 =	vor.u32 v0, v63;
	[tilespmem:v32+s24+$0x0] =	vst.idx.add.s32.msk vm7, v3;
	v22 =	vand.u32 $0x3FFF, v27  }
0x1e3: {  	[tilespmem:v31+s24+$0x0] =	vst.idx.add.s32.msk vm6, v3;
	v23 =	vand.u32 $0x3FFF, v23  }
0x1e4: {  	[tilespmem:v62+s24+$0x0] =	vst.idx.add.s32.msk vm12, v3  }
0x1e5: {  	[tilespmem:v24+s24+$0x0] =	vst.idx.add.s32.msk vm14, v3  }
0x1e6: {  	[tilespmem:v21+s24+$0x0] =	vst.idx.add.s32.msk vm10, v3  }
0x1e7: {  	[tilespmem:v22+s24+$0x0] =	vst.idx.add.s32.msk vm13, v3  }
0x1e8: {  	[tilespmem:v23+s24+$0x0] =	vst.idx.add.s32.msk vm15, v3  }
.LBB2_20:
0x1e9: {  	v21 =	vor.u32 s2, v2;
	_ =	sdelay $0x4  }
0x1ea: {  	v21 =	vld.idx.msk [tilespmem:v21+s3+$0x0], $0xffff;
	_ =	sdelay $0x4  }
0x1eb: {  	v22 =	vsub.s32 v21, v18;
	v21 =	vshll.u32 v21, $0x4  }
0x1ec: {  	vm0 =	vlt.u32 v22, $0x400;
	v21 =	vor.u32 v0, v21  }
0x1ed: {  	p0 =	sne.s32 s2, $0xFFF;
	v21 =	vand.u32 $0x3FFF, v21  }
.Ltmp11:
0x1ee: {  	_ = 	snop;
	(pc) =	sbr.rel @p0 .LBB2_20-.Ltmp11, $2  }
0x1ef: {  	_ =	sdelay $0x2  }
0x1f0: {  	s2 =	sadd.s32 $0x1, s2;
	[tilespmem:v21+s24+$0x0] =	vst.idx.add.s32.msk vm0, v3  }
0x1f1: {  	s2 =	simm.s32 $0x10020  }
0x1f2: {  	v21 =	vld [tilespmem:s2+$0xFFFFFFE0]  }
0x1f3: {  	v22 =	vld [tilespmem:s2+$0xFFFFFFF0];
	_ =	sdelay $0x1  }
0x1f4: {  	v23 =	vld [tilespmem:s2+$0x0]  }
0x1f5: {  	v24 =	vimm.s32 $0x0  }
0x1f6: {  	s0 =	simm.s32 $0x10060;
	v19 =	vsub.s32 v19, v20;
	v25 =	vld [tilespmem:s2+$0x10];
	v20 =	vadd.s32 v24, v21  }
0x1f7: {  	[tilespmem:s2+$0xFFFFFFE0] =	vst v1;
	v26 =	vld [tilespmem:s0+$0xFFFFFFE0];
	vm0 =	vle.s32 v20, v19;
	v20 =	vadd.s32 v20, v22  }
0x1f8: {  	[tilespmem:s2+$0x0] =	vst v1;
	v22 =	vsel vm0, $0x1, v1;
	vm0 =	vle.s32 v20, v19  }
0x1f9: {  	[tilespmem:s2+$0x10] =	vst v1;
	v23 =	vadd.s32 v20, v23;
	v22 =	vadd.s32 v22, v24;
	v24 =	vsel vm0, $0x1, v1  }
0x1fa: {  	[tilespmem:s0+$0xFFFFFFE0] =	vst v1;
	vm0 =	vle.s32 v23, v19;
	v24 =	vadd.s32 v24, v22;
	v22 =	vld [tilespmem:s0+$0xFFFFFFF0]  }
0x1fb: {  	v21 =	vld [tilespmem:s0+$0x0];
	[tilespmem:s0+$0x0] =	vst v1;
	v25 =	vadd.s32 v23, v25;
	v27 =	vsel vm0, $0x1, v1  }
0x1fc: {  	s1 =	simm.s32 $0x4;
	s6 =	simm.s32 $0x100A0;
	v20 =	vld [tilespmem:s0+$0x10];
	[tilespmem:s0+$0x10] =	vst v1;
	v23 =	vadd.s32 v25, v26;
	vm0 =	vle.s32 v25, v19;
	v24 =	vadd.s32 v27, v24  }
.LBB2_22:
0x1fd: {  	s1 =	sadd.s32 $0x4, s1  }
0x1fe: {  	v25 =	vld [tilespmem:s6+$0xFFFFFFE0];
	[tilespmem:s2+$0xFFFFFFF0] =	vst v1;
	v26 =	vsel vm0, $0x1, v1;
	s2 =	smov.u32 s0;
	s0 =	smov.u32 s6;
	p0 =	slt.u32 s1, $0x3FC  }
.Ltmp12:
0x1ff: {  	vm0 =	vle.s32 v23, v19;
	[tilespmem:s6+$0xFFFFFFE0] =	vst v1;
	v23 =	vadd.s32 v23, v22;
	v24 =	vadd.s32 v26, v24;
	(pc) =	sbr.rel @p0 .LBB2_22-.Ltmp12, $4  }
0x200: {  	v26 =	vsel vm0, $0x1, v1;
	v22 =	vld [tilespmem:s6+$0xFFFFFFF0];
	vm0 =	vle.s32 v23, v19;
	v23 =	vadd.s32 v23, v21  }
0x201: {  	v24 =	vadd.s32 v26, v24;
	v21 =	vld [tilespmem:s6+$0x0];
	v26 =	vsel vm0, $0x1, v1;
	vm0 =	vle.s32 v23, v19  }
0x202: {  	v27 =	vadd.s32 v23, v20;
	[tilespmem:s6+$0x0] =	vst v1;
	v24 =	vadd.s32 v26, v24;
	v26 =	vsel vm0, $0x1, v1;
	v20 =	vld [tilespmem:s6+$0x10]  }
0x203: {  	s6 =	sadd.s32 $0x40, s6;
	vm0 =	vle.s32 v27, v19;
	v23 =	vadd.s32 v27, v25;
	[tilespmem:s0+$0x10] =	vst v1;
	v24 =	vadd.s32 v26, v24  }
0x204: {  	v25 =	vsel vm0, $0x1, v1;
	vm0 =	vle.s32 v23, v19  }
0x205: {  	v22 =	vadd.s32 v23, v22;
	v23 =	vadd.s32 v25, v24;
	v24 =	vsel vm0, $0x1, v1  }
0x206: {  	vm0 =	vle.s32 v22, v19;
	v21 =	vadd.s32 v22, v21;
	v22 =	vadd.s32 v24, v23  }
0x207: {  	[tilespmem:s2+$0xFFFFFFF0] =	vst v1;
	v23 =	vsel vm0, $0x1, v1;
	vm0 =	vle.s32 v21, v19;
	v20 =	vadd.s32 v21, v20  }
0x208: {  	[tilespmem:s0+$0xFFFFFFF0] =	vst v1;
	s0 =	simm.s32 $0x0;
	s2 =	simm.s32 $0x60;
	v21 =	vadd.s32 v23, v22;
	v22 =	vsel vm0, $0x1, v1;
	vm0 =	vle.s32 v20, v19  }
0x209: {  	s1 =	sand.u32 $0xFC0, s0;
	v19 =	vadd.s32 v22, v21;
	v20 =	vsel vm0, $0x1, v1;
	v21 =	vld [tilespmem:s2+$0x50]  }
0x20a: {  	v22 =	vld [tilespmem:s1+$0x80];
	v19 =	vadd.s32 v20, v19  }
0x20b: {  	v23 =	vld [tilespmem:s2+$0xFFFFFFB0];
	v18 =	vor.u32 v18, v19  }
0x20c: {  	v24 =	vld [tilespmem:s2+$0xFFFFFFC0];
	v19 =	vperm.xlane v18, v1  }
0x20d: {  	v26 =	vld [tilespmem:s2+$0xFFFFFFD0]  }
0x20e: {  	v27 =	vld [tilespmem:s2+$0xFFFFFFE0];
	vm0 =	vlt.s32 v19, v21  }
0x20f: {  	v20 =	vld [tilespmem:s2+$0xFFFFFFF0];
	vm1 =	vlt.s32 v19, v22;
	v25 =	vnsel vm0, $0x0, v21  }
0x210: {  	vm0 =	vlt.s32 v19, v23;
	v21 =	vld [tilespmem:s2+$0x0];
	v28 =	vnsel vm1, $0x0, v22;
	[tilespmem:s2+$0x50] =	vst v25  }
0x211: {  	v22 =	vld [tilespmem:s2+$0x10];
	v23 =	vnsel vm0, $0x0, v23;
	vm0 =	vlt.s32 v19, v24;
	[tilespmem:s1+$0x80] =	vst v28  }
0x212: {  	v25 =	vld [tilespmem:s2+$0x30];
	[tilespmem:s2+$0xFFFFFFB0] =	vst v23;
	v23 =	vnsel vm0, $0x0, v24;
	vm0 =	vlt.s32 v19, v26  }
0x213: {  	v24 =	vld [tilespmem:s2+$0x40];
	[tilespmem:s2+$0xFFFFFFC0] =	vst v23;
	v26 =	vnsel vm0, $0x0, v26;
	vm0 =	vlt.s32 v19, v27  }
0x214: {  	s6 =	simm.s32 $0x0;
	s22 =	simm.s32 $0x120;
	s1 =	simm.s32 $0xC0;
	v23 =	vld [tilespmem:s2+$0xFFFFFFA0];
	[tilespmem:s2+$0xFFFFFFD0] =	vst v26;
	v26 =	vnsel vm0, $0x0, v27;
	vm0 =	vlt.s32 v19, v20  }
.LBB2_24:
0x215: {  	s5 =	sand.u32 $0xFC0, s1;
	v27 =	vld [tilespmem:s22+$0x50];
	s6 =	sadd.s32 $0xC, s6;
	[tilespmem:s2+$0xFFFFFFE0] =	vst v26;
	v20 =	vnsel vm0, $0x0, v20;
	vm0 =	vlt.s32 v19, v21  }
0x216: {  	v26 =	vld [tilespmem:s5+$0x80];
	p0 =	slt.u32 s6, $0xF0;
	[tilespmem:s2+$0xFFFFFFF0] =	vst v20;
	v20 =	vnsel vm0, $0x0, v21;
	vm0 =	vlt.s32 v19, v22  }
0x217: {  	v28 =	vld [tilespmem:s22+$0xFFFFFFB0];
	[tilespmem:s2+$0x0] =	vst v20;
	v20 =	vnsel vm0, $0x0, v22;
	vm0 =	vlt.s32 v19, v25  }
0x218: {  	v29 =	vld [tilespmem:s22+$0xFFFFFFC0];
	[tilespmem:s2+$0x10] =	vst v20;
	v20 =	vnsel vm0, $0x0, v25;
	vm0 =	vlt.s32 v19, v24  }
0x219: {  	v30 =	vld [tilespmem:s22+$0xFFFFFFD0];
	vm1 =	vlt.s32 v19, v23;
	[tilespmem:s2+$0x30] =	vst v20;
	v20 =	vnsel vm0, $0x0, v24  }
0x21a: {  	v31 =	vld [tilespmem:s22+$0xFFFFFFE0];
	vm0 =	vlt.s32 v19, v27;
	v21 =	vnsel vm1, $0x0, v23;
	[tilespmem:s2+$0x40] =	vst v20  }
0x21b: {  	v20 =	vld [tilespmem:s22+$0xFFFFFFF0];
	vm1 =	vlt.s32 v19, v26;
	v22 =	vnsel vm0, $0x0, v27;
	[tilespmem:s2+$0xFFFFFFA0] =	vst v21;
	s2 =	smov.u32 s22  }
.Ltmp13:
0x21c: {  	vm0 =	vlt.s32 v19, v28;
	v21 =	vld [tilespmem:s22+$0x0];
	v23 =	vnsel vm1, $0x0, v26;
	[tilespmem:s22+$0x50] =	vst v22;
	(pc) =	sbr.rel @p0 .LBB2_24-.Ltmp13, $4  }
0x21d: {  	v24 =	vnsel vm0, $0x0, v28;
	vm0 =	vlt.s32 v19, v29;
	v22 =	vld [tilespmem:s22+$0x10];
	[tilespmem:s5+$0x80] =	vst v23  }
0x21e: {  	[tilespmem:s22+$0xFFFFFFB0] =	vst v24;
	v23 =	vnsel vm0, $0x0, v29;
	vm0 =	vlt.s32 v19, v30;
	v25 =	vld [tilespmem:s22+$0x30]  }
0x21f: {  	[tilespmem:s22+$0xFFFFFFC0] =	vst v23;
	v26 =	vnsel vm0, $0x0, v30;
	vm0 =	vlt.s32 v19, v31;
	v24 =	vld [tilespmem:s22+$0x40]  }
0x220: {  	s1 =	sadd.s32 $0xC0, s1;
	s22 =	sadd.s32 $0xC0, s22;
	v23 =	vld [tilespmem:s2+$0xFFFFFFA0];
	[tilespmem:s2+$0xFFFFFFD0] =	vst v26;
	v26 =	vnsel vm0, $0x0, v31;
	vm0 =	vlt.s32 v19, v20  }
0x221: {  	[tilespmem:s2+$0xFFFFFFE0] =	vst v26;
	v20 =	vnsel vm0, $0x0, v20;
	vm12 =	vlt.s32 v19, v21  }
0x222: {  	[tilespmem:s2+$0xFFFFFFF0] =	vst v20;
	v20 =	vnsel vm12, $0x0, v21;
	vm13 =	vlt.s32 v19, v22  }
0x223: {  	[tilespmem:s2+$0x0] =	vst v20;
	v20 =	vnsel vm13, $0x0, v22;
	vm14 =	vlt.s32 v19, v25  }
0x224: {  	[tilespmem:s2+$0x10] =	vst v20;
	v20 =	vnsel vm14, $0x0, v25;
	vm15 =	vlt.s32 v19, v24  }
0x225: {  	vm1 =	vlt.s32 v19, v23;
	[tilespmem:s2+$0x30] =	vst v20;
	v20 =	vnsel vm15, $0x0, v24  }
0x226: {  	v63 =	vnsel vm1, $0x0, v23;
	[tilespmem:s2+$0x40] =	vst v20  }
0x227: {  	[tilespmem:s2+$0xFFFFFFA0] =	vst v63  }
.LBB2_26:
0x228: {  	s1 =	sshra.s32 s0, $0x2  }
0x229: {  	v20 =	vld [tilespmem:s1+$0xFC0];
	_ =	sdelay $0x1  }
0x22a: {  	p0 =	sne.s32 s0, $0xC0  }
.Ltmp14:
0x22b: {  	_ = 	snop;
	(pc) =	sbr.rel @p0 .LBB2_26-.Ltmp14, $4  }
0x22c: {  	_ = 	snop  }
0x22d: {  	vm0 =	vlt.s32 v19, v20  }
0x22e: {  	v20 =	vnsel vm0, $0x0, v20  }
0x22f: {  	s0 =	sadd.s32 $0x40, s0;
	[tilespmem:s1+$0xFC0] =	vst v20  }
0x230: {  	s1 =	simm.s32 $0x0;
	s0 =	simm.s32 $0x10B0  }
0x231: {  	s1 =	sand.u32 $0xFC0, s1;
	v21 =	vld [tilespmem:s0+$0x0]  }
0x232: {  	v22 =	vld [tilespmem:s1+$0x1080]  }
0x233: {  	v23 =	vld [tilespmem:s1+$0x1000]  }
0x234: {  	v19 =	vperm.xlane v18, v3;
	v24 =	vld [tilespmem:s0+$0xFFFFFF60]  }
0x235: {  	v25 =	vld [tilespmem:s0+$0xFFFFFF70]  }
0x236: {  	v26 =	vld [tilespmem:s0+$0xFFFFFF80];
	vm0 =	vlt.s32 v19, v21  }
0x237: {  	v20 =	vld [tilespmem:s0+$0xFFFFFF90];
	vm1 =	vlt.s32 v19, v22;
	v27 =	vnsel vm0, $0x0, v21  }
0x238: {  	vm0 =	vlt.s32 v19, v23;
	v21 =	vld [tilespmem:s0+$0xFFFFFFA0];
	v28 =	vnsel vm1, $0x0, v22;
	[tilespmem:s0+$0x0] =	vst v27  }
0x239: {  	v23 =	vnsel vm0, $0x0, v23;
	vm0 =	vlt.s32 v19, v24;
	v22 =	vld [tilespmem:s0+$0xFFFFFFB0];
	[tilespmem:s1+$0x1080] =	vst v28  }
0x23a: {  	[tilespmem:s1+$0x1000] =	vst v23;
	v24 =	vnsel vm0, $0x0, v24;
	vm0 =	vlt.s32 v19, v25;
	v23 =	vld [tilespmem:s0+$0xFFFFFFC0]  }
0x23b: {  	s22 =	simm.s32 $0x0;
	s2 =	simm.s32 $0xFC0;
	[tilespmem:s0+$0xFFFFFF60] =	vst v24;
	v25 =	vnsel vm0, $0x0, v25;
	vm0 =	vlt.s32 v19, v26;
	v24 =	vld [tilespmem:s0+$0xFFFFFFE0]  }
0x23c: {  	s6 =	simm.s32 $0x1040;
	s25 =	simm.s32 $0x1170;
	s1 =	simm.s32 $0xC0;
	[tilespmem:s0+$0xFFFFFF70] =	vst v25;
	v26 =	vnsel vm0, $0x0, v26;
	vm0 =	vlt.s32 v19, v20;
	v25 =	vld [tilespmem:s0+$0xFFFFFFF0]  }
.LBB2_28:
0x23d: {  	s5 =	sand.u32 $0xFC0, s1;
	v27 =	vld [tilespmem:s25+$0x0];
	s22 =	sadd.s32 $0xC, s22;
	[tilespmem:s0+$0xFFFFFF80] =	vst v26;
	v20 =	vnsel vm0, $0x0, v20;
	vm0 =	vlt.s32 v19, v21  }
0x23e: {  	v26 =	vld [tilespmem:s5+$0x1080];
	p0 =	slt.u32 s22, $0xF0;
	[tilespmem:s0+$0xFFFFFF90] =	vst v20;
	v20 =	vnsel vm0, $0x0, v21;
	vm0 =	vlt.s32 v19, v22  }
0x23f: {  	v28 =	vld [tilespmem:s5+$0x1000];
	[tilespmem:s0+$0xFFFFFFA0] =	vst v20;
	v20 =	vnsel vm0, $0x0, v22;
	vm0 =	vlt.s32 v19, v23  }
0x240: {  	v29 =	vld [tilespmem:s25+$0xFFFFFF60];
	[tilespmem:s0+$0xFFFFFFB0] =	vst v20;
	v20 =	vnsel vm0, $0x0, v23;
	vm0 =	vlt.s32 v19, v24  }
0x241: {  	v30 =	vld [tilespmem:s25+$0xFFFFFF70];
	[tilespmem:s0+$0xFFFFFFC0] =	vst v20;
	v20 =	vnsel vm0, $0x0, v24;
	vm0 =	vlt.s32 v19, v25  }
0x242: {  	v31 =	vld [tilespmem:s25+$0xFFFFFF80];
	vm1 =	vlt.s32 v19, v27;
	[tilespmem:s0+$0xFFFFFFE0] =	vst v20;
	v21 =	vnsel vm0, $0x0, v25  }
0x243: {  	v20 =	vld [tilespmem:s25+$0xFFFFFF90];
	vm0 =	vlt.s32 v19, v26;
	v22 =	vnsel vm1, $0x0, v27;
	[tilespmem:s0+$0xFFFFFFF0] =	vst v21;
	s0 =	smov.u32 s25  }
.Ltmp15:
0x244: {  	vm1 =	vlt.s32 v19, v28;
	v21 =	vld [tilespmem:s25+$0xFFFFFFA0];
	v23 =	vnsel vm0, $0x0, v26;
	[tilespmem:s25+$0x0] =	vst v22;
	(pc) =	sbr.rel @p0 .LBB2_28-.Ltmp15, $4  }
0x245: {  	v24 =	vnsel vm1, $0x0, v28;
	vm0 =	vlt.s32 v19, v29;
	v22 =	vld [tilespmem:s25+$0xFFFFFFB0];
	[tilespmem:s5+$0x1080] =	vst v23  }
0x246: {  	[tilespmem:s5+$0x1000] =	vst v24;
	v24 =	vnsel vm0, $0x0, v29;
	vm0 =	vlt.s32 v19, v30;
	v23 =	vld [tilespmem:s25+$0xFFFFFFC0]  }
0x247: {  	[tilespmem:s25+$0xFFFFFF60] =	vst v24;
	v25 =	vnsel vm0, $0x0, v30;
	vm0 =	vlt.s32 v19, v31;
	v24 =	vld [tilespmem:s25+$0xFFFFFFE0]  }
0x248: {  	s1 =	sadd.s32 $0xC0, s1;
	s25 =	sadd.s32 $0xC0, s25;
	[tilespmem:s0+$0xFFFFFF70] =	vst v25;
	v26 =	vnsel vm0, $0x0, v31;
	vm0 =	vlt.s32 v19, v20;
	v25 =	vld [tilespmem:s0+$0xFFFFFFF0]  }
0x249: {  	[tilespmem:s0+$0xFFFFFF80] =	vst v26;
	v20 =	vnsel vm0, $0x0, v20;
	vm11 =	vlt.s32 v19, v21  }
0x24a: {  	[tilespmem:s0+$0xFFFFFF90] =	vst v20;
	v20 =	vnsel vm11, $0x0, v21;
	vm12 =	vlt.s32 v19, v22  }
0x24b: {  	[tilespmem:s0+$0xFFFFFFA0] =	vst v20;
	v20 =	vnsel vm12, $0x0, v22;
	vm13 =	vlt.s32 v19, v23  }
0x24c: {  	[tilespmem:s0+$0xFFFFFFB0] =	vst v20;
	v20 =	vnsel vm13, $0x0, v23;
	vm14 =	vlt.s32 v19, v24  }
0x24d: {  	[tilespmem:s0+$0xFFFFFFC0] =	vst v20;
	v20 =	vnsel vm14, $0x0, v24;
	vm15 =	vlt.s32 v19, v25  }
0x24e: {  	[tilespmem:s0+$0xFFFFFFE0] =	vst v20;
	v20 =	vnsel vm15, $0x0, v25  }
0x24f: {  	[tilespmem:s0+$0xFFFFFFF0] =	vst v20  }
.LBB2_30:
0x250: {  	s0 =	sand.u32 $0x3FFFFF80, s2  }
0x251: {  	s0 =	sadd.s32 s0, s6  }
0x252: {  	v20 =	vld [tilespmem:s0+$0x0];
	_ =	sdelay $0x1  }
0x253: {  	p0 =	sne.s32 s2, $0xFF0  }
.Ltmp16:
0x254: {  	_ = 	snop;
	(pc) =	sbr.rel @p0 .LBB2_30-.Ltmp16, $4  }
0x255: {  	_ = 	snop  }
0x256: {  	vm0 =	vlt.s32 v19, v20  }
0x257: {  	v20 =	vnsel vm0, $0x0, v20  }
0x258: {  	s2 =	sadd.s32 $0x10, s2;
	s6 =	sadd.s32 $0x10, s6;
	[tilespmem:s0+$0x0] =	vst v20  }
0x259: {  	s0 =	sshll.u32 s31, $0x10  }
0x25a: {  	s0 =	sadd.s32 s4, s0  }
0x25b: {  	s1 =	rddreg [dreg:$0x3];
	s0 =	sshrl.u32 s0, $0x3  }
0x25c: {  	s5 =	simm.s32 $0x0;
	s2 =	simm.s32 $0x20B0;
	s1 =	sadd.s32 s1, s0  }
0x25d: {  	[hbm4b:s1+s5] =	stream.linear.scatter [tilespmem:s5], [sflag:$0x1], $0x1000, $0x38;
	[tilespmem:$0x18000] =	vst v63  }
0x25e: {  	s29 =	sand.u32 $0xFC0, s5;
	v21 =	vld [tilespmem:s2+$0x0]  }
0x25f: {  	v22 =	vld [tilespmem:s29+$0x2080]  }
0x260: {  	v23 =	vld [tilespmem:s29+$0x2000]  }
0x261: {  	v19 =	vperm.xlane v18, v4;
	v24 =	vld [tilespmem:s2+$0xFFFFFF60]  }
0x262: {  	v25 =	vld [tilespmem:s2+$0xFFFFFF70]  }
0x263: {  	v26 =	vld [tilespmem:s2+$0xFFFFFF80];
	vm0 =	vlt.s32 v19, v21  }
0x264: {  	v20 =	vld [tilespmem:s2+$0xFFFFFF90];
	vm1 =	vlt.s32 v19, v22;
	v27 =	vnsel vm0, $0x0, v21  }
0x265: {  	vm0 =	vlt.s32 v19, v23;
	v21 =	vld [tilespmem:s2+$0xFFFFFFA0];
	v28 =	vnsel vm1, $0x0, v22;
	[tilespmem:s2+$0x0] =	vst v27  }
0x266: {  	v22 =	vld [tilespmem:s2+$0xFFFFFFB0];
	v23 =	vnsel vm0, $0x0, v23;
	vm0 =	vlt.s32 v19, v24;
	[tilespmem:s29+$0x2080] =	vst v28  }
0x267: {  	[tilespmem:s29+$0x2000] =	vst v23;
	v24 =	vnsel vm0, $0x0, v24;
	vm0 =	vlt.s32 v19, v25;
	v23 =	vld [tilespmem:s2+$0xFFFFFFC0]  }
0x268: {  	s22 =	simm.s32 $0x0;
	[tilespmem:s2+$0xFFFFFF60] =	vst v24;
	v25 =	vnsel vm0, $0x0, v25;
	vm0 =	vlt.s32 v19, v26;
	v24 =	vld [tilespmem:s2+$0xFFFFFFE0]  }
0x269: {  	s6 =	simm.s32 $0x2040;
	s25 =	simm.s32 $0x2170;
	s1 =	simm.s32 $0xC0;
	[tilespmem:s2+$0xFFFFFF70] =	vst v25;
	v26 =	vnsel vm0, $0x0, v26;
	vm0 =	vlt.s32 v19, v20;
	v25 =	vld [tilespmem:s2+$0xFFFFFFF0]  }
.LBB2_32:
0x26a: {  	s5 =	sand.u32 $0xFC0, s1;
	v27 =	vld [tilespmem:s25+$0x0];
	s22 =	sadd.s32 $0xC, s22;
	[tilespmem:s2+$0xFFFFFF80] =	vst v26;
	v20 =	vnsel vm0, $0x0, v20;
	vm0 =	vlt.s32 v19, v21  }
0x26b: {  	v26 =	vld [tilespmem:s5+$0x2080];
	p0 =	slt.u32 s22, $0xF0;
	[tilespmem:s2+$0xFFFFFF90] =	vst v20;
	v20 =	vnsel vm0, $0x0, v21;
	vm0 =	vlt.s32 v19, v22  }
0x26c: {  	v28 =	vld [tilespmem:s5+$0x2000];
	[tilespmem:s2+$0xFFFFFFA0] =	vst v20;
	v20 =	vnsel vm0, $0x0, v22;
	vm0 =	vlt.s32 v19, v23  }
0x26d: {  	v29 =	vld [tilespmem:s25+$0xFFFFFF60];
	[tilespmem:s2+$0xFFFFFFB0] =	vst v20;
	v20 =	vnsel vm0, $0x0, v23;
	vm0 =	vlt.s32 v19, v24  }
0x26e: {  	v30 =	vld [tilespmem:s25+$0xFFFFFF70];
	[tilespmem:s2+$0xFFFFFFC0] =	vst v20;
	v20 =	vnsel vm0, $0x0, v24;
	vm0 =	vlt.s32 v19, v25  }
0x26f: {  	v31 =	vld [tilespmem:s25+$0xFFFFFF80];
	vm1 =	vlt.s32 v19, v27;
	[tilespmem:s2+$0xFFFFFFE0] =	vst v20;
	v21 =	vnsel vm0, $0x0, v25  }
0x270: {  	v20 =	vld [tilespmem:s25+$0xFFFFFF90];
	vm0 =	vlt.s32 v19, v26;
	v22 =	vnsel vm1, $0x0, v27;
	[tilespmem:s2+$0xFFFFFFF0] =	vst v21;
	s2 =	smov.u32 s25  }
.Ltmp17:
0x271: {  	vm1 =	vlt.s32 v19, v28;
	v21 =	vld [tilespmem:s25+$0xFFFFFFA0];
	v23 =	vnsel vm0, $0x0, v26;
	[tilespmem:s25+$0x0] =	vst v22;
	(pc) =	sbr.rel @p0 .LBB2_32-.Ltmp17, $4  }
0x272: {  	s26 =	simm.s32 $0xFC0;
	v24 =	vnsel vm1, $0x0, v28;
	vm0 =	vlt.s32 v19, v29;
	v22 =	vld [tilespmem:s25+$0xFFFFFFB0];
	[tilespmem:s5+$0x2080] =	vst v23  }
0x273: {  	[tilespmem:s5+$0x2000] =	vst v24;
	v24 =	vnsel vm0, $0x0, v29;
	vm0 =	vlt.s32 v19, v30;
	v23 =	vld [tilespmem:s25+$0xFFFFFFC0]  }
0x274: {  	[tilespmem:s25+$0xFFFFFF60] =	vst v24;
	v25 =	vnsel vm0, $0x0, v30;
	vm0 =	vlt.s32 v19, v31;
	v24 =	vld [tilespmem:s25+$0xFFFFFFE0]  }
0x275: {  	s1 =	sadd.s32 $0xC0, s1;
	s25 =	sadd.s32 $0xC0, s25;
	[tilespmem:s2+$0xFFFFFF70] =	vst v25;
	v26 =	vnsel vm0, $0x0, v31;
	vm0 =	vlt.s32 v19, v20;
	v25 =	vld [tilespmem:s2+$0xFFFFFFF0]  }
0x276: {  	[tilespmem:s2+$0xFFFFFF80] =	vst v26;
	v20 =	vnsel vm0, $0x0, v20;
	vm11 =	vlt.s32 v19, v21  }
0x277: {  	[tilespmem:s2+$0xFFFFFF90] =	vst v20;
	v20 =	vnsel vm11, $0x0, v21;
	vm12 =	vlt.s32 v19, v22  }
0x278: {  	[tilespmem:s2+$0xFFFFFFA0] =	vst v20;
	v20 =	vnsel vm12, $0x0, v22;
	vm13 =	vlt.s32 v19, v23  }
0x279: {  	[tilespmem:s2+$0xFFFFFFB0] =	vst v20;
	v20 =	vnsel vm13, $0x0, v23;
	vm14 =	vlt.s32 v19, v24  }
0x27a: {  	[tilespmem:s2+$0xFFFFFFC0] =	vst v20;
	v20 =	vnsel vm14, $0x0, v24;
	vm15 =	vlt.s32 v19, v25  }
0x27b: {  	[tilespmem:s2+$0xFFFFFFE0] =	vst v20;
	v20 =	vnsel vm15, $0x0, v25  }
0x27c: {  	[tilespmem:s2+$0xFFFFFFF0] =	vst v20  }
.LBB2_34:
0x27d: {  	s1 =	sand.u32 $0x3FFFFF80, s26  }
0x27e: {  	s1 =	sadd.s32 s1, s6  }
0x27f: {  	v20 =	vld [tilespmem:s1+$0x0];
	_ =	sdelay $0x1  }
0x280: {  	p0 =	sne.s32 s26, $0xFF0  }
.Ltmp18:
0x281: {  	_ = 	snop;
	(pc) =	sbr.rel @p0 .LBB2_34-.Ltmp18, $4  }
0x282: {  	_ = 	snop  }
0x283: {  	vm0 =	vlt.s32 v19, v20  }
0x284: {  	v20 =	vnsel vm0, $0x0, v20  }
0x285: {  	s26 =	sadd.s32 $0x10, s26;
	s6 =	sadd.s32 $0x10, s6;
	[tilespmem:s1+$0x0] =	vst v20  }
0x286: {  	s1 =	sadd.s32 s0, s7;
	s5 =	simm.s32 $0x0;
	s2 =	simm.s32 $0x1000  }
0x287: {  	[hbm4b:s1+s5] =	stream.linear.scatter [tilespmem:s2], [sflag:$0x1], $0x1000, $0x38;
	[tilespmem:$0x18000] =	vst v63  }
0x288: {  	s2 =	simm.s32 $0x30B0  }
0x289: {  	s29 =	sand.u32 $0xFC0, s5;
	v21 =	vld [tilespmem:s2+$0x0]  }
0x28a: {  	v22 =	vld [tilespmem:s29+$0x3080]  }
0x28b: {  	v23 =	vld [tilespmem:s29+$0x3000]  }
0x28c: {  	v19 =	vperm.xlane v18, v5;
	v24 =	vld [tilespmem:s2+$0xFFFFFF60]  }
0x28d: {  	v25 =	vld [tilespmem:s2+$0xFFFFFF70]  }
0x28e: {  	v26 =	vld [tilespmem:s2+$0xFFFFFF80];
	vm0 =	vlt.s32 v19, v21  }
0x28f: {  	v20 =	vld [tilespmem:s2+$0xFFFFFF90];
	vm1 =	vlt.s32 v19, v22;
	v27 =	vnsel vm0, $0x0, v21  }
0x290: {  	vm0 =	vlt.s32 v19, v23;
	v21 =	vld [tilespmem:s2+$0xFFFFFFA0];
	v28 =	vnsel vm1, $0x0, v22;
	[tilespmem:s2+$0x0] =	vst v27  }
0x291: {  	v22 =	vld [tilespmem:s2+$0xFFFFFFB0];
	v23 =	vnsel vm0, $0x0, v23;
	vm0 =	vlt.s32 v19, v24;
	[tilespmem:s29+$0x3080] =	vst v28  }
0x292: {  	[tilespmem:s29+$0x3000] =	vst v23;
	v24 =	vnsel vm0, $0x0, v24;
	vm0 =	vlt.s32 v19, v25;
	v23 =	vld [tilespmem:s2+$0xFFFFFFC0]  }
0x293: {  	s22 =	simm.s32 $0x0;
	[tilespmem:s2+$0xFFFFFF60] =	vst v24;
	v25 =	vnsel vm0, $0x0, v25;
	vm0 =	vlt.s32 v19, v26;
	v24 =	vld [tilespmem:s2+$0xFFFFFFE0]  }
0x294: {  	s6 =	simm.s32 $0x3040;
	s25 =	simm.s32 $0x3170;
	s1 =	simm.s32 $0xC0;
	[tilespmem:s2+$0xFFFFFF70] =	vst v25;
	v26 =	vnsel vm0, $0x0, v26;
	vm0 =	vlt.s32 v19, v20;
	v25 =	vld [tilespmem:s2+$0xFFFFFFF0]  }
.LBB2_36:
0x295: {  	s5 =	sand.u32 $0xFC0, s1;
	v27 =	vld [tilespmem:s25+$0x0];
	s22 =	sadd.s32 $0xC, s22;
	[tilespmem:s2+$0xFFFFFF80] =	vst v26;
	v20 =	vnsel vm0, $0x0, v20;
	vm0 =	vlt.s32 v19, v21  }
0x296: {  	v26 =	vld [tilespmem:s5+$0x3080];
	p0 =	slt.u32 s22, $0xF0;
	[tilespmem:s2+$0xFFFFFF90] =	vst v20;
	v20 =	vnsel vm0, $0x0, v21;
	vm0 =	vlt.s32 v19, v22  }
0x297: {  	v28 =	vld [tilespmem:s5+$0x3000];
	[tilespmem:s2+$0xFFFFFFA0] =	vst v20;
	v20 =	vnsel vm0, $0x0, v22;
	vm0 =	vlt.s32 v19, v23  }
0x298: {  	v29 =	vld [tilespmem:s25+$0xFFFFFF60];
	[tilespmem:s2+$0xFFFFFFB0] =	vst v20;
	v20 =	vnsel vm0, $0x0, v23;
	vm0 =	vlt.s32 v19, v24  }
0x299: {  	v30 =	vld [tilespmem:s25+$0xFFFFFF70];
	[tilespmem:s2+$0xFFFFFFC0] =	vst v20;
	v20 =	vnsel vm0, $0x0, v24;
	vm0 =	vlt.s32 v19, v25  }
0x29a: {  	v31 =	vld [tilespmem:s25+$0xFFFFFF80];
	vm1 =	vlt.s32 v19, v27;
	[tilespmem:s2+$0xFFFFFFE0] =	vst v20;
	v21 =	vnsel vm0, $0x0, v25  }
0x29b: {  	v20 =	vld [tilespmem:s25+$0xFFFFFF90];
	vm0 =	vlt.s32 v19, v26;
	v22 =	vnsel vm1, $0x0, v27;
	[tilespmem:s2+$0xFFFFFFF0] =	vst v21;
	s2 =	smov.u32 s25  }
.Ltmp19:
0x29c: {  	vm1 =	vlt.s32 v19, v28;
	v21 =	vld [tilespmem:s25+$0xFFFFFFA0];
	v23 =	vnsel vm0, $0x0, v26;
	[tilespmem:s25+$0x0] =	vst v22;
	(pc) =	sbr.rel @p0 .LBB2_36-.Ltmp19, $4  }
0x29d: {  	s26 =	simm.s32 $0xFC0;
	v24 =	vnsel vm1, $0x0, v28;
	vm0 =	vlt.s32 v19, v29;
	v22 =	vld [tilespmem:s25+$0xFFFFFFB0];
	[tilespmem:s5+$0x3080] =	vst v23  }
0x29e: {  	[tilespmem:s5+$0x3000] =	vst v24;
	v24 =	vnsel vm0, $0x0, v29;
	vm0 =	vlt.s32 v19, v30;
	v23 =	vld [tilespmem:s25+$0xFFFFFFC0]  }
0x29f: {  	[tilespmem:s25+$0xFFFFFF60] =	vst v24;
	v25 =	vnsel vm0, $0x0, v30;
	vm0 =	vlt.s32 v19, v31;
	v24 =	vld [tilespmem:s25+$0xFFFFFFE0]  }
0x2a0: {  	s1 =	sadd.s32 $0xC0, s1;
	s25 =	sadd.s32 $0xC0, s25;
	[tilespmem:s2+$0xFFFFFF70] =	vst v25;
	v26 =	vnsel vm0, $0x0, v31;
	vm0 =	vlt.s32 v19, v20;
	v25 =	vld [tilespmem:s2+$0xFFFFFFF0]  }
0x2a1: {  	[tilespmem:s2+$0xFFFFFF80] =	vst v26;
	v20 =	vnsel vm0, $0x0, v20;
	vm11 =	vlt.s32 v19, v21  }
0x2a2: {  	[tilespmem:s2+$0xFFFFFF90] =	vst v20;
	v20 =	vnsel vm11, $0x0, v21;
	vm12 =	vlt.s32 v19, v22  }
0x2a3: {  	[tilespmem:s2+$0xFFFFFFA0] =	vst v20;
	v20 =	vnsel vm12, $0x0, v22;
	vm13 =	vlt.s32 v19, v23  }
0x2a4: {  	[tilespmem:s2+$0xFFFFFFB0] =	vst v20;
	v20 =	vnsel vm13, $0x0, v23;
	vm14 =	vlt.s32 v19, v24  }
0x2a5: {  	[tilespmem:s2+$0xFFFFFFC0] =	vst v20;
	v20 =	vnsel vm14, $0x0, v24;
	vm15 =	vlt.s32 v19, v25  }
0x2a6: {  	[tilespmem:s2+$0xFFFFFFE0] =	vst v20;
	v20 =	vnsel vm15, $0x0, v25  }
0x2a7: {  	[tilespmem:s2+$0xFFFFFFF0] =	vst v20  }
.LBB2_38:
0x2a8: {  	s1 =	sand.u32 $0x3FFFFF80, s26  }
0x2a9: {  	s1 =	sadd.s32 s1, s6  }
0x2aa: {  	v20 =	vld [tilespmem:s1+$0x0];
	_ =	sdelay $0x1  }
0x2ab: {  	p0 =	sne.s32 s26, $0xFF0  }
.Ltmp20:
0x2ac: {  	_ = 	snop;
	(pc) =	sbr.rel @p0 .LBB2_38-.Ltmp20, $4  }
0x2ad: {  	_ = 	snop  }
0x2ae: {  	vm0 =	vlt.s32 v19, v20  }
0x2af: {  	v20 =	vnsel vm0, $0x0, v20  }
0x2b0: {  	s26 =	sadd.s32 $0x10, s26;
	s6 =	sadd.s32 $0x10, s6;
	[tilespmem:s1+$0x0] =	vst v20  }
0x2b1: {  	s1 =	sadd.s32 s0, s8;
	s5 =	simm.s32 $0x0;
	s2 =	simm.s32 $0x2000  }
0x2b2: {  	[hbm4b:s1+s5] =	stream.linear.scatter [tilespmem:s2], [sflag:$0x1], $0x1000, $0x38;
	[tilespmem:$0x18000] =	vst v63  }
0x2b3: {  	s2 =	simm.s32 $0x40B0  }
0x2b4: {  	s29 =	sand.u32 $0xFC0, s5;
	v21 =	vld [tilespmem:s2+$0x0]  }
0x2b5: {  	v22 =	vld [tilespmem:s29+$0x4080]  }
0x2b6: {  	v23 =	vld [tilespmem:s29+$0x4000]  }
0x2b7: {  	v19 =	vperm.xlane v18, v6;
	v24 =	vld [tilespmem:s2+$0xFFFFFF60]  }
0x2b8: {  	v25 =	vld [tilespmem:s2+$0xFFFFFF70]  }
0x2b9: {  	v26 =	vld [tilespmem:s2+$0xFFFFFF80];
	vm0 =	vlt.s32 v19, v21  }
0x2ba: {  	v20 =	vld [tilespmem:s2+$0xFFFFFF90];
	vm1 =	vlt.s32 v19, v22;
	v27 =	vnsel vm0, $0x0, v21  }
0x2bb: {  	vm0 =	vlt.s32 v19, v23;
	v21 =	vld [tilespmem:s2+$0xFFFFFFA0];
	v28 =	vnsel vm1, $0x0, v22;
	[tilespmem:s2+$0x0] =	vst v27  }
0x2bc: {  	v22 =	vld [tilespmem:s2+$0xFFFFFFB0];
	v23 =	vnsel vm0, $0x0, v23;
	vm0 =	vlt.s32 v19, v24;
	[tilespmem:s29+$0x4080] =	vst v28  }
0x2bd: {  	[tilespmem:s29+$0x4000] =	vst v23;
	v24 =	vnsel vm0, $0x0, v24;
	vm0 =	vlt.s32 v19, v25;
	v23 =	vld [tilespmem:s2+$0xFFFFFFC0]  }
0x2be: {  	s22 =	simm.s32 $0x0;
	[tilespmem:s2+$0xFFFFFF60] =	vst v24;
	v25 =	vnsel vm0, $0x0, v25;
	vm0 =	vlt.s32 v19, v26;
	v24 =	vld [tilespmem:s2+$0xFFFFFFE0]  }
0x2bf: {  	s6 =	simm.s32 $0x4040;
	s25 =	simm.s32 $0xC0;
	s1 =	simm.s32 $0x4170;
	[tilespmem:s2+$0xFFFFFF70] =	vst v25;
	v26 =	vnsel vm0, $0x0, v26;
	vm0 =	vlt.s32 v19, v20;
	v25 =	vld [tilespmem:s2+$0xFFFFFFF0]  }
.LBB2_40:
0x2c0: {  	s5 =	sand.u32 $0xFC0, s25;
	v27 =	vld [tilespmem:s1+$0x0];
	s22 =	sadd.s32 $0xC, s22;
	[tilespmem:s2+$0xFFFFFF80] =	vst v26;
	v20 =	vnsel vm0, $0x0, v20;
	vm0 =	vlt.s32 v19, v21  }
0x2c1: {  	v26 =	vld [tilespmem:s5+$0x4080];
	p0 =	slt.u32 s22, $0xF0;
	[tilespmem:s2+$0xFFFFFF90] =	vst v20;
	v20 =	vnsel vm0, $0x0, v21;
	vm0 =	vlt.s32 v19, v22  }
0x2c2: {  	v28 =	vld [tilespmem:s5+$0x4000];
	[tilespmem:s2+$0xFFFFFFA0] =	vst v20;
	v20 =	vnsel vm0, $0x0, v22;
	vm0 =	vlt.s32 v19, v23  }
0x2c3: {  	v29 =	vld [tilespmem:s1+$0xFFFFFF60];
	[tilespmem:s2+$0xFFFFFFB0] =	vst v20;
	v20 =	vnsel vm0, $0x0, v23;
	vm0 =	vlt.s32 v19, v24  }
0x2c4: {  	v30 =	vld [tilespmem:s1+$0xFFFFFF70];
	[tilespmem:s2+$0xFFFFFFC0] =	vst v20;
	v20 =	vnsel vm0, $0x0, v24;
	vm0 =	vlt.s32 v19, v25  }
0x2c5: {  	v31 =	vld [tilespmem:s1+$0xFFFFFF80];
	vm1 =	vlt.s32 v19, v27;
	[tilespmem:s2+$0xFFFFFFE0] =	vst v20;
	v21 =	vnsel vm0, $0x0, v25  }
0x2c6: {  	v20 =	vld [tilespmem:s1+$0xFFFFFF90];
	vm0 =	vlt.s32 v19, v26;
	v22 =	vnsel vm1, $0x0, v27;
	[tilespmem:s2+$0xFFFFFFF0] =	vst v21;
	s2 =	smov.u32 s1  }
.Ltmp21:
0x2c7: {  	vm1 =	vlt.s32 v19, v28;
	v21 =	vld [tilespmem:s1+$0xFFFFFFA0];
	v23 =	vnsel vm0, $0x0, v26;
	[tilespmem:s1+$0x0] =	vst v22;
	(pc) =	sbr.rel @p0 .LBB2_40-.Ltmp21, $4  }
0x2c8: {  	s26 =	simm.s32 $0xFC0;
	v24 =	vnsel vm1, $0x0, v28;
	vm0 =	vlt.s32 v19, v29;
	v22 =	vld [tilespmem:s1+$0xFFFFFFB0];
	[tilespmem:s5+$0x4080] =	vst v23  }
0x2c9: {  	[tilespmem:s5+$0x4000] =	vst v24;
	v24 =	vnsel vm0, $0x0, v29;
	vm0 =	vlt.s32 v19, v30;
	v23 =	vld [tilespmem:s1+$0xFFFFFFC0]  }
0x2ca: {  	[tilespmem:s1+$0xFFFFFF60] =	vst v24;
	v25 =	vnsel vm0, $0x0, v30;
	vm0 =	vlt.s32 v19, v31;
	v24 =	vld [tilespmem:s1+$0xFFFFFFE0]  }
0x2cb: {  	s25 =	sadd.s32 $0xC0, s25;
	s1 =	sadd.s32 $0xC0, s1;
	[tilespmem:s2+$0xFFFFFF70] =	vst v25;
	v26 =	vnsel vm0, $0x0, v31;
	vm0 =	vlt.s32 v19, v20;
	v25 =	vld [tilespmem:s2+$0xFFFFFFF0]  }
0x2cc: {  	[tilespmem:s2+$0xFFFFFF80] =	vst v26;
	v20 =	vnsel vm0, $0x0, v20;
	vm11 =	vlt.s32 v19, v21  }
0x2cd: {  	[tilespmem:s2+$0xFFFFFF90] =	vst v20;
	v20 =	vnsel vm11, $0x0, v21;
	vm12 =	vlt.s32 v19, v22  }
0x2ce: {  	[tilespmem:s2+$0xFFFFFFA0] =	vst v20;
	v20 =	vnsel vm12, $0x0, v22;
	vm13 =	vlt.s32 v19, v23  }
0x2cf: {  	[tilespmem:s2+$0xFFFFFFB0] =	vst v20;
	v20 =	vnsel vm13, $0x0, v23;
	vm14 =	vlt.s32 v19, v24  }
0x2d0: {  	[tilespmem:s2+$0xFFFFFFC0] =	vst v20;
	v20 =	vnsel vm14, $0x0, v24;
	vm15 =	vlt.s32 v19, v25  }
0x2d1: {  	[tilespmem:s2+$0xFFFFFFE0] =	vst v20;
	v20 =	vnsel vm15, $0x0, v25  }
0x2d2: {  	[tilespmem:s2+$0xFFFFFFF0] =	vst v20  }
.LBB2_42:
0x2d3: {  	s1 =	sand.u32 $0x3FFFFF80, s26  }
0x2d4: {  	s1 =	sadd.s32 s1, s6  }
0x2d5: {  	v20 =	vld [tilespmem:s1+$0x0];
	_ =	sdelay $0x1  }
0x2d6: {  	p0 =	sne.s32 s26, $0xFF0  }
.Ltmp22:
0x2d7: {  	_ = 	snop;
	(pc) =	sbr.rel @p0 .LBB2_42-.Ltmp22, $4  }
0x2d8: {  	_ = 	snop  }
0x2d9: {  	vm0 =	vlt.s32 v19, v20  }
0x2da: {  	v20 =	vnsel vm0, $0x0, v20  }
0x2db: {  	s26 =	sadd.s32 $0x10, s26;
	s6 =	sadd.s32 $0x10, s6;
	[tilespmem:s1+$0x0] =	vst v20  }
0x2dc: {  	s1 =	sadd.s32 s0, s9;
	s5 =	simm.s32 $0x0;
	s2 =	simm.s32 $0x3000  }
0x2dd: {  	[hbm4b:s1+s5] =	stream.linear.scatter [tilespmem:s2], [sflag:$0x1], $0x1000, $0x38;
	[tilespmem:$0x18000] =	vst v63  }
0x2de: {  	s2 =	simm.s32 $0x50B0  }
0x2df: {  	s29 =	sand.u32 $0xFC0, s5;
	v21 =	vld [tilespmem:s2+$0x0]  }
0x2e0: {  	v22 =	vld [tilespmem:s29+$0x5080]  }
0x2e1: {  	v23 =	vld [tilespmem:s29+$0x5000]  }
0x2e2: {  	v19 =	vperm.xlane v18, v7;
	v24 =	vld [tilespmem:s2+$0xFFFFFF60]  }
0x2e3: {  	v25 =	vld [tilespmem:s2+$0xFFFFFF70]  }
0x2e4: {  	v26 =	vld [tilespmem:s2+$0xFFFFFF80];
	vm0 =	vlt.s32 v19, v21  }
0x2e5: {  	v20 =	vld [tilespmem:s2+$0xFFFFFF90];
	vm1 =	vlt.s32 v19, v22;
	v27 =	vnsel vm0, $0x0, v21  }
0x2e6: {  	vm0 =	vlt.s32 v19, v23;
	v21 =	vld [tilespmem:s2+$0xFFFFFFA0];
	v28 =	vnsel vm1, $0x0, v22;
	[tilespmem:s2+$0x0] =	vst v27  }
0x2e7: {  	v22 =	vld [tilespmem:s2+$0xFFFFFFB0];
	v23 =	vnsel vm0, $0x0, v23;
	vm0 =	vlt.s32 v19, v24;
	[tilespmem:s29+$0x5080] =	vst v28  }
0x2e8: {  	[tilespmem:s29+$0x5000] =	vst v23;
	v24 =	vnsel vm0, $0x0, v24;
	vm0 =	vlt.s32 v19, v25;
	v23 =	vld [tilespmem:s2+$0xFFFFFFC0]  }
0x2e9: {  	s22 =	simm.s32 $0x0;
	[tilespmem:s2+$0xFFFFFF60] =	vst v24;
	v25 =	vnsel vm0, $0x0, v25;
	vm0 =	vlt.s32 v19, v26;
	v24 =	vld [tilespmem:s2+$0xFFFFFFE0]  }
0x2ea: {  	s6 =	simm.s32 $0x5040;
	s25 =	simm.s32 $0xC0;
	s1 =	simm.s32 $0x5170;
	[tilespmem:s2+$0xFFFFFF70] =	vst v25;
	v26 =	vnsel vm0, $0x0, v26;
	vm0 =	vlt.s32 v19, v20;
	v25 =	vld [tilespmem:s2+$0xFFFFFFF0]  }
.LBB2_44:
0x2eb: {  	s5 =	sand.u32 $0xFC0, s25;
	v27 =	vld [tilespmem:s1+$0x0];
	s22 =	sadd.s32 $0xC, s22;
	[tilespmem:s2+$0xFFFFFF80] =	vst v26;
	v20 =	vnsel vm0, $0x0, v20;
	vm0 =	vlt.s32 v19, v21  }
0x2ec: {  	v26 =	vld [tilespmem:s5+$0x5080];
	p0 =	slt.u32 s22, $0xF0;
	[tilespmem:s2+$0xFFFFFF90] =	vst v20;
	v20 =	vnsel vm0, $0x0, v21;
	vm0 =	vlt.s32 v19, v22  }
0x2ed: {  	v28 =	vld [tilespmem:s5+$0x5000];
	[tilespmem:s2+$0xFFFFFFA0] =	vst v20;
	v20 =	vnsel vm0, $0x0, v22;
	vm0 =	vlt.s32 v19, v23  }
0x2ee: {  	v29 =	vld [tilespmem:s1+$0xFFFFFF60];
	[tilespmem:s2+$0xFFFFFFB0] =	vst v20;
	v20 =	vnsel vm0, $0x0, v23;
	vm0 =	vlt.s32 v19, v24  }
0x2ef: {  	v30 =	vld [tilespmem:s1+$0xFFFFFF70];
	[tilespmem:s2+$0xFFFFFFC0] =	vst v20;
	v20 =	vnsel vm0, $0x0, v24;
	vm0 =	vlt.s32 v19, v25  }
0x2f0: {  	v31 =	vld [tilespmem:s1+$0xFFFFFF80];
	vm1 =	vlt.s32 v19, v27;
	[tilespmem:s2+$0xFFFFFFE0] =	vst v20;
	v21 =	vnsel vm0, $0x0, v25  }
0x2f1: {  	v20 =	vld [tilespmem:s1+$0xFFFFFF90];
	vm0 =	vlt.s32 v19, v26;
	v22 =	vnsel vm1, $0x0, v27;
	[tilespmem:s2+$0xFFFFFFF0] =	vst v21;
	s2 =	smov.u32 s1  }
.Ltmp23:
0x2f2: {  	vm1 =	vlt.s32 v19, v28;
	v21 =	vld [tilespmem:s1+$0xFFFFFFA0];
	v23 =	vnsel vm0, $0x0, v26;
	[tilespmem:s1+$0x0] =	vst v22;
	(pc) =	sbr.rel @p0 .LBB2_44-.Ltmp23, $4  }
0x2f3: {  	s26 =	simm.s32 $0xFC0;
	v24 =	vnsel vm1, $0x0, v28;
	vm0 =	vlt.s32 v19, v29;
	v22 =	vld [tilespmem:s1+$0xFFFFFFB0];
	[tilespmem:s5+$0x5080] =	vst v23  }
0x2f4: {  	[tilespmem:s5+$0x5000] =	vst v24;
	v24 =	vnsel vm0, $0x0, v29;
	vm0 =	vlt.s32 v19, v30;
	v23 =	vld [tilespmem:s1+$0xFFFFFFC0]  }
0x2f5: {  	[tilespmem:s1+$0xFFFFFF60] =	vst v24;
	v25 =	vnsel vm0, $0x0, v30;
	vm0 =	vlt.s32 v19, v31;
	v24 =	vld [tilespmem:s1+$0xFFFFFFE0]  }
0x2f6: {  	s25 =	sadd.s32 $0xC0, s25;
	s1 =	sadd.s32 $0xC0, s1;
	[tilespmem:s2+$0xFFFFFF70] =	vst v25;
	v26 =	vnsel vm0, $0x0, v31;
	vm0 =	vlt.s32 v19, v20;
	v25 =	vld [tilespmem:s2+$0xFFFFFFF0]  }
0x2f7: {  	[tilespmem:s2+$0xFFFFFF80] =	vst v26;
	v20 =	vnsel vm0, $0x0, v20;
	vm11 =	vlt.s32 v19, v21  }
0x2f8: {  	[tilespmem:s2+$0xFFFFFF90] =	vst v20;
	v20 =	vnsel vm11, $0x0, v21;
	vm12 =	vlt.s32 v19, v22  }
0x2f9: {  	[tilespmem:s2+$0xFFFFFFA0] =	vst v20;
	v20 =	vnsel vm12, $0x0, v22;
	vm13 =	vlt.s32 v19, v23  }
0x2fa: {  	[tilespmem:s2+$0xFFFFFFB0] =	vst v20;
	v20 =	vnsel vm13, $0x0, v23;
	vm14 =	vlt.s32 v19, v24  }
0x2fb: {  	[tilespmem:s2+$0xFFFFFFC0] =	vst v20;
	v20 =	vnsel vm14, $0x0, v24;
	vm15 =	vlt.s32 v19, v25  }
0x2fc: {  	[tilespmem:s2+$0xFFFFFFE0] =	vst v20;
	v20 =	vnsel vm15, $0x0, v25  }
0x2fd: {  	[tilespmem:s2+$0xFFFFFFF0] =	vst v20  }
.LBB2_46:
0x2fe: {  	s1 =	sand.u32 $0x3FFFFF80, s26  }
0x2ff: {  	s1 =	sadd.s32 s1, s6  }
0x300: {  	v20 =	vld [tilespmem:s1+$0x0];
	_ =	sdelay $0x1  }
0x301: {  	p0 =	sne.s32 s26, $0xFF0  }
.Ltmp24:
0x302: {  	_ = 	snop;
	(pc) =	sbr.rel @p0 .LBB2_46-.Ltmp24, $4  }
0x303: {  	_ = 	snop  }
0x304: {  	vm0 =	vlt.s32 v19, v20  }
0x305: {  	v20 =	vnsel vm0, $0x0, v20  }
0x306: {  	s26 =	sadd.s32 $0x10, s26;
	s6 =	sadd.s32 $0x10, s6;
	[tilespmem:s1+$0x0] =	vst v20  }
0x307: {  	s1 =	sadd.s32 s0, s10;
	s5 =	simm.s32 $0x0;
	s2 =	simm.s32 $0x4000  }
0x308: {  	[hbm4b:s1+s5] =	stream.linear.scatter [tilespmem:s2], [sflag:$0x1], $0x1000, $0x38;
	[tilespmem:$0x18000] =	vst v63  }
0x309: {  	s2 =	simm.s32 $0x60B0  }
0x30a: {  	s29 =	sand.u32 $0xFC0, s5;
	v21 =	vld [tilespmem:s2+$0x0]  }
0x30b: {  	v22 =	vld [tilespmem:s29+$0x6080]  }
0x30c: {  	v23 =	vld [tilespmem:s29+$0x6000]  }
0x30d: {  	v19 =	vperm.xlane v18, v8;
	v24 =	vld [tilespmem:s2+$0xFFFFFF60]  }
0x30e: {  	v25 =	vld [tilespmem:s2+$0xFFFFFF70]  }
0x30f: {  	v26 =	vld [tilespmem:s2+$0xFFFFFF80];
	vm0 =	vlt.s32 v19, v21  }
0x310: {  	v20 =	vld [tilespmem:s2+$0xFFFFFF90];
	vm1 =	vlt.s32 v19, v22;
	v27 =	vnsel vm0, $0x0, v21  }
0x311: {  	vm0 =	vlt.s32 v19, v23;
	v21 =	vld [tilespmem:s2+$0xFFFFFFA0];
	v28 =	vnsel vm1, $0x0, v22;
	[tilespmem:s2+$0x0] =	vst v27  }
0x312: {  	v22 =	vld [tilespmem:s2+$0xFFFFFFB0];
	v23 =	vnsel vm0, $0x0, v23;
	vm0 =	vlt.s32 v19, v24;
	[tilespmem:s29+$0x6080] =	vst v28  }
0x313: {  	[tilespmem:s29+$0x6000] =	vst v23;
	v24 =	vnsel vm0, $0x0, v24;
	vm0 =	vlt.s32 v19, v25;
	v23 =	vld [tilespmem:s2+$0xFFFFFFC0]  }
0x314: {  	s22 =	simm.s32 $0x0;
	[tilespmem:s2+$0xFFFFFF60] =	vst v24;
	v25 =	vnsel vm0, $0x0, v25;
	vm0 =	vlt.s32 v19, v26;
	v24 =	vld [tilespmem:s2+$0xFFFFFFE0]  }
0x315: {  	s6 =	simm.s32 $0x6040;
	s25 =	simm.s32 $0xC0;
	s1 =	simm.s32 $0x6170;
	[tilespmem:s2+$0xFFFFFF70] =	vst v25;
	v26 =	vnsel vm0, $0x0, v26;
	vm0 =	vlt.s32 v19, v20;
	v25 =	vld [tilespmem:s2+$0xFFFFFFF0]  }
.LBB2_48:
0x316: {  	s5 =	sand.u32 $0xFC0, s25;
	v27 =	vld [tilespmem:s1+$0x0];
	s22 =	sadd.s32 $0xC, s22;
	[tilespmem:s2+$0xFFFFFF80] =	vst v26;
	v20 =	vnsel vm0, $0x0, v20;
	vm0 =	vlt.s32 v19, v21  }
0x317: {  	v26 =	vld [tilespmem:s5+$0x6080];
	p0 =	slt.u32 s22, $0xF0;
	[tilespmem:s2+$0xFFFFFF90] =	vst v20;
	v20 =	vnsel vm0, $0x0, v21;
	vm0 =	vlt.s32 v19, v22  }
0x318: {  	v28 =	vld [tilespmem:s5+$0x6000];
	[tilespmem:s2+$0xFFFFFFA0] =	vst v20;
	v20 =	vnsel vm0, $0x0, v22;
	vm0 =	vlt.s32 v19, v23  }
0x319: {  	v29 =	vld [tilespmem:s1+$0xFFFFFF60];
	[tilespmem:s2+$0xFFFFFFB0] =	vst v20;
	v20 =	vnsel vm0, $0x0, v23;
	vm0 =	vlt.s32 v19, v24  }
0x31a: {  	v30 =	vld [tilespmem:s1+$0xFFFFFF70];
	[tilespmem:s2+$0xFFFFFFC0] =	vst v20;
	v20 =	vnsel vm0, $0x0, v24;
	vm0 =	vlt.s32 v19, v25  }
0x31b: {  	v31 =	vld [tilespmem:s1+$0xFFFFFF80];
	vm1 =	vlt.s32 v19, v27;
	[tilespmem:s2+$0xFFFFFFE0] =	vst v20;
	v21 =	vnsel vm0, $0x0, v25  }
0x31c: {  	v20 =	vld [tilespmem:s1+$0xFFFFFF90];
	vm0 =	vlt.s32 v19, v26;
	v22 =	vnsel vm1, $0x0, v27;
	[tilespmem:s2+$0xFFFFFFF0] =	vst v21;
	s2 =	smov.u32 s1  }
.Ltmp25:
0x31d: {  	vm1 =	vlt.s32 v19, v28;
	v21 =	vld [tilespmem:s1+$0xFFFFFFA0];
	v23 =	vnsel vm0, $0x0, v26;
	[tilespmem:s1+$0x0] =	vst v22;
	(pc) =	sbr.rel @p0 .LBB2_48-.Ltmp25, $4  }
0x31e: {  	s26 =	simm.s32 $0xFC0;
	v24 =	vnsel vm1, $0x0, v28;
	vm0 =	vlt.s32 v19, v29;
	v22 =	vld [tilespmem:s1+$0xFFFFFFB0];
	[tilespmem:s5+$0x6080] =	vst v23  }
0x31f: {  	[tilespmem:s5+$0x6000] =	vst v24;
	v24 =	vnsel vm0, $0x0, v29;
	vm0 =	vlt.s32 v19, v30;
	v23 =	vld [tilespmem:s1+$0xFFFFFFC0]  }
0x320: {  	[tilespmem:s1+$0xFFFFFF60] =	vst v24;
	v25 =	vnsel vm0, $0x0, v30;
	vm0 =	vlt.s32 v19, v31;
	v24 =	vld [tilespmem:s1+$0xFFFFFFE0]  }
0x321: {  	s25 =	sadd.s32 $0xC0, s25;
	s1 =	sadd.s32 $0xC0, s1;
	[tilespmem:s2+$0xFFFFFF70] =	vst v25;
	v26 =	vnsel vm0, $0x0, v31;
	vm0 =	vlt.s32 v19, v20;
	v25 =	vld [tilespmem:s2+$0xFFFFFFF0]  }
0x322: {  	[tilespmem:s2+$0xFFFFFF80] =	vst v26;
	v20 =	vnsel vm0, $0x0, v20;
	vm11 =	vlt.s32 v19, v21  }
0x323: {  	[tilespmem:s2+$0xFFFFFF90] =	vst v20;
	v20 =	vnsel vm11, $0x0, v21;
	vm12 =	vlt.s32 v19, v22  }
0x324: {  	[tilespmem:s2+$0xFFFFFFA0] =	vst v20;
	v20 =	vnsel vm12, $0x0, v22;
	vm13 =	vlt.s32 v19, v23  }
0x325: {  	[tilespmem:s2+$0xFFFFFFB0] =	vst v20;
	v20 =	vnsel vm13, $0x0, v23;
	vm14 =	vlt.s32 v19, v24  }
0x326: {  	[tilespmem:s2+$0xFFFFFFC0] =	vst v20;
	v20 =	vnsel vm14, $0x0, v24;
	vm15 =	vlt.s32 v19, v25  }
0x327: {  	[tilespmem:s2+$0xFFFFFFE0] =	vst v20;
	v20 =	vnsel vm15, $0x0, v25  }
0x328: {  	[tilespmem:s2+$0xFFFFFFF0] =	vst v20  }
.LBB2_50:
0x329: {  	s1 =	sand.u32 $0x3FFFFF80, s26  }
0x32a: {  	s1 =	sadd.s32 s1, s6  }
0x32b: {  	v20 =	vld [tilespmem:s1+$0x0];
	_ =	sdelay $0x1  }
0x32c: {  	p0 =	sne.s32 s26, $0xFF0  }
.Ltmp26:
0x32d: {  	_ = 	snop;
	(pc) =	sbr.rel @p0 .LBB2_50-.Ltmp26, $4  }
0x32e: {  	_ = 	snop  }
0x32f: {  	vm0 =	vlt.s32 v19, v20  }
0x330: {  	v20 =	vnsel vm0, $0x0, v20  }
0x331: {  	s26 =	sadd.s32 $0x10, s26;
	s6 =	sadd.s32 $0x10, s6;
	[tilespmem:s1+$0x0] =	vst v20  }
0x332: {  	s1 =	sadd.s32 s0, s11;
	s5 =	simm.s32 $0x0;
	s2 =	simm.s32 $0x5000  }
0x333: {  	[hbm4b:s1+s5] =	stream.linear.scatter [tilespmem:s2], [sflag:$0x1], $0x1000, $0x38;
	[tilespmem:$0x18000] =	vst v63  }
0x334: {  	s2 =	simm.s32 $0x70B0  }
0x335: {  	s29 =	sand.u32 $0xFC0, s5;
	v21 =	vld [tilespmem:s2+$0x0]  }
0x336: {  	v22 =	vld [tilespmem:s29+$0x7080]  }
0x337: {  	v23 =	vld [tilespmem:s29+$0x7000]  }
0x338: {  	v19 =	vperm.xlane v18, v9;
	v24 =	vld [tilespmem:s2+$0xFFFFFF60]  }
0x339: {  	v25 =	vld [tilespmem:s2+$0xFFFFFF70]  }
0x33a: {  	v26 =	vld [tilespmem:s2+$0xFFFFFF80];
	vm0 =	vlt.s32 v19, v21  }
0x33b: {  	v20 =	vld [tilespmem:s2+$0xFFFFFF90];
	vm1 =	vlt.s32 v19, v22;
	v27 =	vnsel vm0, $0x0, v21  }
0x33c: {  	vm0 =	vlt.s32 v19, v23;
	v21 =	vld [tilespmem:s2+$0xFFFFFFA0];
	v28 =	vnsel vm1, $0x0, v22;
	[tilespmem:s2+$0x0] =	vst v27  }
0x33d: {  	v22 =	vld [tilespmem:s2+$0xFFFFFFB0];
	v23 =	vnsel vm0, $0x0, v23;
	vm0 =	vlt.s32 v19, v24;
	[tilespmem:s29+$0x7080] =	vst v28  }
0x33e: {  	[tilespmem:s29+$0x7000] =	vst v23;
	v24 =	vnsel vm0, $0x0, v24;
	vm0 =	vlt.s32 v19, v25;
	v23 =	vld [tilespmem:s2+$0xFFFFFFC0]  }
0x33f: {  	s22 =	simm.s32 $0x0;
	[tilespmem:s2+$0xFFFFFF60] =	vst v24;
	v25 =	vnsel vm0, $0x0, v25;
	vm0 =	vlt.s32 v19, v26;
	v24 =	vld [tilespmem:s2+$0xFFFFFFE0]  }
0x340: {  	s6 =	simm.s32 $0x7040;
	s25 =	simm.s32 $0xC0;
	s1 =	simm.s32 $0x7170;
	[tilespmem:s2+$0xFFFFFF70] =	vst v25;
	v26 =	vnsel vm0, $0x0, v26;
	vm0 =	vlt.s32 v19, v20;
	v25 =	vld [tilespmem:s2+$0xFFFFFFF0]  }
.LBB2_52:
0x341: {  	s5 =	sand.u32 $0xFC0, s25;
	v27 =	vld [tilespmem:s1+$0x0];
	s22 =	sadd.s32 $0xC, s22;
	[tilespmem:s2+$0xFFFFFF80] =	vst v26;
	v20 =	vnsel vm0, $0x0, v20;
	vm0 =	vlt.s32 v19, v21  }
0x342: {  	v26 =	vld [tilespmem:s5+$0x7080];
	p0 =	slt.u32 s22, $0xF0;
	[tilespmem:s2+$0xFFFFFF90] =	vst v20;
	v20 =	vnsel vm0, $0x0, v21;
	vm0 =	vlt.s32 v19, v22  }
0x343: {  	v28 =	vld [tilespmem:s5+$0x7000];
	[tilespmem:s2+$0xFFFFFFA0] =	vst v20;
	v20 =	vnsel vm0, $0x0, v22;
	vm0 =	vlt.s32 v19, v23  }
0x344: {  	v29 =	vld [tilespmem:s1+$0xFFFFFF60];
	[tilespmem:s2+$0xFFFFFFB0] =	vst v20;
	v20 =	vnsel vm0, $0x0, v23;
	vm0 =	vlt.s32 v19, v24  }
0x345: {  	v30 =	vld [tilespmem:s1+$0xFFFFFF70];
	[tilespmem:s2+$0xFFFFFFC0] =	vst v20;
	v20 =	vnsel vm0, $0x0, v24;
	vm0 =	vlt.s32 v19, v25  }
0x346: {  	v31 =	vld [tilespmem:s1+$0xFFFFFF80];
	vm1 =	vlt.s32 v19, v27;
	[tilespmem:s2+$0xFFFFFFE0] =	vst v20;
	v21 =	vnsel vm0, $0x0, v25  }
0x347: {  	v20 =	vld [tilespmem:s1+$0xFFFFFF90];
	vm0 =	vlt.s32 v19, v26;
	v22 =	vnsel vm1, $0x0, v27;
	[tilespmem:s2+$0xFFFFFFF0] =	vst v21;
	s2 =	smov.u32 s1  }
.Ltmp27:
0x348: {  	vm1 =	vlt.s32 v19, v28;
	v21 =	vld [tilespmem:s1+$0xFFFFFFA0];
	v23 =	vnsel vm0, $0x0, v26;
	[tilespmem:s1+$0x0] =	vst v22;
	(pc) =	sbr.rel @p0 .LBB2_52-.Ltmp27, $4  }
0x349: {  	s26 =	simm.s32 $0xFC0;
	v24 =	vnsel vm1, $0x0, v28;
	vm0 =	vlt.s32 v19, v29;
	v22 =	vld [tilespmem:s1+$0xFFFFFFB0];
	[tilespmem:s5+$0x7080] =	vst v23  }
0x34a: {  	[tilespmem:s5+$0x7000] =	vst v24;
	v24 =	vnsel vm0, $0x0, v29;
	vm0 =	vlt.s32 v19, v30;
	v23 =	vld [tilespmem:s1+$0xFFFFFFC0]  }
0x34b: {  	[tilespmem:s1+$0xFFFFFF60] =	vst v24;
	v25 =	vnsel vm0, $0x0, v30;
	vm0 =	vlt.s32 v19, v31;
	v24 =	vld [tilespmem:s1+$0xFFFFFFE0]  }
0x34c: {  	s25 =	sadd.s32 $0xC0, s25;
	s1 =	sadd.s32 $0xC0, s1;
	[tilespmem:s2+$0xFFFFFF70] =	vst v25;
	v26 =	vnsel vm0, $0x0, v31;
	vm0 =	vlt.s32 v19, v20;
	v25 =	vld [tilespmem:s2+$0xFFFFFFF0]  }
0x34d: {  	[tilespmem:s2+$0xFFFFFF80] =	vst v26;
	v20 =	vnsel vm0, $0x0, v20;
	vm11 =	vlt.s32 v19, v21  }
0x34e: {  	[tilespmem:s2+$0xFFFFFF90] =	vst v20;
	v20 =	vnsel vm11, $0x0, v21;
	vm12 =	vlt.s32 v19, v22  }
0x34f: {  	[tilespmem:s2+$0xFFFFFFA0] =	vst v20;
	v20 =	vnsel vm12, $0x0, v22;
	vm13 =	vlt.s32 v19, v23  }
0x350: {  	[tilespmem:s2+$0xFFFFFFB0] =	vst v20;
	v20 =	vnsel vm13, $0x0, v23;
	vm14 =	vlt.s32 v19, v24  }
0x351: {  	[tilespmem:s2+$0xFFFFFFC0] =	vst v20;
	v20 =	vnsel vm14, $0x0, v24;
	vm15 =	vlt.s32 v19, v25  }
0x352: {  	[tilespmem:s2+$0xFFFFFFE0] =	vst v20;
	v20 =	vnsel vm15, $0x0, v25  }
0x353: {  	[tilespmem:s2+$0xFFFFFFF0] =	vst v20  }
.LBB2_54:
0x354: {  	s1 =	sand.u32 $0x3FFFFF80, s26  }
0x355: {  	s1 =	sadd.s32 s1, s6  }
0x356: {  	v20 =	vld [tilespmem:s1+$0x0];
	_ =	sdelay $0x1  }
0x357: {  	p0 =	sne.s32 s26, $0xFF0  }
.Ltmp28:
0x358: {  	_ = 	snop;
	(pc) =	sbr.rel @p0 .LBB2_54-.Ltmp28, $4  }
0x359: {  	_ = 	snop  }
0x35a: {  	vm0 =	vlt.s32 v19, v20  }
0x35b: {  	v20 =	vnsel vm0, $0x0, v20  }
0x35c: {  	s26 =	sadd.s32 $0x10, s26;
	s6 =	sadd.s32 $0x10, s6;
	[tilespmem:s1+$0x0] =	vst v20  }
0x35d: {  	s1 =	sadd.s32 s0, s12;
	s5 =	simm.s32 $0x0;
	s2 =	simm.s32 $0x6000  }
0x35e: {  	[hbm4b:s1+s5] =	stream.linear.scatter [tilespmem:s2], [sflag:$0x1], $0x1000, $0x38;
	[tilespmem:$0x18000] =	vst v63  }
0x35f: {  	s2 =	simm.s32 $0x80B0  }
0x360: {  	s29 =	sand.u32 $0xFC0, s5;
	v21 =	vld [tilespmem:s2+$0x0]  }
0x361: {  	v22 =	vld [tilespmem:s29+$0x8080]  }
0x362: {  	v23 =	vld [tilespmem:s29+$0x8000]  }
0x363: {  	v19 =	vperm.xlane v18, v10;
	v24 =	vld [tilespmem:s2+$0xFFFFFF60]  }
0x364: {  	v25 =	vld [tilespmem:s2+$0xFFFFFF70]  }
0x365: {  	v26 =	vld [tilespmem:s2+$0xFFFFFF80];
	vm0 =	vlt.s32 v19, v21  }
0x366: {  	v20 =	vld [tilespmem:s2+$0xFFFFFF90];
	vm1 =	vlt.s32 v19, v22;
	v27 =	vnsel vm0, $0x0, v21  }
0x367: {  	vm0 =	vlt.s32 v19, v23;
	v21 =	vld [tilespmem:s2+$0xFFFFFFA0];
	v28 =	vnsel vm1, $0x0, v22;
	[tilespmem:s2+$0x0] =	vst v27  }
0x368: {  	v22 =	vld [tilespmem:s2+$0xFFFFFFB0];
	v23 =	vnsel vm0, $0x0, v23;
	vm0 =	vlt.s32 v19, v24;
	[tilespmem:s29+$0x8080] =	vst v28  }
0x369: {  	[tilespmem:s29+$0x8000] =	vst v23;
	v24 =	vnsel vm0, $0x0, v24;
	vm0 =	vlt.s32 v19, v25;
	v23 =	vld [tilespmem:s2+$0xFFFFFFC0]  }
0x36a: {  	s22 =	simm.s32 $0x0;
	[tilespmem:s2+$0xFFFFFF60] =	vst v24;
	v25 =	vnsel vm0, $0x0, v25;
	vm0 =	vlt.s32 v19, v26;
	v24 =	vld [tilespmem:s2+$0xFFFFFFE0]  }
0x36b: {  	s6 =	simm.s32 $0x8040;
	s25 =	simm.s32 $0xC0;
	s1 =	simm.s32 $0x8170;
	[tilespmem:s2+$0xFFFFFF70] =	vst v25;
	v26 =	vnsel vm0, $0x0, v26;
	vm0 =	vlt.s32 v19, v20;
	v25 =	vld [tilespmem:s2+$0xFFFFFFF0]  }
.LBB2_56:
0x36c: {  	s5 =	sand.u32 $0xFC0, s25;
	v27 =	vld [tilespmem:s1+$0x0];
	s22 =	sadd.s32 $0xC, s22;
	[tilespmem:s2+$0xFFFFFF80] =	vst v26;
	v20 =	vnsel vm0, $0x0, v20;
	vm0 =	vlt.s32 v19, v21  }
0x36d: {  	v26 =	vld [tilespmem:s5+$0x8080];
	p0 =	slt.u32 s22, $0xF0;
	[tilespmem:s2+$0xFFFFFF90] =	vst v20;
	v20 =	vnsel vm0, $0x0, v21;
	vm0 =	vlt.s32 v19, v22  }
0x36e: {  	v28 =	vld [tilespmem:s5+$0x8000];
	[tilespmem:s2+$0xFFFFFFA0] =	vst v20;
	v20 =	vnsel vm0, $0x0, v22;
	vm0 =	vlt.s32 v19, v23  }
0x36f: {  	v29 =	vld [tilespmem:s1+$0xFFFFFF60];
	[tilespmem:s2+$0xFFFFFFB0] =	vst v20;
	v20 =	vnsel vm0, $0x0, v23;
	vm0 =	vlt.s32 v19, v24  }
0x370: {  	v30 =	vld [tilespmem:s1+$0xFFFFFF70];
	[tilespmem:s2+$0xFFFFFFC0] =	vst v20;
	v20 =	vnsel vm0, $0x0, v24;
	vm0 =	vlt.s32 v19, v25  }
0x371: {  	v31 =	vld [tilespmem:s1+$0xFFFFFF80];
	vm1 =	vlt.s32 v19, v27;
	[tilespmem:s2+$0xFFFFFFE0] =	vst v20;
	v21 =	vnsel vm0, $0x0, v25  }
0x372: {  	v20 =	vld [tilespmem:s1+$0xFFFFFF90];
	vm0 =	vlt.s32 v19, v26;
	v22 =	vnsel vm1, $0x0, v27;
	[tilespmem:s2+$0xFFFFFFF0] =	vst v21;
	s2 =	smov.u32 s1  }
.Ltmp29:
0x373: {  	vm1 =	vlt.s32 v19, v28;
	v21 =	vld [tilespmem:s1+$0xFFFFFFA0];
	v23 =	vnsel vm0, $0x0, v26;
	[tilespmem:s1+$0x0] =	vst v22;
	(pc) =	sbr.rel @p0 .LBB2_56-.Ltmp29, $4  }
0x374: {  	s26 =	simm.s32 $0xFC0;
	v24 =	vnsel vm1, $0x0, v28;
	vm0 =	vlt.s32 v19, v29;
	v22 =	vld [tilespmem:s1+$0xFFFFFFB0];
	[tilespmem:s5+$0x8080] =	vst v23  }
0x375: {  	[tilespmem:s5+$0x8000] =	vst v24;
	v24 =	vnsel vm0, $0x0, v29;
	vm0 =	vlt.s32 v19, v30;
	v23 =	vld [tilespmem:s1+$0xFFFFFFC0]  }
0x376: {  	[tilespmem:s1+$0xFFFFFF60] =	vst v24;
	v25 =	vnsel vm0, $0x0, v30;
	vm0 =	vlt.s32 v19, v31;
	v24 =	vld [tilespmem:s1+$0xFFFFFFE0]  }
0x377: {  	s25 =	sadd.s32 $0xC0, s25;
	s1 =	sadd.s32 $0xC0, s1;
	[tilespmem:s2+$0xFFFFFF70] =	vst v25;
	v26 =	vnsel vm0, $0x0, v31;
	vm0 =	vlt.s32 v19, v20;
	v25 =	vld [tilespmem:s2+$0xFFFFFFF0]  }
0x378: {  	[tilespmem:s2+$0xFFFFFF80] =	vst v26;
	v20 =	vnsel vm0, $0x0, v20;
	vm11 =	vlt.s32 v19, v21  }
0x379: {  	[tilespmem:s2+$0xFFFFFF90] =	vst v20;
	v20 =	vnsel vm11, $0x0, v21;
	vm12 =	vlt.s32 v19, v22  }
0x37a: {  	[tilespmem:s2+$0xFFFFFFA0] =	vst v20;
	v20 =	vnsel vm12, $0x0, v22;
	vm13 =	vlt.s32 v19, v23  }
0x37b: {  	[tilespmem:s2+$0xFFFFFFB0] =	vst v20;
	v20 =	vnsel vm13, $0x0, v23;
	vm14 =	vlt.s32 v19, v24  }
0x37c: {  	[tilespmem:s2+$0xFFFFFFC0] =	vst v20;
	v20 =	vnsel vm14, $0x0, v24;
	vm15 =	vlt.s32 v19, v25  }
0x37d: {  	[tilespmem:s2+$0xFFFFFFE0] =	vst v20;
	v20 =	vnsel vm15, $0x0, v25  }
0x37e: {  	[tilespmem:s2+$0xFFFFFFF0] =	vst v20  }
.LBB2_58:
0x37f: {  	s1 =	sand.u32 $0x3FFFFF80, s26  }
0x380: {  	s1 =	sadd.s32 s1, s6  }
0x381: {  	v20 =	vld [tilespmem:s1+$0x0];
	_ =	sdelay $0x1  }
0x382: {  	p0 =	sne.s32 s26, $0xFF0  }
.Ltmp30:
0x383: {  	_ = 	snop;
	(pc) =	sbr.rel @p0 .LBB2_58-.Ltmp30, $4  }
0x384: {  	_ = 	snop  }
0x385: {  	vm0 =	vlt.s32 v19, v20  }
0x386: {  	v20 =	vnsel vm0, $0x0, v20  }
0x387: {  	s26 =	sadd.s32 $0x10, s26;
	s6 =	sadd.s32 $0x10, s6;
	[tilespmem:s1+$0x0] =	vst v20  }
0x388: {  	s1 =	sadd.s32 s0, s13;
	s5 =	simm.s32 $0x0;
	s2 =	simm.s32 $0x7000  }
0x389: {  	[hbm4b:s1+s5] =	stream.linear.scatter [tilespmem:s2], [sflag:$0x1], $0x1000, $0x38;
	[tilespmem:$0x18000] =	vst v63  }
0x38a: {  	s2 =	simm.s32 $0x90B0  }
0x38b: {  	s29 =	sand.u32 $0xFC0, s5;
	v21 =	vld [tilespmem:s2+$0x0]  }
0x38c: {  	v22 =	vld [tilespmem:s29+$0x9080]  }
0x38d: {  	v23 =	vld [tilespmem:s29+$0x9000]  }
0x38e: {  	v19 =	vperm.xlane v18, v11;
	v24 =	vld [tilespmem:s2+$0xFFFFFF60]  }
0x38f: {  	v25 =	vld [tilespmem:s2+$0xFFFFFF70]  }
0x390: {  	v26 =	vld [tilespmem:s2+$0xFFFFFF80];
	vm0 =	vlt.s32 v19, v21  }
0x391: {  	v20 =	vld [tilespmem:s2+$0xFFFFFF90];
	vm1 =	vlt.s32 v19, v22;
	v27 =	vnsel vm0, $0x0, v21  }
0x392: {  	vm0 =	vlt.s32 v19, v23;
	v21 =	vld [tilespmem:s2+$0xFFFFFFA0];
	v28 =	vnsel vm1, $0x0, v22;
	[tilespmem:s2+$0x0] =	vst v27  }
0x393: {  	v22 =	vld [tilespmem:s2+$0xFFFFFFB0];
	v23 =	vnsel vm0, $0x0, v23;
	vm0 =	vlt.s32 v19, v24;
	[tilespmem:s29+$0x9080] =	vst v28  }
0x394: {  	[tilespmem:s29+$0x9000] =	vst v23;
	v24 =	vnsel vm0, $0x0, v24;
	vm0 =	vlt.s32 v19, v25;
	v23 =	vld [tilespmem:s2+$0xFFFFFFC0]  }
0x395: {  	s22 =	simm.s32 $0x0;
	[tilespmem:s2+$0xFFFFFF60] =	vst v24;
	v25 =	vnsel vm0, $0x0, v25;
	vm0 =	vlt.s32 v19, v26;
	v24 =	vld [tilespmem:s2+$0xFFFFFFE0]  }
0x396: {  	s6 =	simm.s32 $0x9040;
	s25 =	simm.s32 $0xC0;
	s1 =	simm.s32 $0x9170;
	[tilespmem:s2+$0xFFFFFF70] =	vst v25;
	v26 =	vnsel vm0, $0x0, v26;
	vm0 =	vlt.s32 v19, v20;
	v25 =	vld [tilespmem:s2+$0xFFFFFFF0]  }
.LBB2_60:
0x397: {  	s5 =	sand.u32 $0xFC0, s25;
	v27 =	vld [tilespmem:s1+$0x0];
	s22 =	sadd.s32 $0xC, s22;
	[tilespmem:s2+$0xFFFFFF80] =	vst v26;
	v20 =	vnsel vm0, $0x0, v20;
	vm0 =	vlt.s32 v19, v21  }
0x398: {  	v26 =	vld [tilespmem:s5+$0x9080];
	p0 =	slt.u32 s22, $0xF0;
	[tilespmem:s2+$0xFFFFFF90] =	vst v20;
	v20 =	vnsel vm0, $0x0, v21;
	vm0 =	vlt.s32 v19, v22  }
0x399: {  	v28 =	vld [tilespmem:s5+$0x9000];
	[tilespmem:s2+$0xFFFFFFA0] =	vst v20;
	v20 =	vnsel vm0, $0x0, v22;
	vm0 =	vlt.s32 v19, v23  }
0x39a: {  	v29 =	vld [tilespmem:s1+$0xFFFFFF60];
	[tilespmem:s2+$0xFFFFFFB0] =	vst v20;
	v20 =	vnsel vm0, $0x0, v23;
	vm0 =	vlt.s32 v19, v24  }
0x39b: {  	v30 =	vld [tilespmem:s1+$0xFFFFFF70];
	[tilespmem:s2+$0xFFFFFFC0] =	vst v20;
	v20 =	vnsel vm0, $0x0, v24;
	vm0 =	vlt.s32 v19, v25  }
0x39c: {  	v31 =	vld [tilespmem:s1+$0xFFFFFF80];
	vm1 =	vlt.s32 v19, v27;
	[tilespmem:s2+$0xFFFFFFE0] =	vst v20;
	v21 =	vnsel vm0, $0x0, v25  }
0x39d: {  	v20 =	vld [tilespmem:s1+$0xFFFFFF90];
	vm0 =	vlt.s32 v19, v26;
	v22 =	vnsel vm1, $0x0, v27;
	[tilespmem:s2+$0xFFFFFFF0] =	vst v21;
	s2 =	smov.u32 s1  }
.Ltmp31:
0x39e: {  	vm1 =	vlt.s32 v19, v28;
	v21 =	vld [tilespmem:s1+$0xFFFFFFA0];
	v23 =	vnsel vm0, $0x0, v26;
	[tilespmem:s1+$0x0] =	vst v22;
	(pc) =	sbr.rel @p0 .LBB2_60-.Ltmp31, $4  }
0x39f: {  	s26 =	simm.s32 $0xFC0;
	v24 =	vnsel vm1, $0x0, v28;
	vm0 =	vlt.s32 v19, v29;
	v22 =	vld [tilespmem:s1+$0xFFFFFFB0];
	[tilespmem:s5+$0x9080] =	vst v23  }
0x3a0: {  	[tilespmem:s5+$0x9000] =	vst v24;
	v24 =	vnsel vm0, $0x0, v29;
	vm0 =	vlt.s32 v19, v30;
	v23 =	vld [tilespmem:s1+$0xFFFFFFC0]  }
0x3a1: {  	[tilespmem:s1+$0xFFFFFF60] =	vst v24;
	v25 =	vnsel vm0, $0x0, v30;
	vm0 =	vlt.s32 v19, v31;
	v24 =	vld [tilespmem:s1+$0xFFFFFFE0]  }
0x3a2: {  	s25 =	sadd.s32 $0xC0, s25;
	s1 =	sadd.s32 $0xC0, s1;
	[tilespmem:s2+$0xFFFFFF70] =	vst v25;
	v26 =	vnsel vm0, $0x0, v31;
	vm0 =	vlt.s32 v19, v20;
	v25 =	vld [tilespmem:s2+$0xFFFFFFF0]  }
0x3a3: {  	[tilespmem:s2+$0xFFFFFF80] =	vst v26;
	v20 =	vnsel vm0, $0x0, v20;
	vm11 =	vlt.s32 v19, v21  }
0x3a4: {  	[tilespmem:s2+$0xFFFFFF90] =	vst v20;
	v20 =	vnsel vm11, $0x0, v21;
	vm12 =	vlt.s32 v19, v22  }
0x3a5: {  	[tilespmem:s2+$0xFFFFFFA0] =	vst v20;
	v20 =	vnsel vm12, $0x0, v22;
	vm13 =	vlt.s32 v19, v23  }
0x3a6: {  	[tilespmem:s2+$0xFFFFFFB0] =	vst v20;
	v20 =	vnsel vm13, $0x0, v23;
	vm14 =	vlt.s32 v19, v24  }
0x3a7: {  	[tilespmem:s2+$0xFFFFFFC0] =	vst v20;
	v20 =	vnsel vm14, $0x0, v24;
	vm15 =	vlt.s32 v19, v25  }
0x3a8: {  	[tilespmem:s2+$0xFFFFFFE0] =	vst v20;
	v20 =	vnsel vm15, $0x0, v25  }
0x3a9: {  	[tilespmem:s2+$0xFFFFFFF0] =	vst v20  }
.LBB2_62:
0x3aa: {  	s1 =	sand.u32 $0x3FFFFF80, s26  }
0x3ab: {  	s1 =	sadd.s32 s1, s6  }
0x3ac: {  	v20 =	vld [tilespmem:s1+$0x0];
	_ =	sdelay $0x1  }
0x3ad: {  	p0 =	sne.s32 s26, $0xFF0  }
.Ltmp32:
0x3ae: {  	_ = 	snop;
	(pc) =	sbr.rel @p0 .LBB2_62-.Ltmp32, $4  }
0x3af: {  	_ = 	snop  }
0x3b0: {  	vm0 =	vlt.s32 v19, v20  }
0x3b1: {  	v20 =	vnsel vm0, $0x0, v20  }
0x3b2: {  	s26 =	sadd.s32 $0x10, s26;
	s6 =	sadd.s32 $0x10, s6;
	[tilespmem:s1+$0x0] =	vst v20  }
0x3b3: {  	s1 =	sadd.s32 s0, s14;
	s5 =	simm.s32 $0x0;
	s2 =	simm.s32 $0x8000  }
0x3b4: {  	[hbm4b:s1+s5] =	stream.linear.scatter [tilespmem:s2], [sflag:$0x1], $0x1000, $0x38;
	[tilespmem:$0x18000] =	vst v63  }
0x3b5: {  	s2 =	simm.s32 $0xA0B0  }
0x3b6: {  	s29 =	sand.u32 $0xFC0, s5;
	v21 =	vld [tilespmem:s2+$0x0]  }
0x3b7: {  	v22 =	vld [tilespmem:s29+$0xA080]  }
0x3b8: {  	v23 =	vld [tilespmem:s29+$0xA000]  }
0x3b9: {  	v19 =	vperm.xlane v18, v12;
	v24 =	vld [tilespmem:s2+$0xFFFFFF60]  }
0x3ba: {  	v25 =	vld [tilespmem:s2+$0xFFFFFF70]  }
0x3bb: {  	v26 =	vld [tilespmem:s2+$0xFFFFFF80];
	vm0 =	vlt.s32 v19, v21  }
0x3bc: {  	v20 =	vld [tilespmem:s2+$0xFFFFFF90];
	vm1 =	vlt.s32 v19, v22;
	v27 =	vnsel vm0, $0x0, v21  }
0x3bd: {  	vm0 =	vlt.s32 v19, v23;
	v21 =	vld [tilespmem:s2+$0xFFFFFFA0];
	v28 =	vnsel vm1, $0x0, v22;
	[tilespmem:s2+$0x0] =	vst v27  }
0x3be: {  	v22 =	vld [tilespmem:s2+$0xFFFFFFB0];
	v23 =	vnsel vm0, $0x0, v23;
	vm0 =	vlt.s32 v19, v24;
	[tilespmem:s29+$0xA080] =	vst v28  }
0x3bf: {  	[tilespmem:s29+$0xA000] =	vst v23;
	v24 =	vnsel vm0, $0x0, v24;
	vm0 =	vlt.s32 v19, v25;
	v23 =	vld [tilespmem:s2+$0xFFFFFFC0]  }
0x3c0: {  	s22 =	simm.s32 $0x0;
	[tilespmem:s2+$0xFFFFFF60] =	vst v24;
	v25 =	vnsel vm0, $0x0, v25;
	vm0 =	vlt.s32 v19, v26;
	v24 =	vld [tilespmem:s2+$0xFFFFFFE0]  }
0x3c1: {  	s6 =	simm.s32 $0xA040;
	s25 =	simm.s32 $0xC0;
	s1 =	simm.s32 $0xA170;
	[tilespmem:s2+$0xFFFFFF70] =	vst v25;
	v26 =	vnsel vm0, $0x0, v26;
	vm0 =	vlt.s32 v19, v20;
	v25 =	vld [tilespmem:s2+$0xFFFFFFF0]  }
.LBB2_64:
0x3c2: {  	s5 =	sand.u32 $0xFC0, s25;
	v27 =	vld [tilespmem:s1+$0x0];
	s22 =	sadd.s32 $0xC, s22;
	[tilespmem:s2+$0xFFFFFF80] =	vst v26;
	v20 =	vnsel vm0, $0x0, v20;
	vm0 =	vlt.s32 v19, v21  }
0x3c3: {  	v26 =	vld [tilespmem:s5+$0xA080];
	p0 =	slt.u32 s22, $0xF0;
	[tilespmem:s2+$0xFFFFFF90] =	vst v20;
	v20 =	vnsel vm0, $0x0, v21;
	vm0 =	vlt.s32 v19, v22  }
0x3c4: {  	v28 =	vld [tilespmem:s5+$0xA000];
	[tilespmem:s2+$0xFFFFFFA0] =	vst v20;
	v20 =	vnsel vm0, $0x0, v22;
	vm0 =	vlt.s32 v19, v23  }
0x3c5: {  	v29 =	vld [tilespmem:s1+$0xFFFFFF60];
	[tilespmem:s2+$0xFFFFFFB0] =	vst v20;
	v20 =	vnsel vm0, $0x0, v23;
	vm0 =	vlt.s32 v19, v24  }
0x3c6: {  	v30 =	vld [tilespmem:s1+$0xFFFFFF70];
	[tilespmem:s2+$0xFFFFFFC0] =	vst v20;
	v20 =	vnsel vm0, $0x0, v24;
	vm0 =	vlt.s32 v19, v25  }
0x3c7: {  	v31 =	vld [tilespmem:s1+$0xFFFFFF80];
	vm1 =	vlt.s32 v19, v27;
	[tilespmem:s2+$0xFFFFFFE0] =	vst v20;
	v21 =	vnsel vm0, $0x0, v25  }
0x3c8: {  	v20 =	vld [tilespmem:s1+$0xFFFFFF90];
	vm0 =	vlt.s32 v19, v26;
	v22 =	vnsel vm1, $0x0, v27;
	[tilespmem:s2+$0xFFFFFFF0] =	vst v21;
	s2 =	smov.u32 s1  }
.Ltmp33:
0x3c9: {  	vm1 =	vlt.s32 v19, v28;
	v21 =	vld [tilespmem:s1+$0xFFFFFFA0];
	v23 =	vnsel vm0, $0x0, v26;
	[tilespmem:s1+$0x0] =	vst v22;
	(pc) =	sbr.rel @p0 .LBB2_64-.Ltmp33, $4  }
0x3ca: {  	s26 =	simm.s32 $0xFC0;
	v24 =	vnsel vm1, $0x0, v28;
	vm0 =	vlt.s32 v19, v29;
	v22 =	vld [tilespmem:s1+$0xFFFFFFB0];
	[tilespmem:s5+$0xA080] =	vst v23  }
0x3cb: {  	[tilespmem:s5+$0xA000] =	vst v24;
	v24 =	vnsel vm0, $0x0, v29;
	vm0 =	vlt.s32 v19, v30;
	v23 =	vld [tilespmem:s1+$0xFFFFFFC0]  }
0x3cc: {  	[tilespmem:s1+$0xFFFFFF60] =	vst v24;
	v25 =	vnsel vm0, $0x0, v30;
	vm0 =	vlt.s32 v19, v31;
	v24 =	vld [tilespmem:s1+$0xFFFFFFE0]  }
0x3cd: {  	s25 =	sadd.s32 $0xC0, s25;
	s1 =	sadd.s32 $0xC0, s1;
	[tilespmem:s2+$0xFFFFFF70] =	vst v25;
	v26 =	vnsel vm0, $0x0, v31;
	vm0 =	vlt.s32 v19, v20;
	v25 =	vld [tilespmem:s2+$0xFFFFFFF0]  }
0x3ce: {  	[tilespmem:s2+$0xFFFFFF80] =	vst v26;
	v20 =	vnsel vm0, $0x0, v20;
	vm11 =	vlt.s32 v19, v21  }
0x3cf: {  	[tilespmem:s2+$0xFFFFFF90] =	vst v20;
	v20 =	vnsel vm11, $0x0, v21;
	vm12 =	vlt.s32 v19, v22  }
0x3d0: {  	[tilespmem:s2+$0xFFFFFFA0] =	vst v20;
	v20 =	vnsel vm12, $0x0, v22;
	vm13 =	vlt.s32 v19, v23  }
0x3d1: {  	[tilespmem:s2+$0xFFFFFFB0] =	vst v20;
	v20 =	vnsel vm13, $0x0, v23;
	vm14 =	vlt.s32 v19, v24  }
0x3d2: {  	[tilespmem:s2+$0xFFFFFFC0] =	vst v20;
	v20 =	vnsel vm14, $0x0, v24;
	vm15 =	vlt.s32 v19, v25  }
0x3d3: {  	[tilespmem:s2+$0xFFFFFFE0] =	vst v20;
	v20 =	vnsel vm15, $0x0, v25  }
0x3d4: {  	[tilespmem:s2+$0xFFFFFFF0] =	vst v20  }
.LBB2_66:
0x3d5: {  	s1 =	sand.u32 $0x3FFFFF80, s26  }
0x3d6: {  	s1 =	sadd.s32 s1, s6  }
0x3d7: {  	v20 =	vld [tilespmem:s1+$0x0];
	_ =	sdelay $0x1  }
0x3d8: {  	p0 =	sne.s32 s26, $0xFF0  }
.Ltmp34:
0x3d9: {  	_ = 	snop;
	(pc) =	sbr.rel @p0 .LBB2_66-.Ltmp34, $4  }
0x3da: {  	_ = 	snop  }
0x3db: {  	vm0 =	vlt.s32 v19, v20  }
0x3dc: {  	v20 =	vnsel vm0, $0x0, v20  }
0x3dd: {  	s26 =	sadd.s32 $0x10, s26;
	s6 =	sadd.s32 $0x10, s6;
	[tilespmem:s1+$0x0] =	vst v20  }
0x3de: {  	s1 =	sadd.s32 s0, s15;
	s5 =	simm.s32 $0x0;
	s2 =	simm.s32 $0x9000  }
0x3df: {  	[hbm4b:s1+s5] =	stream.linear.scatter [tilespmem:s2], [sflag:$0x1], $0x1000, $0x38;
	[tilespmem:$0x18000] =	vst v63  }
0x3e0: {  	s2 =	simm.s32 $0xB0B0  }
0x3e1: {  	s29 =	sand.u32 $0xFC0, s5;
	v21 =	vld [tilespmem:s2+$0x0]  }
0x3e2: {  	v22 =	vld [tilespmem:s29+$0xB080]  }
0x3e3: {  	v23 =	vld [tilespmem:s29+$0xB000]  }
0x3e4: {  	v19 =	vperm.xlane v18, v13;
	v24 =	vld [tilespmem:s2+$0xFFFFFF60]  }
0x3e5: {  	v25 =	vld [tilespmem:s2+$0xFFFFFF70]  }
0x3e6: {  	v26 =	vld [tilespmem:s2+$0xFFFFFF80];
	vm0 =	vlt.s32 v19, v21  }
0x3e7: {  	v20 =	vld [tilespmem:s2+$0xFFFFFF90];
	vm1 =	vlt.s32 v19, v22;
	v27 =	vnsel vm0, $0x0, v21  }
0x3e8: {  	vm0 =	vlt.s32 v19, v23;
	v21 =	vld [tilespmem:s2+$0xFFFFFFA0];
	v28 =	vnsel vm1, $0x0, v22;
	[tilespmem:s2+$0x0] =	vst v27  }
0x3e9: {  	v22 =	vld [tilespmem:s2+$0xFFFFFFB0];
	v23 =	vnsel vm0, $0x0, v23;
	vm0 =	vlt.s32 v19, v24;
	[tilespmem:s29+$0xB080] =	vst v28  }
0x3ea: {  	[tilespmem:s29+$0xB000] =	vst v23;
	v24 =	vnsel vm0, $0x0, v24;
	vm0 =	vlt.s32 v19, v25;
	v23 =	vld [tilespmem:s2+$0xFFFFFFC0]  }
0x3eb: {  	s22 =	simm.s32 $0x0;
	[tilespmem:s2+$0xFFFFFF60] =	vst v24;
	v25 =	vnsel vm0, $0x0, v25;
	vm0 =	vlt.s32 v19, v26;
	v24 =	vld [tilespmem:s2+$0xFFFFFFE0]  }
0x3ec: {  	s6 =	simm.s32 $0xB040;
	s25 =	simm.s32 $0xC0;
	s1 =	simm.s32 $0xB170;
	[tilespmem:s2+$0xFFFFFF70] =	vst v25;
	v26 =	vnsel vm0, $0x0, v26;
	vm0 =	vlt.s32 v19, v20;
	v25 =	vld [tilespmem:s2+$0xFFFFFFF0]  }
.LBB2_68:
0x3ed: {  	s5 =	sand.u32 $0xFC0, s25;
	v27 =	vld [tilespmem:s1+$0x0];
	s22 =	sadd.s32 $0xC, s22;
	[tilespmem:s2+$0xFFFFFF80] =	vst v26;
	v20 =	vnsel vm0, $0x0, v20;
	vm0 =	vlt.s32 v19, v21  }
0x3ee: {  	v26 =	vld [tilespmem:s5+$0xB080];
	p0 =	slt.u32 s22, $0xF0;
	[tilespmem:s2+$0xFFFFFF90] =	vst v20;
	v20 =	vnsel vm0, $0x0, v21;
	vm0 =	vlt.s32 v19, v22  }
0x3ef: {  	v28 =	vld [tilespmem:s5+$0xB000];
	[tilespmem:s2+$0xFFFFFFA0] =	vst v20;
	v20 =	vnsel vm0, $0x0, v22;
	vm0 =	vlt.s32 v19, v23  }
0x3f0: {  	v29 =	vld [tilespmem:s1+$0xFFFFFF60];
	[tilespmem:s2+$0xFFFFFFB0] =	vst v20;
	v20 =	vnsel vm0, $0x0, v23;
	vm0 =	vlt.s32 v19, v24  }
0x3f1: {  	v30 =	vld [tilespmem:s1+$0xFFFFFF70];
	[tilespmem:s2+$0xFFFFFFC0] =	vst v20;
	v20 =	vnsel vm0, $0x0, v24;
	vm0 =	vlt.s32 v19, v25  }
0x3f2: {  	v31 =	vld [tilespmem:s1+$0xFFFFFF80];
	vm1 =	vlt.s32 v19, v27;
	[tilespmem:s2+$0xFFFFFFE0] =	vst v20;
	v21 =	vnsel vm0, $0x0, v25  }
0x3f3: {  	v20 =	vld [tilespmem:s1+$0xFFFFFF90];
	vm0 =	vlt.s32 v19, v26;
	v22 =	vnsel vm1, $0x0, v27;
	[tilespmem:s2+$0xFFFFFFF0] =	vst v21;
	s2 =	smov.u32 s1  }
.Ltmp35:
0x3f4: {  	vm1 =	vlt.s32 v19, v28;
	v21 =	vld [tilespmem:s1+$0xFFFFFFA0];
	v23 =	vnsel vm0, $0x0, v26;
	[tilespmem:s1+$0x0] =	vst v22;
	(pc) =	sbr.rel @p0 .LBB2_68-.Ltmp35, $4  }
0x3f5: {  	s26 =	simm.s32 $0xFC0;
	v24 =	vnsel vm1, $0x0, v28;
	vm0 =	vlt.s32 v19, v29;
	v22 =	vld [tilespmem:s1+$0xFFFFFFB0];
	[tilespmem:s5+$0xB080] =	vst v23  }
0x3f6: {  	[tilespmem:s5+$0xB000] =	vst v24;
	v24 =	vnsel vm0, $0x0, v29;
	vm0 =	vlt.s32 v19, v30;
	v23 =	vld [tilespmem:s1+$0xFFFFFFC0]  }
0x3f7: {  	[tilespmem:s1+$0xFFFFFF60] =	vst v24;
	v25 =	vnsel vm0, $0x0, v30;
	vm0 =	vlt.s32 v19, v31;
	v24 =	vld [tilespmem:s1+$0xFFFFFFE0]  }
0x3f8: {  	s25 =	sadd.s32 $0xC0, s25;
	s1 =	sadd.s32 $0xC0, s1;
	[tilespmem:s2+$0xFFFFFF70] =	vst v25;
	v26 =	vnsel vm0, $0x0, v31;
	vm0 =	vlt.s32 v19, v20;
	v25 =	vld [tilespmem:s2+$0xFFFFFFF0]  }
0x3f9: {  	[tilespmem:s2+$0xFFFFFF80] =	vst v26;
	v20 =	vnsel vm0, $0x0, v20;
	vm11 =	vlt.s32 v19, v21  }
0x3fa: {  	[tilespmem:s2+$0xFFFFFF90] =	vst v20;
	v20 =	vnsel vm11, $0x0, v21;
	vm12 =	vlt.s32 v19, v22  }
0x3fb: {  	[tilespmem:s2+$0xFFFFFFA0] =	vst v20;
	v20 =	vnsel vm12, $0x0, v22;
	vm13 =	vlt.s32 v19, v23  }
0x3fc: {  	[tilespmem:s2+$0xFFFFFFB0] =	vst v20;
	v20 =	vnsel vm13, $0x0, v23;
	vm14 =	vlt.s32 v19, v24  }
0x3fd: {  	[tilespmem:s2+$0xFFFFFFC0] =	vst v20;
	v20 =	vnsel vm14, $0x0, v24;
	vm15 =	vlt.s32 v19, v25  }
0x3fe: {  	[tilespmem:s2+$0xFFFFFFE0] =	vst v20;
	v20 =	vnsel vm15, $0x0, v25  }
0x3ff: {  	[tilespmem:s2+$0xFFFFFFF0] =	vst v20  }
.LBB2_70:
0x400: {  	s1 =	sand.u32 $0x3FFFFF80, s26  }
0x401: {  	s1 =	sadd.s32 s1, s6  }
0x402: {  	v20 =	vld [tilespmem:s1+$0x0];
	_ =	sdelay $0x1  }
0x403: {  	p0 =	sne.s32 s26, $0xFF0  }
.Ltmp36:
0x404: {  	_ = 	snop;
	(pc) =	sbr.rel @p0 .LBB2_70-.Ltmp36, $4  }
0x405: {  	_ = 	snop  }
0x406: {  	vm0 =	vlt.s32 v19, v20  }
0x407: {  	v20 =	vnsel vm0, $0x0, v20  }
0x408: {  	s26 =	sadd.s32 $0x10, s26;
	s6 =	sadd.s32 $0x10, s6;
	[tilespmem:s1+$0x0] =	vst v20  }
0x409: {  	s1 =	sadd.s32 s0, s16;
	s5 =	simm.s32 $0x0;
	s2 =	simm.s32 $0xA000  }
0x40a: {  	[hbm4b:s1+s5] =	stream.linear.scatter [tilespmem:s2], [sflag:$0x1], $0x1000, $0x38;
	[tilespmem:$0x18000] =	vst v63  }
0x40b: {  	s2 =	simm.s32 $0xC0B0  }
0x40c: {  	s29 =	sand.u32 $0xFC0, s5;
	v21 =	vld [tilespmem:s2+$0x0]  }
0x40d: {  	v22 =	vld [tilespmem:s29+$0xC080]  }
0x40e: {  	v23 =	vld [tilespmem:s29+$0xC000]  }
0x40f: {  	v19 =	vperm.xlane v18, v14;
	v24 =	vld [tilespmem:s2+$0xFFFFFF60]  }
0x410: {  	v25 =	vld [tilespmem:s2+$0xFFFFFF70]  }
0x411: {  	v26 =	vld [tilespmem:s2+$0xFFFFFF80];
	vm0 =	vlt.s32 v19, v21  }
0x412: {  	v20 =	vld [tilespmem:s2+$0xFFFFFF90];
	vm1 =	vlt.s32 v19, v22;
	v27 =	vnsel vm0, $0x0, v21  }
0x413: {  	vm0 =	vlt.s32 v19, v23;
	v21 =	vld [tilespmem:s2+$0xFFFFFFA0];
	v28 =	vnsel vm1, $0x0, v22;
	[tilespmem:s2+$0x0] =	vst v27  }
0x414: {  	v22 =	vld [tilespmem:s2+$0xFFFFFFB0];
	v23 =	vnsel vm0, $0x0, v23;
	vm0 =	vlt.s32 v19, v24;
	[tilespmem:s29+$0xC080] =	vst v28  }
0x415: {  	[tilespmem:s29+$0xC000] =	vst v23;
	v24 =	vnsel vm0, $0x0, v24;
	vm0 =	vlt.s32 v19, v25;
	v23 =	vld [tilespmem:s2+$0xFFFFFFC0]  }
0x416: {  	s22 =	simm.s32 $0x0;
	[tilespmem:s2+$0xFFFFFF60] =	vst v24;
	v25 =	vnsel vm0, $0x0, v25;
	vm0 =	vlt.s32 v19, v26;
	v24 =	vld [tilespmem:s2+$0xFFFFFFE0]  }
0x417: {  	s6 =	simm.s32 $0xC040;
	s25 =	simm.s32 $0xC0;
	s1 =	simm.s32 $0xC170;
	[tilespmem:s2+$0xFFFFFF70] =	vst v25;
	v26 =	vnsel vm0, $0x0, v26;
	vm0 =	vlt.s32 v19, v20;
	v25 =	vld [tilespmem:s2+$0xFFFFFFF0]  }
.LBB2_72:
0x418: {  	s5 =	sand.u32 $0xFC0, s25;
	v27 =	vld [tilespmem:s1+$0x0];
	s22 =	sadd.s32 $0xC, s22;
	[tilespmem:s2+$0xFFFFFF80] =	vst v26;
	v20 =	vnsel vm0, $0x0, v20;
	vm0 =	vlt.s32 v19, v21  }
0x419: {  	v26 =	vld [tilespmem:s5+$0xC080];
	p0 =	slt.u32 s22, $0xF0;
	[tilespmem:s2+$0xFFFFFF90] =	vst v20;
	v20 =	vnsel vm0, $0x0, v21;
	vm0 =	vlt.s32 v19, v22  }
0x41a: {  	v28 =	vld [tilespmem:s5+$0xC000];
	[tilespmem:s2+$0xFFFFFFA0] =	vst v20;
	v20 =	vnsel vm0, $0x0, v22;
	vm0 =	vlt.s32 v19, v23  }
0x41b: {  	v29 =	vld [tilespmem:s1+$0xFFFFFF60];
	[tilespmem:s2+$0xFFFFFFB0] =	vst v20;
	v20 =	vnsel vm0, $0x0, v23;
	vm0 =	vlt.s32 v19, v24  }
0x41c: {  	v30 =	vld [tilespmem:s1+$0xFFFFFF70];
	[tilespmem:s2+$0xFFFFFFC0] =	vst v20;
	v20 =	vnsel vm0, $0x0, v24;
	vm0 =	vlt.s32 v19, v25  }
0x41d: {  	v31 =	vld [tilespmem:s1+$0xFFFFFF80];
	vm1 =	vlt.s32 v19, v27;
	[tilespmem:s2+$0xFFFFFFE0] =	vst v20;
	v21 =	vnsel vm0, $0x0, v25  }
0x41e: {  	v20 =	vld [tilespmem:s1+$0xFFFFFF90];
	vm0 =	vlt.s32 v19, v26;
	v22 =	vnsel vm1, $0x0, v27;
	[tilespmem:s2+$0xFFFFFFF0] =	vst v21;
	s2 =	smov.u32 s1  }
.Ltmp37:
0x41f: {  	vm1 =	vlt.s32 v19, v28;
	v21 =	vld [tilespmem:s1+$0xFFFFFFA0];
	v23 =	vnsel vm0, $0x0, v26;
	[tilespmem:s1+$0x0] =	vst v22;
	(pc) =	sbr.rel @p0 .LBB2_72-.Ltmp37, $4  }
0x420: {  	s26 =	simm.s32 $0xFC0;
	v24 =	vnsel vm1, $0x0, v28;
	vm0 =	vlt.s32 v19, v29;
	v22 =	vld [tilespmem:s1+$0xFFFFFFB0];
	[tilespmem:s5+$0xC080] =	vst v23  }
0x421: {  	[tilespmem:s5+$0xC000] =	vst v24;
	v24 =	vnsel vm0, $0x0, v29;
	vm0 =	vlt.s32 v19, v30;
	v23 =	vld [tilespmem:s1+$0xFFFFFFC0]  }
0x422: {  	[tilespmem:s1+$0xFFFFFF60] =	vst v24;
	v25 =	vnsel vm0, $0x0, v30;
	vm0 =	vlt.s32 v19, v31;
	v24 =	vld [tilespmem:s1+$0xFFFFFFE0]  }
0x423: {  	s25 =	sadd.s32 $0xC0, s25;
	s1 =	sadd.s32 $0xC0, s1;
	[tilespmem:s2+$0xFFFFFF70] =	vst v25;
	v26 =	vnsel vm0, $0x0, v31;
	vm0 =	vlt.s32 v19, v20;
	v25 =	vld [tilespmem:s2+$0xFFFFFFF0]  }
0x424: {  	[tilespmem:s2+$0xFFFFFF80] =	vst v26;
	v20 =	vnsel vm0, $0x0, v20;
	vm11 =	vlt.s32 v19, v21  }
0x425: {  	[tilespmem:s2+$0xFFFFFF90] =	vst v20;
	v20 =	vnsel vm11, $0x0, v21;
	vm12 =	vlt.s32 v19, v22  }
0x426: {  	[tilespmem:s2+$0xFFFFFFA0] =	vst v20;
	v20 =	vnsel vm12, $0x0, v22;
	vm13 =	vlt.s32 v19, v23  }
0x427: {  	[tilespmem:s2+$0xFFFFFFB0] =	vst v20;
	v20 =	vnsel vm13, $0x0, v23;
	vm14 =	vlt.s32 v19, v24  }
0x428: {  	[tilespmem:s2+$0xFFFFFFC0] =	vst v20;
	v20 =	vnsel vm14, $0x0, v24;
	vm15 =	vlt.s32 v19, v25  }
0x429: {  	[tilespmem:s2+$0xFFFFFFE0] =	vst v20;
	v20 =	vnsel vm15, $0x0, v25  }
0x42a: {  	[tilespmem:s2+$0xFFFFFFF0] =	vst v20  }
.LBB2_74:
0x42b: {  	s1 =	sand.u32 $0x3FFFFF80, s26  }
0x42c: {  	s1 =	sadd.s32 s1, s6  }
0x42d: {  	v20 =	vld [tilespmem:s1+$0x0];
	_ =	sdelay $0x1  }
0x42e: {  	p0 =	sne.s32 s26, $0xFF0  }
.Ltmp38:
0x42f: {  	_ = 	snop;
	(pc) =	sbr.rel @p0 .LBB2_74-.Ltmp38, $4  }
0x430: {  	_ = 	snop  }
0x431: {  	vm0 =	vlt.s32 v19, v20  }
0x432: {  	v20 =	vnsel vm0, $0x0, v20  }
0x433: {  	s26 =	sadd.s32 $0x10, s26;
	s6 =	sadd.s32 $0x10, s6;
	[tilespmem:s1+$0x0] =	vst v20  }
0x434: {  	s1 =	sadd.s32 s0, s17;
	s5 =	simm.s32 $0x0;
	s2 =	simm.s32 $0xB000  }
0x435: {  	[hbm4b:s1+s5] =	stream.linear.scatter [tilespmem:s2], [sflag:$0x1], $0x1000, $0x38;
	[tilespmem:$0x18000] =	vst v63  }
0x436: {  	s2 =	simm.s32 $0xD0B0  }
0x437: {  	s29 =	sand.u32 $0xFC0, s5;
	v21 =	vld [tilespmem:s2+$0x0]  }
0x438: {  	v22 =	vld [tilespmem:s29+$0xD080]  }
0x439: {  	v23 =	vld [tilespmem:s29+$0xD000]  }
0x43a: {  	v19 =	vperm.xlane v18, v15;
	v24 =	vld [tilespmem:s2+$0xFFFFFF60]  }
0x43b: {  	v25 =	vld [tilespmem:s2+$0xFFFFFF70]  }
0x43c: {  	v26 =	vld [tilespmem:s2+$0xFFFFFF80];
	vm0 =	vlt.s32 v19, v21  }
0x43d: {  	v20 =	vld [tilespmem:s2+$0xFFFFFF90];
	vm1 =	vlt.s32 v19, v22;
	v27 =	vnsel vm0, $0x0, v21  }
0x43e: {  	vm0 =	vlt.s32 v19, v23;
	v21 =	vld [tilespmem:s2+$0xFFFFFFA0];
	v28 =	vnsel vm1, $0x0, v22;
	[tilespmem:s2+$0x0] =	vst v27  }
0x43f: {  	v22 =	vld [tilespmem:s2+$0xFFFFFFB0];
	v23 =	vnsel vm0, $0x0, v23;
	vm0 =	vlt.s32 v19, v24;
	[tilespmem:s29+$0xD080] =	vst v28  }
0x440: {  	[tilespmem:s29+$0xD000] =	vst v23;
	v24 =	vnsel vm0, $0x0, v24;
	vm0 =	vlt.s32 v19, v25;
	v23 =	vld [tilespmem:s2+$0xFFFFFFC0]  }
0x441: {  	s22 =	simm.s32 $0x0;
	[tilespmem:s2+$0xFFFFFF60] =	vst v24;
	v25 =	vnsel vm0, $0x0, v25;
	vm0 =	vlt.s32 v19, v26;
	v24 =	vld [tilespmem:s2+$0xFFFFFFE0]  }
0x442: {  	s6 =	simm.s32 $0xD040;
	s25 =	simm.s32 $0xC0;
	s1 =	simm.s32 $0xD170;
	[tilespmem:s2+$0xFFFFFF70] =	vst v25;
	v26 =	vnsel vm0, $0x0, v26;
	vm0 =	vlt.s32 v19, v20;
	v25 =	vld [tilespmem:s2+$0xFFFFFFF0]  }
.LBB2_76:
0x443: {  	s5 =	sand.u32 $0xFC0, s25;
	v27 =	vld [tilespmem:s1+$0x0];
	s22 =	sadd.s32 $0xC, s22;
	[tilespmem:s2+$0xFFFFFF80] =	vst v26;
	v20 =	vnsel vm0, $0x0, v20;
	vm0 =	vlt.s32 v19, v21  }
0x444: {  	v26 =	vld [tilespmem:s5+$0xD080];
	p0 =	slt.u32 s22, $0xF0;
	[tilespmem:s2+$0xFFFFFF90] =	vst v20;
	v20 =	vnsel vm0, $0x0, v21;
	vm0 =	vlt.s32 v19, v22  }
0x445: {  	v28 =	vld [tilespmem:s5+$0xD000];
	[tilespmem:s2+$0xFFFFFFA0] =	vst v20;
	v20 =	vnsel vm0, $0x0, v22;
	vm0 =	vlt.s32 v19, v23  }
0x446: {  	v29 =	vld [tilespmem:s1+$0xFFFFFF60];
	[tilespmem:s2+$0xFFFFFFB0] =	vst v20;
	v20 =	vnsel vm0, $0x0, v23;
	vm0 =	vlt.s32 v19, v24  }
0x447: {  	v30 =	vld [tilespmem:s1+$0xFFFFFF70];
	[tilespmem:s2+$0xFFFFFFC0] =	vst v20;
	v20 =	vnsel vm0, $0x0, v24;
	vm0 =	vlt.s32 v19, v25  }
0x448: {  	v31 =	vld [tilespmem:s1+$0xFFFFFF80];
	vm1 =	vlt.s32 v19, v27;
	[tilespmem:s2+$0xFFFFFFE0] =	vst v20;
	v21 =	vnsel vm0, $0x0, v25  }
0x449: {  	v20 =	vld [tilespmem:s1+$0xFFFFFF90];
	vm0 =	vlt.s32 v19, v26;
	v22 =	vnsel vm1, $0x0, v27;
	[tilespmem:s2+$0xFFFFFFF0] =	vst v21;
	s2 =	smov.u32 s1  }
.Ltmp39:
0x44a: {  	vm1 =	vlt.s32 v19, v28;
	v21 =	vld [tilespmem:s1+$0xFFFFFFA0];
	v23 =	vnsel vm0, $0x0, v26;
	[tilespmem:s1+$0x0] =	vst v22;
	(pc) =	sbr.rel @p0 .LBB2_76-.Ltmp39, $4  }
0x44b: {  	s26 =	simm.s32 $0xFC0;
	v24 =	vnsel vm1, $0x0, v28;
	vm0 =	vlt.s32 v19, v29;
	v22 =	vld [tilespmem:s1+$0xFFFFFFB0];
	[tilespmem:s5+$0xD080] =	vst v23  }
0x44c: {  	[tilespmem:s5+$0xD000] =	vst v24;
	v24 =	vnsel vm0, $0x0, v29;
	vm0 =	vlt.s32 v19, v30;
	v23 =	vld [tilespmem:s1+$0xFFFFFFC0]  }
0x44d: {  	[tilespmem:s1+$0xFFFFFF60] =	vst v24;
	v25 =	vnsel vm0, $0x0, v30;
	vm0 =	vlt.s32 v19, v31;
	v24 =	vld [tilespmem:s1+$0xFFFFFFE0]  }
0x44e: {  	s25 =	sadd.s32 $0xC0, s25;
	s1 =	sadd.s32 $0xC0, s1;
	[tilespmem:s2+$0xFFFFFF70] =	vst v25;
	v26 =	vnsel vm0, $0x0, v31;
	vm0 =	vlt.s32 v19, v20;
	v25 =	vld [tilespmem:s2+$0xFFFFFFF0]  }
0x44f: {  	[tilespmem:s2+$0xFFFFFF80] =	vst v26;
	v20 =	vnsel vm0, $0x0, v20;
	vm11 =	vlt.s32 v19, v21  }
0x450: {  	[tilespmem:s2+$0xFFFFFF90] =	vst v20;
	v20 =	vnsel vm11, $0x0, v21;
	vm12 =	vlt.s32 v19, v22  }
0x451: {  	[tilespmem:s2+$0xFFFFFFA0] =	vst v20;
	v20 =	vnsel vm12, $0x0, v22;
	vm13 =	vlt.s32 v19, v23  }
0x452: {  	[tilespmem:s2+$0xFFFFFFB0] =	vst v20;
	v20 =	vnsel vm13, $0x0, v23;
	vm14 =	vlt.s32 v19, v24  }
0x453: {  	[tilespmem:s2+$0xFFFFFFC0] =	vst v20;
	v20 =	vnsel vm14, $0x0, v24;
	vm15 =	vlt.s32 v19, v25  }
0x454: {  	[tilespmem:s2+$0xFFFFFFE0] =	vst v20;
	v20 =	vnsel vm15, $0x0, v25  }
0x455: {  	[tilespmem:s2+$0xFFFFFFF0] =	vst v20  }
.LBB2_78:
0x456: {  	s1 =	sand.u32 $0x3FFFFF80, s26  }
0x457: {  	s1 =	sadd.s32 s1, s6  }
0x458: {  	v20 =	vld [tilespmem:s1+$0x0];
	_ =	sdelay $0x1  }
0x459: {  	p0 =	sne.s32 s26, $0xFF0  }
.Ltmp40:
0x45a: {  	_ = 	snop;
	(pc) =	sbr.rel @p0 .LBB2_78-.Ltmp40, $4  }
0x45b: {  	_ = 	snop  }
0x45c: {  	vm0 =	vlt.s32 v19, v20  }
0x45d: {  	v20 =	vnsel vm0, $0x0, v20  }
0x45e: {  	s26 =	sadd.s32 $0x10, s26;
	s6 =	sadd.s32 $0x10, s6;
	[tilespmem:s1+$0x0] =	vst v20  }
0x45f: {  	s1 =	sadd.s32 s0, s18;
	s5 =	simm.s32 $0x0;
	s2 =	simm.s32 $0xC000  }
0x460: {  	[hbm4b:s1+s5] =	stream.linear.scatter [tilespmem:s2], [sflag:$0x1], $0x1000, $0x38;
	[tilespmem:$0x18000] =	vst v63  }
0x461: {  	s2 =	simm.s32 $0xE0B0  }
0x462: {  	s29 =	sand.u32 $0xFC0, s5;
	v21 =	vld [tilespmem:s2+$0x0]  }
0x463: {  	v22 =	vld [tilespmem:s29+$0xE080]  }
0x464: {  	v23 =	vld [tilespmem:s29+$0xE000]  }
0x465: {  	v19 =	vperm.xlane v18, v16;
	v24 =	vld [tilespmem:s2+$0xFFFFFF60]  }
0x466: {  	v25 =	vld [tilespmem:s2+$0xFFFFFF70]  }
0x467: {  	v26 =	vld [tilespmem:s2+$0xFFFFFF80];
	vm0 =	vlt.s32 v19, v21  }
0x468: {  	v20 =	vld [tilespmem:s2+$0xFFFFFF90];
	vm1 =	vlt.s32 v19, v22;
	v27 =	vnsel vm0, $0x0, v21  }
0x469: {  	vm0 =	vlt.s32 v19, v23;
	v21 =	vld [tilespmem:s2+$0xFFFFFFA0];
	v28 =	vnsel vm1, $0x0, v22;
	[tilespmem:s2+$0x0] =	vst v27  }
0x46a: {  	v22 =	vld [tilespmem:s2+$0xFFFFFFB0];
	v23 =	vnsel vm0, $0x0, v23;
	vm0 =	vlt.s32 v19, v24;
	[tilespmem:s29+$0xE080] =	vst v28  }
0x46b: {  	[tilespmem:s29+$0xE000] =	vst v23;
	v24 =	vnsel vm0, $0x0, v24;
	vm0 =	vlt.s32 v19, v25;
	v23 =	vld [tilespmem:s2+$0xFFFFFFC0]  }
0x46c: {  	s22 =	simm.s32 $0x0;
	[tilespmem:s2+$0xFFFFFF60] =	vst v24;
	v25 =	vnsel vm0, $0x0, v25;
	vm0 =	vlt.s32 v19, v26;
	v24 =	vld [tilespmem:s2+$0xFFFFFFE0]  }
0x46d: {  	s6 =	simm.s32 $0xE040;
	s25 =	simm.s32 $0xC0;
	s1 =	simm.s32 $0xE170;
	[tilespmem:s2+$0xFFFFFF70] =	vst v25;
	v26 =	vnsel vm0, $0x0, v26;
	vm0 =	vlt.s32 v19, v20;
	v25 =	vld [tilespmem:s2+$0xFFFFFFF0]  }
.LBB2_80:
0x46e: {  	s5 =	sand.u32 $0xFC0, s25;
	v27 =	vld [tilespmem:s1+$0x0];
	s22 =	sadd.s32 $0xC, s22;
	[tilespmem:s2+$0xFFFFFF80] =	vst v26;
	v20 =	vnsel vm0, $0x0, v20;
	vm0 =	vlt.s32 v19, v21  }
0x46f: {  	v26 =	vld [tilespmem:s5+$0xE080];
	p0 =	slt.u32 s22, $0xF0;
	[tilespmem:s2+$0xFFFFFF90] =	vst v20;
	v20 =	vnsel vm0, $0x0, v21;
	vm0 =	vlt.s32 v19, v22  }
0x470: {  	v28 =	vld [tilespmem:s5+$0xE000];
	[tilespmem:s2+$0xFFFFFFA0] =	vst v20;
	v20 =	vnsel vm0, $0x0, v22;
	vm0 =	vlt.s32 v19, v23  }
0x471: {  	v29 =	vld [tilespmem:s1+$0xFFFFFF60];
	[tilespmem:s2+$0xFFFFFFB0] =	vst v20;
	v20 =	vnsel vm0, $0x0, v23;
	vm0 =	vlt.s32 v19, v24  }
0x472: {  	v30 =	vld [tilespmem:s1+$0xFFFFFF70];
	[tilespmem:s2+$0xFFFFFFC0] =	vst v20;
	v20 =	vnsel vm0, $0x0, v24;
	vm0 =	vlt.s32 v19, v25  }
0x473: {  	v31 =	vld [tilespmem:s1+$0xFFFFFF80];
	vm1 =	vlt.s32 v19, v27;
	[tilespmem:s2+$0xFFFFFFE0] =	vst v20;
	v21 =	vnsel vm0, $0x0, v25  }
0x474: {  	v20 =	vld [tilespmem:s1+$0xFFFFFF90];
	vm0 =	vlt.s32 v19, v26;
	v22 =	vnsel vm1, $0x0, v27;
	[tilespmem:s2+$0xFFFFFFF0] =	vst v21;
	s2 =	smov.u32 s1  }
.Ltmp41:
0x475: {  	vm1 =	vlt.s32 v19, v28;
	v21 =	vld [tilespmem:s1+$0xFFFFFFA0];
	v23 =	vnsel vm0, $0x0, v26;
	[tilespmem:s1+$0x0] =	vst v22;
	(pc) =	sbr.rel @p0 .LBB2_80-.Ltmp41, $4  }
0x476: {  	s26 =	simm.s32 $0xFC0;
	v24 =	vnsel vm1, $0x0, v28;
	vm0 =	vlt.s32 v19, v29;
	v22 =	vld [tilespmem:s1+$0xFFFFFFB0];
	[tilespmem:s5+$0xE080] =	vst v23  }
0x477: {  	[tilespmem:s5+$0xE000] =	vst v24;
	v24 =	vnsel vm0, $0x0, v29;
	vm0 =	vlt.s32 v19, v30;
	v23 =	vld [tilespmem:s1+$0xFFFFFFC0]  }
0x478: {  	[tilespmem:s1+$0xFFFFFF60] =	vst v24;
	v25 =	vnsel vm0, $0x0, v30;
	vm0 =	vlt.s32 v19, v31;
	v24 =	vld [tilespmem:s1+$0xFFFFFFE0]  }
0x479: {  	s25 =	sadd.s32 $0xC0, s25;
	s1 =	sadd.s32 $0xC0, s1;
	[tilespmem:s2+$0xFFFFFF70] =	vst v25;
	v26 =	vnsel vm0, $0x0, v31;
	vm0 =	vlt.s32 v19, v20;
	v25 =	vld [tilespmem:s2+$0xFFFFFFF0]  }
0x47a: {  	[tilespmem:s2+$0xFFFFFF80] =	vst v26;
	v20 =	vnsel vm0, $0x0, v20;
	vm11 =	vlt.s32 v19, v21  }
0x47b: {  	[tilespmem:s2+$0xFFFFFF90] =	vst v20;
	v20 =	vnsel vm11, $0x0, v21;
	vm12 =	vlt.s32 v19, v22  }
0x47c: {  	[tilespmem:s2+$0xFFFFFFA0] =	vst v20;
	v20 =	vnsel vm12, $0x0, v22;
	vm13 =	vlt.s32 v19, v23  }
0x47d: {  	[tilespmem:s2+$0xFFFFFFB0] =	vst v20;
	v20 =	vnsel vm13, $0x0, v23;
	vm14 =	vlt.s32 v19, v24  }
0x47e: {  	[tilespmem:s2+$0xFFFFFFC0] =	vst v20;
	v20 =	vnsel vm14, $0x0, v24;
	vm15 =	vlt.s32 v19, v25  }
0x47f: {  	[tilespmem:s2+$0xFFFFFFE0] =	vst v20;
	v20 =	vnsel vm15, $0x0, v25  }
0x480: {  	[tilespmem:s2+$0xFFFFFFF0] =	vst v20  }
.LBB2_82:
0x481: {  	s1 =	sand.u32 $0x3FFFFF80, s26  }
0x482: {  	s1 =	sadd.s32 s1, s6  }
0x483: {  	v20 =	vld [tilespmem:s1+$0x0];
	_ =	sdelay $0x1  }
0x484: {  	p0 =	sne.s32 s26, $0xFF0  }
.Ltmp42:
0x485: {  	_ = 	snop;
	(pc) =	sbr.rel @p0 .LBB2_82-.Ltmp42, $4  }
0x486: {  	_ = 	snop  }
0x487: {  	vm0 =	vlt.s32 v19, v20  }
0x488: {  	v20 =	vnsel vm0, $0x0, v20  }
0x489: {  	s26 =	sadd.s32 $0x10, s26;
	s6 =	sadd.s32 $0x10, s6;
	[tilespmem:s1+$0x0] =	vst v20  }
0x48a: {  	s1 =	sadd.s32 s0, s19;
	s5 =	simm.s32 $0x0;
	s2 =	simm.s32 $0xD000  }
0x48b: {  	[hbm4b:s1+s5] =	stream.linear.scatter [tilespmem:s2], [sflag:$0x1], $0x1000, $0x38;
	[tilespmem:$0x18000] =	vst v63  }
0x48c: {  	s2 =	simm.s32 $0xF0B0  }
0x48d: {  	s29 =	sand.u32 $0xFC0, s5;
	v20 =	vld [tilespmem:s2+$0x0]  }
0x48e: {  	v21 =	vld [tilespmem:s29+$0xF080]  }
0x48f: {  	v22 =	vld [tilespmem:s29+$0xF000]  }
0x490: {  	v18 =	vperm.xlane v18, v17;
	v23 =	vld [tilespmem:s2+$0xFFFFFF60]  }
0x491: {  	v24 =	vld [tilespmem:s2+$0xFFFFFF70]  }
0x492: {  	v25 =	vld [tilespmem:s2+$0xFFFFFF80];
	vm0 =	vlt.s32 v18, v20  }
0x493: {  	v19 =	vld [tilespmem:s2+$0xFFFFFF90];
	vm1 =	vlt.s32 v18, v21;
	v26 =	vnsel vm0, $0x0, v20  }
0x494: {  	vm0 =	vlt.s32 v18, v22;
	v20 =	vld [tilespmem:s2+$0xFFFFFFA0];
	v27 =	vnsel vm1, $0x0, v21;
	[tilespmem:s2+$0x0] =	vst v26  }
0x495: {  	v21 =	vld [tilespmem:s2+$0xFFFFFFB0];
	v22 =	vnsel vm0, $0x0, v22;
	vm0 =	vlt.s32 v18, v23;
	[tilespmem:s29+$0xF080] =	vst v27  }
0x496: {  	[tilespmem:s29+$0xF000] =	vst v22;
	v23 =	vnsel vm0, $0x0, v23;
	vm0 =	vlt.s32 v18, v24;
	v22 =	vld [tilespmem:s2+$0xFFFFFFC0]  }
0x497: {  	s22 =	simm.s32 $0x0;
	[tilespmem:s2+$0xFFFFFF60] =	vst v23;
	v24 =	vnsel vm0, $0x0, v24;
	vm0 =	vlt.s32 v18, v25;
	v23 =	vld [tilespmem:s2+$0xFFFFFFE0]  }
0x498: {  	s6 =	simm.s32 $0xF040;
	s25 =	simm.s32 $0xC0;
	s1 =	simm.s32 $0xF170;
	[tilespmem:s2+$0xFFFFFF70] =	vst v24;
	v25 =	vnsel vm0, $0x0, v25;
	vm0 =	vlt.s32 v18, v19;
	v24 =	vld [tilespmem:s2+$0xFFFFFFF0]  }
.LBB2_84:
0x499: {  	s5 =	sand.u32 $0xFC0, s25;
	v26 =	vld [tilespmem:s1+$0x0];
	s22 =	sadd.s32 $0xC, s22;
	[tilespmem:s2+$0xFFFFFF80] =	vst v25;
	v19 =	vnsel vm0, $0x0, v19;
	vm0 =	vlt.s32 v18, v20  }
0x49a: {  	v25 =	vld [tilespmem:s5+$0xF080];
	p0 =	slt.u32 s22, $0xF0;
	[tilespmem:s2+$0xFFFFFF90] =	vst v19;
	v19 =	vnsel vm0, $0x0, v20;
	vm0 =	vlt.s32 v18, v21  }
0x49b: {  	v27 =	vld [tilespmem:s5+$0xF000];
	[tilespmem:s2+$0xFFFFFFA0] =	vst v19;
	v19 =	vnsel vm0, $0x0, v21;
	vm0 =	vlt.s32 v18, v22  }
0x49c: {  	v28 =	vld [tilespmem:s1+$0xFFFFFF60];
	[tilespmem:s2+$0xFFFFFFB0] =	vst v19;
	v19 =	vnsel vm0, $0x0, v22;
	vm0 =	vlt.s32 v18, v23  }
0x49d: {  	v29 =	vld [tilespmem:s1+$0xFFFFFF70];
	[tilespmem:s2+$0xFFFFFFC0] =	vst v19;
	v19 =	vnsel vm0, $0x0, v23;
	vm0 =	vlt.s32 v18, v24  }
0x49e: {  	v30 =	vld [tilespmem:s1+$0xFFFFFF80];
	vm1 =	vlt.s32 v18, v26;
	[tilespmem:s2+$0xFFFFFFE0] =	vst v19;
	v20 =	vnsel vm0, $0x0, v24  }
0x49f: {  	v19 =	vld [tilespmem:s1+$0xFFFFFF90];
	vm0 =	vlt.s32 v18, v25;
	v21 =	vnsel vm1, $0x0, v26;
	[tilespmem:s2+$0xFFFFFFF0] =	vst v20;
	s2 =	smov.u32 s1  }
.Ltmp43:
0x4a0: {  	vm1 =	vlt.s32 v18, v27;
	v20 =	vld [tilespmem:s1+$0xFFFFFFA0];
	v22 =	vnsel vm0, $0x0, v25;
	[tilespmem:s1+$0x0] =	vst v21;
	(pc) =	sbr.rel @p0 .LBB2_84-.Ltmp43, $4  }
0x4a1: {  	s26 =	simm.s32 $0xFC0;
	v23 =	vnsel vm1, $0x0, v27;
	vm0 =	vlt.s32 v18, v28;
	v21 =	vld [tilespmem:s1+$0xFFFFFFB0];
	[tilespmem:s5+$0xF080] =	vst v22  }
0x4a2: {  	[tilespmem:s5+$0xF000] =	vst v23;
	v23 =	vnsel vm0, $0x0, v28;
	vm0 =	vlt.s32 v18, v29;
	v22 =	vld [tilespmem:s1+$0xFFFFFFC0]  }
0x4a3: {  	[tilespmem:s1+$0xFFFFFF60] =	vst v23;
	v24 =	vnsel vm0, $0x0, v29;
	vm0 =	vlt.s32 v18, v30;
	v23 =	vld [tilespmem:s1+$0xFFFFFFE0]  }
0x4a4: {  	s25 =	sadd.s32 $0xC0, s25;
	s1 =	sadd.s32 $0xC0, s1;
	[tilespmem:s2+$0xFFFFFF70] =	vst v24;
	v25 =	vnsel vm0, $0x0, v30;
	vm0 =	vlt.s32 v18, v19;
	v24 =	vld [tilespmem:s2+$0xFFFFFFF0]  }
0x4a5: {  	[tilespmem:s2+$0xFFFFFF80] =	vst v25;
	v19 =	vnsel vm0, $0x0, v19;
	vm11 =	vlt.s32 v18, v20  }
0x4a6: {  	[tilespmem:s2+$0xFFFFFF90] =	vst v19;
	v19 =	vnsel vm11, $0x0, v20;
	vm12 =	vlt.s32 v18, v21  }
0x4a7: {  	[tilespmem:s2+$0xFFFFFFA0] =	vst v19;
	v19 =	vnsel vm12, $0x0, v21;
	vm13 =	vlt.s32 v18, v22  }
0x4a8: {  	[tilespmem:s2+$0xFFFFFFB0] =	vst v19;
	v19 =	vnsel vm13, $0x0, v22;
	vm14 =	vlt.s32 v18, v23  }
0x4a9: {  	[tilespmem:s2+$0xFFFFFFC0] =	vst v19;
	v19 =	vnsel vm14, $0x0, v23;
	vm15 =	vlt.s32 v18, v24  }
0x4aa: {  	[tilespmem:s2+$0xFFFFFFE0] =	vst v19;
	v19 =	vnsel vm15, $0x0, v24  }
0x4ab: {  	[tilespmem:s2+$0xFFFFFFF0] =	vst v19  }
.LBB2_86:
0x4ac: {  	s1 =	sand.u32 $0x3FFFFF80, s26  }
0x4ad: {  	s1 =	sadd.s32 s1, s6  }
0x4ae: {  	v19 =	vld [tilespmem:s1+$0x0];
	_ =	sdelay $0x1  }
0x4af: {  	p0 =	sne.s32 s26, $0xFF0  }
.Ltmp44:
0x4b0: {  	_ = 	snop;
	(pc) =	sbr.rel @p0 .LBB2_86-.Ltmp44, $4  }
0x4b1: {  	_ = 	snop  }
0x4b2: {  	vm0 =	vlt.s32 v18, v19  }
0x4b3: {  	v19 =	vnsel vm0, $0x0, v19  }
0x4b4: {  	s26 =	sadd.s32 $0x10, s26;
	s6 =	sadd.s32 $0x10, s6;
	[tilespmem:s1+$0x0] =	vst v19  }
0x4b5: {  	s1 =	sadd.s32 s0, s20;
	s5 =	simm.s32 $0xE000;
	p0 =	seq.s32 s31, $0x7  }
0x4b6: {  	[hbm4b:s1+s3] =	stream.linear.scatter [tilespmem:s5], [sflag:$0x1], $0x1000, $0x38;
	[tilespmem:$0x18000] =	vst v63  }
.Ltmp45:
0x4b7: {  	s29 =	sadd.s32 s0, s21;
	s6 =	simm.s32 $0xF000;
	(pc) =	sbr.rel @p0 .LBB2_89-.Ltmp45, $4  }
0x4b8: {  	[hbm4b:s29+s3] =	stream.linear.scatter [tilespmem:s6], [sflag:$0x1], $0x1000, $0x38;
	[tilespmem:$0x18000] =	vst v63  }
0x4b9: {  	_ =	swait.ge [sflag:s30], $0x1000  }
0x4ba: {  	[sflag:s30] =	ssyncset.done $0x0  }
0x4bb: {  	[sflag:s30] =	ssyncadd.s32 $0xFFFFF000  }
0x4bc: {  	s1 =	rddreg [dreg:$0x0]  }
0x4bd: {  	s0 =	sadd.s32 s1, s0  }
0x4be: {  	s1 =	sadd.s32 $0x2000, s0  }
0x4bf: {  	[tilespmem:s3], [sflag:$0x2] =	stream.linear.gather [hbm4b:s1+s3], $0x1000, $0x38;
	[tilespmem:$0x18000] =	vst v63  }
0x4c0: {  	_ =	swait.ge [sflag:s30], $0x1000  }
0x4c1: {  	[sflag:s30] =	ssyncset.done $0x0  }
0x4c2: {  	s2 =	simm.s32 $0x1000;
	s26 =	sadd.s32 $0x2200, s0;
	[sflag:s30] =	ssyncadd.s32 $0xFFFFF000  }
0x4c3: {  	[tilespmem:s2], [sflag:$0x2] =	stream.linear.gather [hbm4b:s26+s3], $0x1000, $0x38;
	[tilespmem:$0x18000] =	vst v63  }
0x4c4: {  	_ =	swait.ge [sflag:s30], $0x1000  }
0x4c5: {  	[sflag:s30] =	ssyncset.done $0x0  }
0x4c6: {  	s29 =	simm.s32 $0x2000;
	s28 =	sadd.s32 $0x2400, s0;
	[sflag:s30] =	ssyncadd.s32 $0xFFFFF000  }
0x4c7: {  	[tilespmem:s29], [sflag:$0x2] =	stream.linear.gather [hbm4b:s28+s3], $0x1000, $0x38;
	[tilespmem:$0x18000] =	vst v63  }
0x4c8: {  	_ =	swait.ge [sflag:s30], $0x1000  }
0x4c9: {  	[sflag:s30] =	ssyncset.done $0x0  }
0x4ca: {  	s22 =	simm.s32 $0x3000;
	s2 =	sadd.s32 $0x2600, s0;
	[sflag:s30] =	ssyncadd.s32 $0xFFFFF000  }
0x4cb: {  	[tilespmem:s22], [sflag:$0x2] =	stream.linear.gather [hbm4b:s2+s3], $0x1000, $0x38;
	[tilespmem:$0x18000] =	vst v63  }
0x4cc: {  	_ =	swait.ge [sflag:s30], $0x1000  }
0x4cd: {  	[sflag:s30] =	ssyncset.done $0x0  }
0x4ce: {  	s25 =	sadd.s32 $0x2800, s0;
	s26 =	simm.s32 $0x4000;
	[sflag:s30] =	ssyncadd.s32 $0xFFFFF000  }
0x4cf: {  	[tilespmem:s26], [sflag:$0x2] =	stream.linear.gather [hbm4b:s25+s3], $0x1000, $0x38;
	[tilespmem:$0x18000] =	vst v63  }
0x4d0: {  	_ =	swait.ge [sflag:s30], $0x1000  }
0x4d1: {  	[sflag:s30] =	ssyncset.done $0x0  }
0x4d2: {  	s28 =	sadd.s32 $0x2A00, s0;
	s29 =	simm.s32 $0x5000;
	[sflag:s30] =	ssyncadd.s32 $0xFFFFF000  }
0x4d3: {  	[tilespmem:s29], [sflag:$0x2] =	stream.linear.gather [hbm4b:s28+s3], $0x1000, $0x38;
	[tilespmem:$0x18000] =	vst v63  }
0x4d4: {  	_ =	swait.ge [sflag:s30], $0x1000  }
0x4d5: {  	[sflag:s30] =	ssyncset.done $0x0  }
0x4d6: {  	s2 =	sadd.s32 $0x2C00, s0;
	s22 =	simm.s32 $0x6000;
	[sflag:s30] =	ssyncadd.s32 $0xFFFFF000  }
0x4d7: {  	[tilespmem:s22], [sflag:$0x2] =	stream.linear.gather [hbm4b:s2+s3], $0x1000, $0x38;
	[tilespmem:$0x18000] =	vst v63  }
0x4d8: {  	_ =	swait.ge [sflag:s30], $0x1000  }
0x4d9: {  	[sflag:s30] =	ssyncset.done $0x0  }
0x4da: {  	s25 =	sadd.s32 $0x2E00, s0;
	s26 =	simm.s32 $0x7000;
	[sflag:s30] =	ssyncadd.s32 $0xFFFFF000  }
0x4db: {  	[tilespmem:s26], [sflag:$0x2] =	stream.linear.gather [hbm4b:s25+s3], $0x1000, $0x38;
	[tilespmem:$0x18000] =	vst v63  }
0x4dc: {  	_ =	swait.ge [sflag:s30], $0x1000  }
0x4dd: {  	[sflag:s30] =	ssyncset.done $0x0  }
0x4de: {  	s28 =	sadd.s32 $0x3000, s0;
	s29 =	simm.s32 $0x8000;
	[sflag:s30] =	ssyncadd.s32 $0xFFFFF000  }
0x4df: {  	[tilespmem:s29], [sflag:$0x2] =	stream.linear.gather [hbm4b:s28+s3], $0x1000, $0x38;
	[tilespmem:$0x18000] =	vst v63  }
0x4e0: {  	_ =	swait.ge [sflag:s30], $0x1000  }
0x4e1: {  	[sflag:s30] =	ssyncset.done $0x0  }
0x4e2: {  	s2 =	sadd.s32 $0x3200, s0;
	s22 =	simm.s32 $0x9000;
	[sflag:s30] =	ssyncadd.s32 $0xFFFFF000  }
0x4e3: {  	[tilespmem:s22], [sflag:$0x2] =	stream.linear.gather [hbm4b:s2+s3], $0x1000, $0x38;
	[tilespmem:$0x18000] =	vst v63  }
0x4e4: {  	_ =	swait.ge [sflag:s30], $0x1000  }
0x4e5: {  	[sflag:s30] =	ssyncset.done $0x0  }
0x4e6: {  	s25 =	sadd.s32 $0x3400, s0;
	s26 =	simm.s32 $0xA000;
	[sflag:s30] =	ssyncadd.s32 $0xFFFFF000  }
0x4e7: {  	[tilespmem:s26], [sflag:$0x2] =	stream.linear.gather [hbm4b:s25+s3], $0x1000, $0x38;
	[tilespmem:$0x18000] =	vst v63  }
0x4e8: {  	_ =	swait.ge [sflag:s30], $0x1000  }
0x4e9: {  	[sflag:s30] =	ssyncset.done $0x0  }
0x4ea: {  	s28 =	sadd.s32 $0x3600, s0;
	s29 =	simm.s32 $0xB000;
	[sflag:s30] =	ssyncadd.s32 $0xFFFFF000  }
0x4eb: {  	[tilespmem:s29], [sflag:$0x2] =	stream.linear.gather [hbm4b:s28+s3], $0x1000, $0x38;
	[tilespmem:$0x18000] =	vst v63  }
0x4ec: {  	_ =	swait.ge [sflag:s30], $0x1000  }
0x4ed: {  	[sflag:s30] =	ssyncset.done $0x0  }
0x4ee: {  	s22 =	sadd.s32 $0x3800, s0;
	s25 =	simm.s32 $0xC000;
	[sflag:s30] =	ssyncadd.s32 $0xFFFFF000  }
0x4ef: {  	[tilespmem:s25], [sflag:$0x2] =	stream.linear.gather [hbm4b:s22+s3], $0x1000, $0x38;
	[tilespmem:$0x18000] =	vst v63  }
0x4f0: {  	_ =	swait.ge [sflag:s30], $0x1000  }
0x4f1: {  	[sflag:s30] =	ssyncset.done $0x0  }
0x4f2: {  	s26 =	sadd.s32 $0x3A00, s0;
	s28 =	simm.s32 $0xD000;
	[sflag:s30] =	ssyncadd.s32 $0xFFFFF000  }
0x4f3: {  	[tilespmem:s28], [sflag:$0x2] =	stream.linear.gather [hbm4b:s26+s3], $0x1000, $0x38;
	[tilespmem:$0x18000] =	vst v63  }
0x4f4: {  	_ =	swait.ge [sflag:s30], $0x1000  }
0x4f5: {  	[sflag:s30] =	ssyncset.done $0x0  }
0x4f6: {  	s29 =	sadd.s32 $0x3C00, s0;
	[sflag:s30] =	ssyncadd.s32 $0xFFFFF000  }
0x4f7: {  	[tilespmem:s5], [sflag:$0x2] =	stream.linear.gather [hbm4b:s29+s3], $0x1000, $0x38;
	[tilespmem:$0x18000] =	vst v63  }
.Ltmp46:
0x4f8: {  	_ = 	snop;
	(pc) =	sbr.rel .LBB2_5-.Ltmp46, $4  }
0x4f9: {  	_ =	swait.ge [sflag:s30], $0x1000  }
0x4fa: {  	[sflag:s30] =	ssyncset.done $0x0  }
0x4fb: {  	s31 =	sadd.s32 $0x1, s31;
	s0 =	sadd.s32 $0x3E00, s0;
	[sflag:s30] =	ssyncadd.s32 $0xFFFFF000  }
0x4fc: {  	[tilespmem:s6], [sflag:$0x2] =	stream.linear.gather [hbm4b:s0+s3], $0x1000, $0x38;
	[tilespmem:$0x18000] =	vst v63  }
.LBB2_90:
0x4fd: {  	_ =	sfence.sel $0x180000  }
0x4fe: {  	[bflag:$0x0] =	sbarrier.arrive $0xFFFF  }
0x4ff: {  	_ =	strace $0x9000004A  }
0x500: {  	s0 =	stileid.u32;
	[bflag:$0x2] =	sbarrier.arrive $0xFFFF  }
0x501: {  	p0 =	sne.s32 s0, $0x0;
	s0 =	rddreg [dreg:$0x2]  }
0x502: {  	s0 =	sadd.s32 @!p0 $0x100000, s0  }
0x503: {  	[sflag:s0] =	ssyncadd.tile.s32 @!p0 $0x1;
	_ =	shalt  }
.Lfunc_end2:
_tile_overlayer_lowered:
.L_overlay_start_2:
0x504: {  	(tag) =	ssettag $0x2  }
0x505: {  	s0 =	rddreg [dreg:$0x0];
	s2 =	stileid.u32  }
0x506: {  	s1 =	rddreg [dreg:$0x1];
	p0 =	sne.s32 s2, $0x0  }
0x507: {  	s3 =	rddreg [dreg:$0x2];
	[bflag:$0x3] =	sbarrier.arrive $0xFFFF;
	s2 =	simm.s32 @!p0 $0x1C03  }
0x508: {  	[timem:s3], [sflag:s2] =	dma.local @!p0 [hbm:s0], s1  }
0x509: {  	s0 =	simm.s32 @!p0 $0x3  }
0x50a: {  	_ =	swait.ge @!p0 [sflag:s0], s1  }
0x50b: {  	s1 =	ssub.s32 @!p0 $0x0, s1;
	[sflag:s0] =	ssyncset.done @!p0 $0x0  }
0x50c: {  	[sflag:s0] =	ssyncadd.s32 @!p0 s1  }
0x50d: {  	[bflag:$0x3] =	sbarrier.arrive $0xFFFF  }
0x50e: {  	_ =	shalt  }

// kernel: sparse-core-data-format-call.cloned.1.call-start
scs
called_computation_lowered:
.L_overlay_start_0:
0x0: {  	s2 =	sld [smem:$0x3FD9]  }
0x1: {  	s3 =	sld [smem:$0x3FFE];
	_ =	sdelay $0x1  }
0x2: {  	s1 =	srdreg.scid  }
0x3: {  	s0 =	sand.u32 $0x1, s1  }
0x4: {  	s19 =	sshll.u32 s0, $0xA;
	s2 =	sadd.s32 s3, s2  }
0x5: {  	s2 =	sadd.s32 s2, s19  }
0x6: {  	[smem:$0x3FC7] =	sst s2  }
0x7: {  	_ = 	snop  }
0x8: {  	s2 =	sld [smem:$0x3FC9]  }
0x9: {  	s20 =	sld [smem:$0x3FD0];
	(tm) =	ssettm $0x1  }
0xa: {  	s4 =	sld [smem:$0x3FFB];
	_ =	sdelay $0x3  }
0xb: {  	_ =	strace s4  }
0xc: {  	s4 =	sld [smem:$0x3FFC];
	_ =	sdelay $0x3  }
0xd: {  	_ =	strace s4  }
0xe: {  	s4 =	sld [smem:$0x3FFD];
	_ =	sdelay $0x3  }
0xf: {  	_ =	strace s4  }
0x10: {  	_ =	strace $0x8FFFFFFF  }
0x11: {  	s21 =	sld [smem:$0x3FDB];
	_ =	sdelay $0x1  }
0x12: {  	s5 =	simm.s32 $_scs_section_size  }
0x13: {  	s6 =	simm.s32 $_size__tile_overlayer_lowered;
	s7 =	simm.s32 $_tile_overlayer_lowered  }
0x14: {  	s24 =	simm.s32 $0x1BFF;
	s23 =	sshll.u32 s7, $0x1;
	s4 =	sadd.s32 s5, s21  }
0x15: {  	s8 =	simm.s32 $0x0;
	s22 =	sshll.u32 s6, $0x1;
	s6 =	sadd.s32 s23, s4  }
0x16: {  	[timem:s8], [sflag:s24] =	dma.local [hbm:s6], s22  }
0x17: {  	_ =	swait.ge [sflag:s24], s22  }
0x18: {  	s5 =	ssub.s32 $0x0, s22;
	[sflag:s24] =	ssyncset.done $0x0  }
0x19: {  	[sflag:s24] =	ssyncadd.s32 s5;
	_ =	sdelay $0x1  }
0x1a: {  	s25 =	simm.s32 $0x1B8B  }
0x1b: {  	_ =	swait.ge [sflag:s25], $0x1  }
0x1c: {  	[sflag:s25] =	ssyncset.done $0x0  }
0x1d: {  	s26 =	simm.s32 $0x1B8E;
	[sflag:s25] =	ssyncadd.s32 $0xFFFFFFFF  }
0x1e: {  	s27 =	simm.s32 $execute0_lowered;
	[smem:$0x3FD2] =	sst s26  }
0x1f: {  	s5 =	sshll.u32 s27, $0x1;
	_ =	strace $0x80000046;
	[dreg:$0x1] =	wrdreg $0xFFFFFFFF  }
0x20: {  	s28 =	simm.s32 $_size_execute0_lowered;
	s4 =	sadd.s32 s4, s5;
	[dreg:$0x0] =	wrdreg $0x0  }
0x21: {  	s5 =	sshll.u32 s28, $0x1;
	[dreg:$0x2] =	wrdreg s4  }
0x22: {  	[dreg:$0x3] =	wrdreg s5  }
0x23: {  	[dreg:$0x4] =	wrdreg $0xC0  }
0x24: {  	_ =	task [dreg:s8], $0x5FFFF  }
0x25: {  	[dreg:$0x1] =	wrdreg $0xFFFFFFFF  }
0x26: {  	[dreg:$0x0] =	wrdreg $0x60  }
0x27: {  	[dreg:$0x2] =	wrdreg s2  }
0x28: {  	[dreg:$0x3] =	wrdreg s20  }
0x29: {  	[dreg:$0x4] =	wrdreg $0x9  }
0x2a: {  	_ =	task.clear_ibuf [dreg:s8], $0x5FFFF;
	_ =	strace $0x90000046  }
0x2b: {  	s29 =	simm.s32 $0x9;
	_ =	strace $0x80000048  }
0x2c: {  	_ =	swait.ge [sflag:s29], $0x1  }
0x2d: {  	[sflag:s29] =	ssyncadd.s32 $0xFFFFFFFF  }
0x2e: {  	_ =	strace $0x90000048  }
0x2f: {  	_ =	sfence  }
0x30: {  	s30 =	sld [smem:$0x0];
	_ =	sdelay $0x2  }
0x31: {  	s31 =	sshll.u32 s1, $0xD;
	s1 =	sshrl.u32 s1, $0x2  }
0x32: {  	s3 =	sand.u32 $0x4000, s31;
	s1 =	sadd.s32 s1, s30  }
0x33: {  	s0 =	sor.u32 s3, s0;
	s1 =	sshll.u32 s1, $0x11  }
0x34: {  	s0 =	sor.u32 s1, s0  }
0x35: {  	s0 =	sadd.s32 $0x8F2B, s0  }
0x36: {  	[sflag:s0] =	ssyncadd.remote.s32 $0x1  }
0x37: {  	_ =	sfence.sel $0xFFFF  }
0x38: {  	[dreg:$0x0] =	wrdreg $0xFFFFFFFF;
	(pc) =	sbr.abs _section_cstart, $3  }
0x39: {  	[dreg:$0x1] =	wrdreg $0xFFFFFFFF  }
0x3a: {  	_ =	task.clear_ibuf [dreg:s8], $0x2FFFF;
	_ =	strace $0x9FFFFFFF  }
0x3b: {  	(tm) =	ssettm $0x7FFFFFFF  }
tec
execute0_lowered:
.L_overlay_start_1:
0x0: {  	(tag) =	ssettag $0x1  }
0x1: {  	s2 =	rddreg [dreg:$0x0]  }
0x2: {  	s3 =	rddreg [dreg:$0x1]  }
0x3: {  	s0 =	rddreg [dreg:$0x2];
	_ =	strace $0x80000047  }
0x4: {  	s4 =	srdreg.scid;
	s1 =	stileid.u32;
	s6 =	simm.s32 $0x2  }
.Ltmp0:
0x5: {  	s11 =	simm.s32 $0x0;
	p0 =	por $0x0, $0x0;
	(pc) =	sbr.rel .LBB1_1-.Ltmp0, $4  }
0x6: {  	s7 =	simm.s32 $0x1000;
	s12 =	simm.s32 $0x0;
	s5 =	sshll.u32 s4, $0x4  }
0x7: {  	s9 =	simm.s32 $0x0;
	s4 =	simm.s32 $0x1;
	s5 =	sand.u32 $0x10, s5  }
0x8: {  	s8 =	simm.s32 $0x0;
	[sflag:s4] =	ssyncpa.u1 $0x0;
	s5 =	sor.u32 s1, s5  }
0x9: {  	[sflag:s6] =	ssyncpa.u1 $0x0;
	s6 =	simm.s32 $0x800;
	s10 =	smov.u32 s5  }
.LBB1_7:
0xa: {  	s13 =	sadd.s32 $0x10, s9  }
0xb: {  	s11 =	sadd.s32 $0x20, s10;
	s15 =	smov.u32 s10;
	p2 =	sgt.s32 s13, $0x1F  }
0xc: {  	p1 =	slt.u32 s8, $0x2;
	s15 =	smov.u32 @p2 s11  }
0xd: {  	s8 =	sadd.s32 $0x1, s8;
	s13 =	simm.s32 @p2 $0x0;
	p2 =	sgt.s32 s15, $0x1FF  }
0xe: {  	s15 =	smov.u32 @p2 s5;
	p2 =	sne.s32 s8, $0x22  }
.Ltmp1:
0xf: {  	_ = 	snop;
	(pc) =	sbr.rel @!p2 .LBB1_8-.Ltmp1, $4  }
0x10: {  	s14 =	simm.s32 @!p1 $0x2  }
0x11: {  	s12 =	smov.u32 s10;
	_ =	swait.ge @!p1 [sflag:s14], $0x4000  }
0x12: {  	p0 =	por !p0, !p0;
	s11 =	smov.u32 s9;
	[sflag:s14] =	ssyncset.done @!p1 $0x0  }
0x13: {  	s9 =	smov.u32 s13;
	[sflag:s14] =	ssyncadd.s32 @!p1 $0xFFFFC000;
	s10 =	smov.u32 s15  }
.LBB1_1:
0x14: {  	p1 =	sgt.u32 s8, $0x1F  }
0x15: {  	s13 =	sxor.u32 @!p1 $0xFFFFFFFF, s8;
	s14 =	sshll.u32 @!p1 s10, $0xC  }
0x16: {  	s15 =	sshll.u32 @!p1 s9, $0x7;
	s13 =	sshll.u32 @!p1 s13, $0xE;
	s14 =	sadd.s32 @!p1 s2, s14  }
0x17: {  	s13 =	sand.u32 @!p1 $0x4000, s13;
	s14 =	sadd.s32 @!p1 s15, s14;
	s15 =	simm.s32 @!p1 $0x0  }
0x18: {  	[tilespmem:s13], [sflag:$0x1] =	stream.linear.gather @!p1 [hbm4b:s14+s15], $0x4000, $0x38;
	[tilespmem:$0x10000] =	vst v63  }
0x19: {  	p1 =	seq.s32 s8, $0x0  }
0x1a: {  	p2 =	seq.s32 @!p1 s8, $0x21  }
0x1b: {  	p1 =	por p1, p2  }
.Ltmp2:
0x1c: {  	_ = 	snop;
	(pc) =	sbr.rel @p1 .LBB1_7-.Ltmp2, $1  }
0x1d: {  	_ =	sdelay $0x3  }
0x1e: {  	s13 =	simm.s32 $0x1;
	_ =	swait.ge [sflag:s4], $0x4000;
	s16 =	sshll.u32 s8, $0xE  }
0x1f: {  	s13 =	simm.s32 @!p0 $0x0;
	[sflag:s4] =	ssyncset.done $0x0;
	s31 =	sand.u32 $0x4000, s16  }
0x20: {  	s16 =	simm.s32 $0x0;
	s14 =	sshll.u32 s13, $0xE;
	[sflag:s4] =	ssyncadd.s32 $0xFFFFC000  }
0x21: {  	s13 =	sor.u32 $0x8040, s14;
	s15 =	sor.u32 $0x40, s14;
	s14 =	sor.u32 $0x8000, s31  }
.LBB1_3:
0x22: {  	v0 =	vmov s15;
	_ =	sdelay $0x3  }
0x23: {  	s18 =	simm.s32 $0x0  }
0x24: {  	v6 =	vld.idx.msk [tilespmem:v0+s18+$0x30 ss:$0x1], $0xffff  }
0x25: {  	v7 =	vld.idx.msk [tilespmem:v0+s18+$0xFFFFFFC0 ss:$0x1], $0xffff  }
0x26: {  	v5 =	vld.idx.msk [tilespmem:v0+s18+$0xFFFFFFD0 ss:$0x1], $0xffff  }
0x27: {  	v4 =	vld.idx.msk [tilespmem:v0+s18+$0xFFFFFFE0 ss:$0x1], $0xffff  }
0x28: {  	v3 =	vld.idx.msk [tilespmem:v0+s18+$0xFFFFFFF0 ss:$0x1], $0xffff  }
0x29: {  	v1 =	vld.idx.msk [tilespmem:v0+s18+$0x0 ss:$0x1], $0xffff  }
0x2a: {  	v2 =	vld.idx.msk [tilespmem:v0+s18+$0x10 ss:$0x1], $0xffff;
	[tilespmem:s13+$0x30] =	vst v6  }
0x2b: {  	s17 =	simm.s32 $0x80;
	s19 =	simm.s32 $0x400;
	[tilespmem:s13+$0xFFFFFFC0] =	vst v7;
	v6 =	vld.idx.msk [tilespmem:v0+s18+$0x20 ss:$0x1], $0xffff;
	s18 =	smov.u32 s13  }
.LBB1_4:
0x2c: {  	p1 =	sne.s32 s19, $0xE00;
	v7 =	vld.idx.msk [tilespmem:v0+s17+$0x30 ss:$0x1], $0xffff;
	[tilespmem:s18+$0xFFFFFFD0] =	vst v5  }
0x2d: {  	v8 =	vld.idx.msk [tilespmem:v0+s17+$0xFFFFFFC0 ss:$0x1], $0xffff;
	[tilespmem:s18+$0xFFFFFFE0] =	vst v4  }
0x2e: {  	v5 =	vld.idx.msk [tilespmem:v0+s17+$0xFFFFFFD0 ss:$0x1], $0xffff;
	[tilespmem:s18+$0xFFFFFFF0] =	vst v3  }
.Ltmp3:
0x2f: {  	v4 =	vld.idx.msk [tilespmem:v0+s17+$0xFFFFFFE0 ss:$0x1], $0xffff;
	[tilespmem:s18+$0x0] =	vst v1;
	(pc) =	sbr.rel @p1 .LBB1_4-.Ltmp3, $4  }
0x30: {  	v3 =	vld.idx.msk [tilespmem:v0+s17+$0xFFFFFFF0 ss:$0x1], $0xffff;
	[tilespmem:s18+$0x10] =	vst v2  }
0x31: {  	v1 =	vld.idx.msk [tilespmem:v0+s17+$0x0 ss:$0x1], $0xffff;
	[tilespmem:s18+$0x20] =	vst v6;
	s18 =	sadd.s32 $0x800, s18  }
0x32: {  	v2 =	vld.idx.msk [tilespmem:v0+s17+$0x10 ss:$0x1], $0xffff;
	[tilespmem:s18+$0x30] =	vst v7  }
0x33: {  	[tilespmem:s18+$0xFFFFFFC0] =	vst v8;
	v6 =	vld.idx.msk [tilespmem:v0+s17+$0x20 ss:$0x1], $0xffff;
	s17 =	sshra.s32 s19, $0x2;
	s19 =	sadd.s32 $0x200, s19  }
0x34: {  	_ =	sdelay $0x2  }
0x35: {  	[tilespmem:s18+$0xFFFFFFD0] =	vst v5  }
0x36: {  	v56 =	vld.idx.msk [tilespmem:v0+s17+$0x30 ss:$0x1], $0xffff;
	[tilespmem:s18+$0xFFFFFFE0] =	vst v4  }
0x37: {  	v57 =	vld.idx.msk [tilespmem:v0+s17+$0xFFFFFFC0 ss:$0x1], $0xffff;
	[tilespmem:s18+$0xFFFFFFF0] =	vst v3  }
0x38: {  	v58 =	vld.idx.msk [tilespmem:v0+s17+$0xFFFFFFD0 ss:$0x1], $0xffff;
	[tilespmem:s18+$0x0] =	vst v1  }
0x39: {  	v59 =	vld.idx.msk [tilespmem:v0+s17+$0xFFFFFFE0 ss:$0x1], $0xffff;
	[tilespmem:s18+$0x10] =	vst v2  }
0x3a: {  	v60 =	vld.idx.msk [tilespmem:v0+s17+$0xFFFFFFF0 ss:$0x1], $0xffff;
	s31 =	sadd.s32 $0x800, s18;
	[tilespmem:s18+$0x20] =	vst v6  }
0x3b: {  	v61 =	vld.idx.msk [tilespmem:v0+s17+$0x0 ss:$0x1], $0xffff;
	[tilespmem:s31+$0x30] =	vst v56  }
0x3c: {  	v62 =	vld.idx.msk [tilespmem:v0+s17+$0x10 ss:$0x1], $0xffff;
	s16 =	sadd.s32 $0x1, s16;
	[tilespmem:s31+$0xFFFFFFC0] =	vst v57  }
0x3d: {  	v63 =	vld.idx.msk [tilespmem:v0+s17+$0x20 ss:$0x1], $0xffff;
	p1 =	sne.s32 s16, $0x10;
	[tilespmem:s31+$0xFFFFFFD0] =	vst v58  }
.Ltmp4:
0x3e: {  	[tilespmem:s31+$0xFFFFFFE0] =	vst v59;
	(pc) =	sbr.rel @p1 .LBB1_3-.Ltmp4, $4  }
0x3f: {  	[tilespmem:s31+$0xFFFFFFF0] =	vst v60  }
0x40: {  	[tilespmem:s31+$0x0] =	vst v61  }
0x41: {  	[tilespmem:s31+$0x10] =	vst v62  }
0x42: {  	s13 =	sadd.s32 $0x80, s13;
	s15 =	sadd.s32 $0x400, s15;
	[tilespmem:s31+$0x20] =	vst v63  }
.Ltmp5:
0x43: {  	(pc) =	sbr.rel .LBB1_7-.Ltmp5, $4  }
0x44: {  	s12 =	sshll.u32 s12, $0xC;
	s11 =	sshll.u32 s11, $0x4  }
0x45: {  	s11 =	sand.u32 $0x1F0, s11;
	s12 =	sadd.s32 s3, s12  }
0x46: {  	s11 =	sadd.s32 s11, s12  }
0x47: {  	[hbm4b:s11+s6] =	stream.strided.scatter [tilespmem:s14], [sflag:$0x2], $0x4000, s7, s6, $0x38;
	[tilespmem:$0x10000] =	vst v63  }
.LBB1_8:
0x48: {  	_ =	sfence.sel $0x180000  }
0x49: {  	s2 =	simm.s32 $0x1;
	[bflag:$0x0] =	sbarrier.arrive $0xFFFF  }
0x4a: {  	s31 =	simm.s32 $0x2;
	[sflag:s2] =	ssyncpa.u1 $0x1  }
0x4b: {  	[sflag:s31] =	ssyncpa.u1 $0x1  }
0x4c: {  	p0 =	sne.s32 s1, $0x0;
	_ =	strace $0x90000047  }
0x4d: {  	s0 =	sadd.s32 @!p0 $0x100000, s0;
	[bflag:$0x2] =	sbarrier.arrive $0xFFFF  }
0x4e: {  	[sflag:s0] =	ssyncadd.tile.s32 @!p0 $0x1;
	_ =	shalt  }
.Lfunc_end1:
_tile_overlayer_lowered:
.L_overlay_start_2:
0x4f: {  	(tag) =	ssettag $0x2  }
0x50: {  	s0 =	rddreg [dreg:$0x0];
	s2 =	stileid.u32  }
0x51: {  	s1 =	rddreg [dreg:$0x1];
	p0 =	sne.s32 s2, $0x0  }
0x52: {  	s3 =	rddreg [dreg:$0x2];
	[bflag:$0x3] =	sbarrier.arrive $0xFFFF;
	s2 =	simm.s32 @!p0 $0x1C01  }
0x53: {  	[timem:s3], [sflag:s2] =	dma.local @!p0 [hbm:s0], s1  }
0x54: {  	s0 =	simm.s32 @!p0 $0x1  }
0x55: {  	_ =	swait.ge @!p0 [sflag:s0], s1  }
0x56: {  	s1 =	ssub.s32 @!p0 $0x0, s1;
	[sflag:s0] =	ssyncset.done @!p0 $0x0  }
0x57: {  	[sflag:s0] =	ssyncadd.s32 @!p0 s1  }
0x58: {  	[bflag:$0x3] =	sbarrier.arrive $0xFFFF  }
0x59: {  	_ =	shalt  }

</sc_bundles>
